<compile_context>
chip_gen: v7x
topology: tpu7x:2x2x1
jax: 0.10.2.dev20260603
libtpu: 0.0.44.dev20260713+nightly
codegen_flags: <defaults>
</compile_context>

<pallas_src>
import functools

import jax
import jax.numpy as jnp
from jax import lax
from jax.experimental import pallas as pl
from jax.experimental.pallas import tpu as pltpu
from jax.experimental.pallas import tpu_sc as plsc

N = 10000
FEATS = 128
HID = 64
CLASSES = 128

NC = 2
NS = 16
NW = NC * NS
CH = 128

NP = 10240
RPT = NP // NS

_mesh = plsc.VectorSubcoreMesh(core_axis_name="c", subcore_axis_name="s")


def _deg_body(src_hbm, dst_hbm, ones_hbm, zd_hbm, dego_hbm, degi_hbm,
              src_v, dst_v, ones_v, zbuf_v, dego_sh, degi_sh):
    nchunk = src_v.shape[0]
    c = lax.axis_index("c")
    s = lax.axis_index("s")
    wid = c * NS + s
    pltpu.sync_copy(ones_hbm, ones_v)
    pltpu.sync_copy(zd_hbm, zbuf_v)
    pltpu.sync_copy(zbuf_v, dego_sh.at[pl.ds(s * RPT, RPT)])
    pltpu.sync_copy(zbuf_v, degi_sh.at[pl.ds(s * RPT, RPT)])
    pltpu.sync_copy(src_hbm.at[wid], src_v)
    pltpu.sync_copy(dst_hbm.at[wid], dst_v)
    plsc.subcore_barrier()

    def body(j, carry):
        pltpu.sync_copy(ones_v, dego_sh.at[src_v.at[j]], add=True)
        pltpu.sync_copy(ones_v, degi_sh.at[dst_v.at[j]], add=True)
        return carry

    lax.fori_loop(0, nchunk, body, 0)
    plsc.subcore_barrier()
    pltpu.sync_copy(dego_sh.at[pl.ds(s * RPT, RPT)], zbuf_v)
    pltpu.sync_copy(zbuf_v, dego_hbm.at[c, pl.ds(s * RPT, RPT)])
    pltpu.sync_copy(degi_sh.at[pl.ds(s * RPT, RPT)], zbuf_v)
    pltpu.sync_copy(zbuf_v, degi_hbm.at[c, pl.ds(s * RPT, RPT)])


def _agg_body(hs_hbm, src_hbm, dst_hbm, z_hbm, out_hbm,
              src_v, dst_v, r0_v, zbuf_v, acc_sh, semg):
    nchunk = src_v.shape[0]
    c = lax.axis_index("c")
    s = lax.axis_index("s")
    wid = c * NS + s
    q = RPT // 4
    pltpu.sync_copy(z_hbm, zbuf_v)
    for t in range(4):
        pltpu.sync_copy(zbuf_v, acc_sh.at[pl.ds(s * RPT + t * q, q)])
    pltpu.sync_copy(src_hbm.at[wid], src_v)
    pltpu.sync_copy(dst_hbm.at[wid], dst_v)
    plsc.subcore_barrier()

    def body(j, carry):
        pltpu.async_copy(hs_hbm.at[src_v.at[j]], r0_v, semg).wait()
        pltpu.sync_copy(r0_v, acc_sh.at[dst_v.at[j]], add=True)
        return carry

    lax.fori_loop(0, nchunk, body, 0)
    plsc.subcore_barrier()
    for t in range(4):
        pltpu.sync_copy(acc_sh.at[pl.ds(s * RPT + t * q, q)], zbuf_v)
        pltpu.sync_copy(zbuf_v, out_hbm.at[c, pl.ds(s * RPT + t * q, q)])


def _deg_call(src_p, dst_p, ones8, z8):
    nchunk = src_p.shape[1]
    f = pl.kernel(
        _deg_body,
        out_type=(jax.ShapeDtypeStruct((NC, NP, 8), jnp.float32),
                  jax.ShapeDtypeStruct((NC, NP, 8), jnp.float32)),
        mesh=_mesh,
        scratch_types=[
            pltpu.VMEM((nchunk, CH), jnp.int32),
            pltpu.VMEM((nchunk, CH), jnp.int32),
            pltpu.VMEM((CH, 8), jnp.float32),
            pltpu.VMEM((RPT, 8), jnp.float32),
            pltpu.VMEM_SHARED((NP, 8), jnp.float32),
            pltpu.VMEM_SHARED((NP, 8), jnp.float32),
        ],
        compiler_params=pltpu.CompilerParams(use_tc_tiling_on_sc=False),
    )
    return f(src_p, dst_p, ones8, z8)


@functools.lru_cache(maxsize=None)
def _agg_kernel(nchunk):
    return pl.kernel(
        _agg_body,
        out_type=jax.ShapeDtypeStruct((NC, NP, HID), jnp.float32),
        mesh=_mesh,
        scratch_types=[
            pltpu.VMEM((nchunk, CH), jnp.int32),
            pltpu.VMEM((nchunk, CH), jnp.int32),
            pltpu.VMEM((CH, HID), jnp.float32),
            pltpu.VMEM((RPT // 4, HID), jnp.float32),
            pltpu.VMEM_SHARED((NP, HID), jnp.float32),
            pltpu.SemaphoreType.DMA,
        ],
        compiler_params=pltpu.CompilerParams(use_tc_tiling_on_sc=False),
    )


def _agg_call(hs, src_p, dst_p, z64):
    return _agg_kernel(src_p.shape[1])(hs, src_p, dst_p, z64)



_ROWS = 1024


def _l1_body(x_ref, w_ref, b_ref, dego_ref, h_ref, hs_ref):
    z = jnp.dot(x_ref[...], w_ref[...], preferred_element_type=jnp.float32)
    h = jnp.maximum(z + b_ref[...][None, :], 0.0)
    dsum = dego_ref[0, :, 0:1] + dego_ref[1, :, 0:1]
    dout = lax.rsqrt(jnp.maximum(dsum, 1.0))
    h_ref[...] = h
    hs_ref[...] = h * dout


def _mid_body(h_ref, p_ref, degi_ref, dego_ref, wt_ref, wb_ref, b_ref,
              h2_ref, hs2_ref):
    dsum_i = degi_ref[0, :, 0:1] + degi_ref[1, :, 0:1]
    din = lax.rsqrt(jnp.maximum(dsum_i, 1.0))
    g = (p_ref[0] + p_ref[1]) * din
    z = (jnp.dot(h_ref[...], wt_ref[...], preferred_element_type=jnp.float32)
         + jnp.dot(g, wb_ref[...], preferred_element_type=jnp.float32))
    h2 = jnp.maximum(z + b_ref[...][None, :], 0.0)
    dsum_o = dego_ref[0, :, 0:1] + dego_ref[1, :, 0:1]
    dout = lax.rsqrt(jnp.maximum(dsum_o, 1.0))
    h2_ref[...] = h2
    hs2_ref[...] = h2 * dout


def _fin_body(h_ref, p_ref, degi_ref, wt_ref, wb_ref, b_ref, o_ref):
    dsum_i = degi_ref[0, :, 0:1] + degi_ref[1, :, 0:1]
    din = lax.rsqrt(jnp.maximum(dsum_i, 1.0))
    g = (p_ref[0] + p_ref[1]) * din
    z = (jnp.dot(h_ref[...], wt_ref[...], preferred_element_type=jnp.float32)
         + jnp.dot(g, wb_ref[...], preferred_element_type=jnp.float32))
    o_ref[...] = jnp.maximum(z + b_ref[...][None, :], 0.0)


def _row_spec(width):
    return pl.BlockSpec((_ROWS, width), lambda i: (i, 0))


def _pair_spec(width):
    return pl.BlockSpec((NC, _ROWS, width), lambda i: (0, i, 0))


def _full_spec(shape):
    nd = len(shape)
    return pl.BlockSpec(shape, lambda i: (0,) * nd)


def _l1_call(x_pad, W1, b1, dego):
    grid = NP // _ROWS
    return pl.pallas_call(
        _l1_body,
        grid=(grid,),
        in_specs=[_row_spec(FEATS), _full_spec(W1.shape), _full_spec(b1.shape),
                  _pair_spec(8)],
        out_specs=[_row_spec(HID), _row_spec(HID)],
        out_shape=[jax.ShapeDtypeStruct((NP, HID), jnp.float32),
                   jax.ShapeDtypeStruct((NP, HID), jnp.float32)],
        compiler_params=pltpu.CompilerParams(
            dimension_semantics=("parallel",)),
    )(x_pad, W1, b1, dego)


def _mid_call(h, p, degi, dego, Wt, Wb, b):
    grid = NP // _ROWS
    return pl.pallas_call(
        _mid_body,
        grid=(grid,),
        in_specs=[_row_spec(HID), _pair_spec(HID), _pair_spec(8),
                  _pair_spec(8), _full_spec(Wt.shape), _full_spec(Wb.shape),
                  _full_spec(b.shape)],
        out_specs=[_row_spec(HID), _row_spec(HID)],
        out_shape=[jax.ShapeDtypeStruct((NP, HID), jnp.float32),
                   jax.ShapeDtypeStruct((NP, HID), jnp.float32)],
        compiler_params=pltpu.CompilerParams(
            dimension_semantics=("parallel",)),
    )(h, p, degi, dego, Wt, Wb, b)


def _fin_call(h, p, degi, Wt, Wb, b):
    grid = NP // _ROWS
    return pl.pallas_call(
        _fin_body,
        grid=(grid,),
        in_specs=[_row_spec(HID), _pair_spec(HID), _pair_spec(8),
                  _full_spec(Wt.shape), _full_spec(Wb.shape),
                  _full_spec(b.shape)],
        out_specs=_row_spec(CLASSES),
        out_shape=jax.ShapeDtypeStruct((NP, CLASSES), jnp.float32),
        compiler_params=pltpu.CompilerParams(
            dimension_semantics=("parallel",)),
    )(h, p, degi, Wt, Wb, b)


def kernel(x, edges, W1, b1, W2, b2, W3, b3, W4, b4):
    E = edges.shape[1]
    ep = ((E + NW * CH - 1) // (NW * CH)) * (NW * CH)
    src = edges[0].astype(jnp.int32)
    dst = edges[1].astype(jnp.int32)
    if ep > E:
        padv = jnp.full((ep - E,), NP - 1, jnp.int32)
        src = jnp.concatenate([src, padv])
        dst = jnp.concatenate([dst, padv])
    src_p = src.reshape(NW, ep // (NW * CH), CH)
    dst_p = dst.reshape(NW, ep // (NW * CH), CH)
    x_pad = jnp.zeros((NP, FEATS), jnp.float32).at[:N].set(x)
    ones8 = jnp.ones((CH, 8), jnp.float32)
    z8 = jnp.zeros((RPT, 8), jnp.float32)
    z64 = jnp.zeros((RPT // 4, HID), jnp.float32)

    dego, degi = _deg_call(src_p, dst_p, ones8, z8)
    h, hs = _l1_call(x_pad, W1, b1, dego)
    p = _agg_call(hs, src_p, dst_p, z64)
    h, hs = _mid_call(h, p, degi, dego, W2[:HID], W2[HID:], b2)
    p = _agg_call(hs, src_p, dst_p, z64)
    h, hs = _mid_call(h, p, degi, dego, W3[:HID], W3[HID:], b3)
    p = _agg_call(hs, src_p, dst_p, z64)
    out = _fin_call(h, p, degi, W4[:HID], W4[HID:], b4)
    return out[:N]

# --- scband reference (transcript-rebuilt; emitter-appended) ---
"""Pipeline reference for scband-mpnn-36721970380951 (READ-ONLY COPY).

The authoritative reference and input builder live on the scoring server;
editing this copy changes nothing except your own understanding.
"""

import jax, jax.numpy as jnp
import numpy as np

N = 10000
E = 320000
FEATS = 128
HID = 64
CLASSES = 128


def graph_conv(x, edges):
    # GCN-style symmetric-normalized aggregation (no learned weights, no self-loops)
    src = edges[0]
    dst = edges[1]
    deg_out = jnp.clip(jnp.zeros((N,), jnp.float32).at[src].add(1.0), 1.0, None)
    deg_in = jnp.clip(jnp.zeros((N,), jnp.float32).at[dst].add(1.0), 1.0, None)
    norm = jax.lax.rsqrt(deg_out[src] * deg_in[dst])
    msg = x[src] * norm[:, None]
    out = jnp.zeros((N, x.shape[1]), x.dtype).at[dst].add(msg)
    return out


def setup_inputs(seed: int = 0) -> dict:
    key = jax.random.key(seed)
    ks = jax.random.split(key, 10)
    x = jax.random.normal(ks[0], (N, FEATS), jnp.float32)
    edges = jax.random.randint(ks[1], (2, E), 0, N, dtype=jnp.int64)
    W1 = jax.random.normal(ks[2], (FEATS, HID), jnp.float32) * 0.05
    b1 = jnp.zeros((HID,), jnp.float32)
    W2 = jax.random.normal(ks[3], (2 * HID, HID), jnp.float32) * 0.05
    b2 = jnp.zeros((HID,), jnp.float32)
    W3 = jax.random.normal(ks[4], (2 * HID, HID), jnp.float32) * 0.05
    b3 = jnp.zeros((HID,), jnp.float32)
    W4 = jax.random.normal(ks[5], (2 * HID, CLASSES), jnp.float32) * 0.05
    b4 = jnp.zeros((CLASSES,), jnp.float32)
    return {"x": x, "edges": edges, "W1": W1, "b1": b1, "W2": W2, "b2": b2, "W3": W3, "b3": b3, "W4": W4, "b4": b4}


def reference(x, edges, W1, b1, W2, b2, W3, b3, W4, b4):
    # Eval mode: all dropouts are identity.
    h = jax.nn.relu(x @ W1 + b1)
    h = jax.nn.relu(jnp.concatenate([h, graph_conv(h, edges)], axis=1) @ W2 + b2)
    h = jax.nn.relu(jnp.concatenate([h, graph_conv(h, edges)], axis=1) @ W3 + b3)
    out = jax.nn.relu(jnp.concatenate([h, graph_conv(h, edges)], axis=1) @ W4 + b4)
    return out

if __name__ == "__main__":
    import jax
    _d = setup_inputs()
    print(jax.jit(kernel)(*tuple(_d.values())))

</pallas_src>

<mosaic_0001>
#map = affine_map<(d0, d1) -> (0, 0)>
#map1 = affine_map<(d0, d1) -> (0, 0, 0)>
module attributes {stable_mosaic.version = 14 : i64} {
  func.func @_agg_body(%arg0: i32, %arg1: i32, %arg2: memref<10240x64xf32, #tpu.memory_space<hbm>>, %arg3: memref<32x79x128xi32, #tpu.memory_space<hbm>>, %arg4: memref<32x79x128xi32, #tpu.memory_space<hbm>>, %arg5: memref<160x64xf32, #tpu.memory_space<hbm>>, %arg6: memref<2x10240x64xf32, #tpu.memory_space<hbm>>, %arg7: memref<79x128xi32, #tpu.memory_space<vmem>>, %arg8: memref<79x128xi32, #tpu.memory_space<vmem>>, %arg9: memref<128x64xf32, #tpu.memory_space<vmem>>, %arg10: memref<160x64xf32, #tpu.memory_space<vmem>>, %arg11: memref<10240x64xf32, #tpu.memory_space<vmem_shared>>, %arg12: memref<!tpu.dma_semaphore, #tpu.memory_space<semaphore_mem>>) attributes {dimension_semantics = [#tpu.dimension_semantics<core_parallel>, #tpu.dimension_semantics<subcore_parallel>], iteration_bounds = array<i64: 2, 16>, scalar_prefetch = 0 : i64, scratch_operands = 6 : i64, tpu.core_type = #tpu.core_type<sc_vector_subcore>, window_params = [{transform_indices = #map}, {transform_indices = #map1}, {transform_indices = #map1}, {transform_indices = #map}, {transform_indices = #map1}]} {
    %mul3A = arith.constant 16 : i32
    %mul3A_0 = arith.muli %arg0, %mul3A : i32
    %add3A = arith.addi %mul3A_0, %arg1 : i32
    "tpu.region"() ({
      %run_scoped3A = tpu.sem_alloc : memref<!tpu.dma_semaphore, #tpu.memory_space<semaphore_mem>>
      tpu.enqueue_dma source(%arg5 : memref<160x64xf32, #tpu.memory_space<hbm>>) target(%arg10 : memref<160x64xf32, #tpu.memory_space<vmem>>) target_semaphore(%run_scoped3A : memref<!tpu.dma_semaphore, #tpu.memory_space<semaphore_mem>>)
      tpu.wait_dma2 semaphore(%run_scoped3A : memref<!tpu.dma_semaphore, #tpu.memory_space<semaphore_mem>>) src(%arg5 : memref<160x64xf32, #tpu.memory_space<hbm>>) dst(%arg10 : memref<160x64xf32, #tpu.memory_space<vmem>>)
      tpu.yield
    }) : () -> ()
    %mul3A_1 = arith.constant 640 : i32
    %mul3A_2 = arith.muli %arg1, %mul3A_1 : i32
    %add3A_3 = arith.constant 0 : i32
    %add3A_4 = arith.addi %mul3A_2, %add3A_3 : i32
    "tpu.region"() ({
      %run_scoped3A = tpu.sem_alloc : memref<!tpu.dma_semaphore, #tpu.memory_space<semaphore_mem>>
      %dma_start3A = arith.constant 0 : i32
      %dma_start3A_55 = tpu.memref_slice %arg11[%add3A_4, %dma_start3A] : memref<10240x64xf32, #tpu.memory_space<vmem_shared>> -> memref<160x64xf32, #tpu.memory_space<vmem_shared>>
      %dma_start3A_56 = arith.constant 0 : i32
      %dma_start3A_57 = tpu.memref_slice %arg11[%add3A_4, %dma_start3A_56] : memref<10240x64xf32, #tpu.memory_space<vmem_shared>> -> memref<160x64xf32, #tpu.memory_space<vmem_shared>>
      tpu.enqueue_dma source(%arg10 : memref<160x64xf32, #tpu.memory_space<vmem>>) target(%dma_start3A_57 : memref<160x64xf32, #tpu.memory_space<vmem_shared>>) target_semaphore(%run_scoped3A : memref<!tpu.dma_semaphore, #tpu.memory_space<semaphore_mem>>)
      %dma_wait3A = arith.constant 0 : i32
      %dma_wait3A_58 = tpu.memref_slice %arg11[%add3A_4, %dma_wait3A] : memref<10240x64xf32, #tpu.memory_space<vmem_shared>> -> memref<160x64xf32, #tpu.memory_space<vmem_shared>>
      %dma_wait3A_59 = arith.constant 0 : i32
      %dma_wait3A_60 = tpu.memref_slice %arg11[%add3A_4, %dma_wait3A_59] : memref<10240x64xf32, #tpu.memory_space<vmem_shared>> -> memref<160x64xf32, #tpu.memory_space<vmem_shared>>
      tpu.wait_dma2 semaphore(%run_scoped3A : memref<!tpu.dma_semaphore, #tpu.memory_space<semaphore_mem>>) src(%arg10 : memref<160x64xf32, #tpu.memory_space<vmem>>) dst(%dma_wait3A_60 : memref<160x64xf32, #tpu.memory_space<vmem_shared>>)
      tpu.yield
    }) : () -> ()
    %mul3A_5 = arith.constant 640 : i32
    %mul3A_6 = arith.muli %arg1, %mul3A_5 : i32
    %add3A_7 = arith.constant 160 : i32
    %add3A_8 = arith.addi %mul3A_6, %add3A_7 : i32
    "tpu.region"() ({
      %run_scoped3A = tpu.sem_alloc : memref<!tpu.dma_semaphore, #tpu.memory_space<semaphore_mem>>
      %dma_start3A = arith.constant 0 : i32
      %dma_start3A_55 = tpu.memref_slice %arg11[%add3A_8, %dma_start3A] : memref<10240x64xf32, #tpu.memory_space<vmem_shared>> -> memref<160x64xf32, #tpu.memory_space<vmem_shared>>
      %dma_start3A_56 = arith.constant 0 : i32
      %dma_start3A_57 = tpu.memref_slice %arg11[%add3A_8, %dma_start3A_56] : memref<10240x64xf32, #tpu.memory_space<vmem_shared>> -> memref<160x64xf32, #tpu.memory_space<vmem_shared>>
      tpu.enqueue_dma source(%arg10 : memref<160x64xf32, #tpu.memory_space<vmem>>) target(%dma_start3A_57 : memref<160x64xf32, #tpu.memory_space<vmem_shared>>) target_semaphore(%run_scoped3A : memref<!tpu.dma_semaphore, #tpu.memory_space<semaphore_mem>>)
      %dma_wait3A = arith.constant 0 : i32
      %dma_wait3A_58 = tpu.memref_slice %arg11[%add3A_8, %dma_wait3A] : memref<10240x64xf32, #tpu.memory_space<vmem_shared>> -> memref<160x64xf32, #tpu.memory_space<vmem_shared>>
      %dma_wait3A_59 = arith.constant 0 : i32
      %dma_wait3A_60 = tpu.memref_slice %arg11[%add3A_8, %dma_wait3A_59] : memref<10240x64xf32, #tpu.memory_space<vmem_shared>> -> memref<160x64xf32, #tpu.memory_space<vmem_shared>>
      tpu.wait_dma2 semaphore(%run_scoped3A : memref<!tpu.dma_semaphore, #tpu.memory_space<semaphore_mem>>) src(%arg10 : memref<160x64xf32, #tpu.memory_space<vmem>>) dst(%dma_wait3A_60 : memref<160x64xf32, #tpu.memory_space<vmem_shared>>)
      tpu.yield
    }) : () -> ()
    %mul3A_9 = arith.constant 640 : i32
    %mul3A_10 = arith.muli %arg1, %mul3A_9 : i32
    %add3A_11 = arith.constant 320 : i32
    %add3A_12 = arith.addi %mul3A_10, %add3A_11 : i32
    "tpu.region"() ({
      %run_scoped3A = tpu.sem_alloc : memref<!tpu.dma_semaphore, #tpu.memory_space<semaphore_mem>>
      %dma_start3A = arith.constant 0 : i32
      %dma_start3A_55 = tpu.memref_slice %arg11[%add3A_12, %dma_start3A] : memref<10240x64xf32, #tpu.memory_space<vmem_shared>> -> memref<160x64xf32, #tpu.memory_space<vmem_shared>>
      %dma_start3A_56 = arith.constant 0 : i32
      %dma_start3A_57 = tpu.memref_slice %arg11[%add3A_12, %dma_start3A_56] : memref<10240x64xf32, #tpu.memory_space<vmem_shared>> -> memref<160x64xf32, #tpu.memory_space<vmem_shared>>
      tpu.enqueue_dma source(%arg10 : memref<160x64xf32, #tpu.memory_space<vmem>>) target(%dma_start3A_57 : memref<160x64xf32, #tpu.memory_space<vmem_shared>>) target_semaphore(%run_scoped3A : memref<!tpu.dma_semaphore, #tpu.memory_space<semaphore_mem>>)
      %dma_wait3A = arith.constant 0 : i32
      %dma_wait3A_58 = tpu.memref_slice %arg11[%add3A_12, %dma_wait3A] : memref<10240x64xf32, #tpu.memory_space<vmem_shared>> -> memref<160x64xf32, #tpu.memory_space<vmem_shared>>
      %dma_wait3A_59 = arith.constant 0 : i32
      %dma_wait3A_60 = tpu.memref_slice %arg11[%add3A_12, %dma_wait3A_59] : memref<10240x64xf32, #tpu.memory_space<vmem_shared>> -> memref<160x64xf32, #tpu.memory_space<vmem_shared>>
      tpu.wait_dma2 semaphore(%run_scoped3A : memref<!tpu.dma_semaphore, #tpu.memory_space<semaphore_mem>>) src(%arg10 : memref<160x64xf32, #tpu.memory_space<vmem>>) dst(%dma_wait3A_60 : memref<160x64xf32, #tpu.memory_space<vmem_shared>>)
      tpu.yield
    }) : () -> ()
    %mul3A_13 = arith.constant 640 : i32
    %mul3A_14 = arith.muli %arg1, %mul3A_13 : i32
    %add3A_15 = arith.constant 480 : i32
    %add3A_16 = arith.addi %mul3A_14, %add3A_15 : i32
    "tpu.region"() ({
      %run_scoped3A = tpu.sem_alloc : memref<!tpu.dma_semaphore, #tpu.memory_space<semaphore_mem>>
      %dma_start3A = arith.constant 0 : i32
      %dma_start3A_55 = tpu.memref_slice %arg11[%add3A_16, %dma_start3A] : memref<10240x64xf32, #tpu.memory_space<vmem_shared>> -> memref<160x64xf32, #tpu.memory_space<vmem_shared>>
      %dma_start3A_56 = arith.constant 0 : i32
      %dma_start3A_57 = tpu.memref_slice %arg11[%add3A_16, %dma_start3A_56] : memref<10240x64xf32, #tpu.memory_space<vmem_shared>> -> memref<160x64xf32, #tpu.memory_space<vmem_shared>>
      tpu.enqueue_dma source(%arg10 : memref<160x64xf32, #tpu.memory_space<vmem>>) target(%dma_start3A_57 : memref<160x64xf32, #tpu.memory_space<vmem_shared>>) target_semaphore(%run_scoped3A : memref<!tpu.dma_semaphore, #tpu.memory_space<semaphore_mem>>)
      %dma_wait3A = arith.constant 0 : i32
      %dma_wait3A_58 = tpu.memref_slice %arg11[%add3A_16, %dma_wait3A] : memref<10240x64xf32, #tpu.memory_space<vmem_shared>> -> memref<160x64xf32, #tpu.memory_space<vmem_shared>>
      %dma_wait3A_59 = arith.constant 0 : i32
      %dma_wait3A_60 = tpu.memref_slice %arg11[%add3A_16, %dma_wait3A_59] : memref<10240x64xf32, #tpu.memory_space<vmem_shared>> -> memref<160x64xf32, #tpu.memory_space<vmem_shared>>
      tpu.wait_dma2 semaphore(%run_scoped3A : memref<!tpu.dma_semaphore, #tpu.memory_space<semaphore_mem>>) src(%arg10 : memref<160x64xf32, #tpu.memory_space<vmem>>) dst(%dma_wait3A_60 : memref<160x64xf32, #tpu.memory_space<vmem_shared>>)
      tpu.yield
    }) : () -> ()
    "tpu.region"() ({
      %run_scoped3A = tpu.sem_alloc : memref<!tpu.dma_semaphore, #tpu.memory_space<semaphore_mem>>
      %dma_start3A = arith.constant 0 : i32
      %dma_start3A_55 = arith.constant 0 : i32
      %dma_start3A_56 = tpu.memref_slice %arg3[%add3A, %dma_start3A, %dma_start3A_55] : memref<32x79x128xi32, #tpu.memory_space<hbm>> -> memref<1x79x128xi32, #tpu.memory_space<hbm>>
      %dma_start3A_57 = tpu.memref_squeeze %dma_start3A_56 : memref<1x79x128xi32, #tpu.memory_space<hbm>> -> memref<79x128xi32, #tpu.memory_space<hbm>>
      %dma_start3A_58 = arith.constant 0 : i32
      %dma_start3A_59 = arith.constant 0 : i32
      %dma_start3A_60 = tpu.memref_slice %arg3[%add3A, %dma_start3A_58, %dma_start3A_59] : memref<32x79x128xi32, #tpu.memory_space<hbm>> -> memref<1x79x128xi32, #tpu.memory_space<hbm>>
      %dma_start3A_61 = tpu.memref_squeeze %dma_start3A_60 : memref<1x79x128xi32, #tpu.memory_space<hbm>> -> memref<79x128xi32, #tpu.memory_space<hbm>>
      tpu.enqueue_dma source(%dma_start3A_61 : memref<79x128xi32, #tpu.memory_space<hbm>>) target(%arg7 : memref<79x128xi32, #tpu.memory_space<vmem>>) target_semaphore(%run_scoped3A : memref<!tpu.dma_semaphore, #tpu.memory_space<semaphore_mem>>)
      %dma_wait3A = arith.constant 0 : i32
      %dma_wait3A_62 = arith.constant 0 : i32
      %dma_wait3A_63 = tpu.memref_slice %arg3[%add3A, %dma_wait3A, %dma_wait3A_62] : memref<32x79x128xi32, #tpu.memory_space<hbm>> -> memref<1x79x128xi32, #tpu.memory_space<hbm>>
      %dma_wait3A_64 = tpu.memref_squeeze %dma_wait3A_63 : memref<1x79x128xi32, #tpu.memory_space<hbm>> -> memref<79x128xi32, #tpu.memory_space<hbm>>
      %dma_wait3A_65 = arith.constant 0 : i32
      %dma_wait3A_66 = arith.constant 0 : i32
      %dma_wait3A_67 = tpu.memref_slice %arg3[%add3A, %dma_wait3A_65, %dma_wait3A_66] : memref<32x79x128xi32, #tpu.memory_space<hbm>> -> memref<1x79x128xi32, #tpu.memory_space<hbm>>
      %dma_wait3A_68 = tpu.memref_squeeze %dma_wait3A_67 : memref<1x79x128xi32, #tpu.memory_space<hbm>> -> memref<79x128xi32, #tpu.memory_space<hbm>>
      tpu.wait_dma2 semaphore(%run_scoped3A : memref<!tpu.dma_semaphore, #tpu.memory_space<semaphore_mem>>) src(%dma_wait3A_68 : memref<79x128xi32, #tpu.memory_space<hbm>>) dst(%arg7 : memref<79x128xi32, #tpu.memory_space<vmem>>)
      tpu.yield
    }) : () -> ()
    "tpu.region"() ({
      %run_scoped3A = tpu.sem_alloc : memref<!tpu.dma_semaphore, #tpu.memory_space<semaphore_mem>>
      %dma_start3A = arith.constant 0 : i32
      %dma_start3A_55 = arith.constant 0 : i32
      %dma_start3A_56 = tpu.memref_slice %arg4[%add3A, %dma_start3A, %dma_start3A_55] : memref<32x79x128xi32, #tpu.memory_space<hbm>> -> memref<1x79x128xi32, #tpu.memory_space<hbm>>
      %dma_start3A_57 = tpu.memref_squeeze %dma_start3A_56 : memref<1x79x128xi32, #tpu.memory_space<hbm>> -> memref<79x128xi32, #tpu.memory_space<hbm>>
      %dma_start3A_58 = arith.constant 0 : i32
      %dma_start3A_59 = arith.constant 0 : i32
      %dma_start3A_60 = tpu.memref_slice %arg4[%add3A, %dma_start3A_58, %dma_start3A_59] : memref<32x79x128xi32, #tpu.memory_space<hbm>> -> memref<1x79x128xi32, #tpu.memory_space<hbm>>
      %dma_start3A_61 = tpu.memref_squeeze %dma_start3A_60 : memref<1x79x128xi32, #tpu.memory_space<hbm>> -> memref<79x128xi32, #tpu.memory_space<hbm>>
      tpu.enqueue_dma source(%dma_start3A_61 : memref<79x128xi32, #tpu.memory_space<hbm>>) target(%arg8 : memref<79x128xi32, #tpu.memory_space<vmem>>) target_semaphore(%run_scoped3A : memref<!tpu.dma_semaphore, #tpu.memory_space<semaphore_mem>>)
      %dma_wait3A = arith.constant 0 : i32
      %dma_wait3A_62 = arith.constant 0 : i32
      %dma_wait3A_63 = tpu.memref_slice %arg4[%add3A, %dma_wait3A, %dma_wait3A_62] : memref<32x79x128xi32, #tpu.memory_space<hbm>> -> memref<1x79x128xi32, #tpu.memory_space<hbm>>
      %dma_wait3A_64 = tpu.memref_squeeze %dma_wait3A_63 : memref<1x79x128xi32, #tpu.memory_space<hbm>> -> memref<79x128xi32, #tpu.memory_space<hbm>>
      %dma_wait3A_65 = arith.constant 0 : i32
      %dma_wait3A_66 = arith.constant 0 : i32
      %dma_wait3A_67 = tpu.memref_slice %arg4[%add3A, %dma_wait3A_65, %dma_wait3A_66] : memref<32x79x128xi32, #tpu.memory_space<hbm>> -> memref<1x79x128xi32, #tpu.memory_space<hbm>>
      %dma_wait3A_68 = tpu.memref_squeeze %dma_wait3A_67 : memref<1x79x128xi32, #tpu.memory_space<hbm>> -> memref<79x128xi32, #tpu.memory_space<hbm>>
      tpu.wait_dma2 semaphore(%run_scoped3A : memref<!tpu.dma_semaphore, #tpu.memory_space<semaphore_mem>>) src(%dma_wait3A_68 : memref<79x128xi32, #tpu.memory_space<hbm>>) dst(%arg8 : memref<79x128xi32, #tpu.memory_space<vmem>>)
      tpu.yield
    }) : () -> ()
    %barrier3A = arith.constant 0 : index
    tpu.barrier barrier_id(%barrier3A)
    %scan3A = arith.constant 0 : i32
    %scan3A_17 = arith.constant 0 : i32
    %scan3A_18 = arith.constant 79 : i32
    %scan3A_19 = arith.addi %scan3A_17, %scan3A_18 : i32
    %scan3A_20 = arith.constant 1 : i32
    scf.for %scan3A_55 = %scan3A_17 to %scan3A_19 step %scan3A_20  : i32 {
      %dma_start3A = arith.constant 0 : i32
      %dma_start3A_56 = tpu.memref_slice %arg7[%scan3A_55, %dma_start3A] : memref<79x128xi32, #tpu.memory_space<vmem>> -> memref<1x128xi32, #tpu.memory_space<vmem>>
      %dma_start3A_57 = tpu.memref_squeeze %dma_start3A_56 : memref<1x128xi32, #tpu.memory_space<vmem>> -> memref<128xi32, #tpu.memory_space<vmem>>
      %dma_start3A_58 = arith.constant 0 : i32
      %dma_start3A_59 = arith.constant 0 : i32
      %dma_start3A_60 = tpu.memref_slice %arg2[%dma_start3A_58, %dma_start3A_59] : memref<10240x64xf32, #tpu.memory_space<hbm>> -> memref<10240x64xf32, #tpu.memory_space<hbm>>
      tpu.enqueue_indirect_dma source(%dma_start3A_60 : memref<10240x64xf32, #tpu.memory_space<hbm>>) target(%arg9 : memref<128x64xf32, #tpu.memory_space<vmem>>) offsets(%dma_start3A_57 : memref<128xi32, #tpu.memory_space<vmem>>) semaphore(%arg12 : memref<!tpu.dma_semaphore, #tpu.memory_space<semaphore_mem>>)
      %dma_wait3A = arith.constant 0 : i32
      %dma_wait3A_61 = tpu.memref_slice %arg7[%scan3A_55, %dma_wait3A] : memref<79x128xi32, #tpu.memory_space<vmem>> -> memref<1x128xi32, #tpu.memory_space<vmem>>
      %dma_wait3A_62 = tpu.memref_squeeze %dma_wait3A_61 : memref<1x128xi32, #tpu.memory_space<vmem>> -> memref<128xi32, #tpu.memory_space<vmem>>
      %dma_wait3A_63 = arith.constant 0 : i32
      %dma_wait3A_64 = arith.constant 0 : i32
      %dma_wait3A_65 = tpu.memref_slice %arg2[%dma_wait3A_63, %dma_wait3A_64] : memref<10240x64xf32, #tpu.memory_space<hbm>> -> memref<10240x64xf32, #tpu.memory_space<hbm>>
      tpu.wait_indirect_dma semaphore(%arg12 : memref<!tpu.dma_semaphore, #tpu.memory_space<semaphore_mem>>) src(%dma_wait3A_65 : memref<10240x64xf32, #tpu.memory_space<hbm>>) dst(%arg9 : memref<128x64xf32, #tpu.memory_space<vmem>>)
      "tpu.region"() ({
        %run_scoped3A = tpu.sem_alloc : memref<!tpu.dma_semaphore, #tpu.memory_space<semaphore_mem>>
        %dma_start3A_66 = arith.constant 0 : i32
        %dma_start3A_67 = tpu.memref_slice %arg8[%scan3A_55, %dma_start3A_66] : memref<79x128xi32, #tpu.memory_space<vmem>> -> memref<1x128xi32, #tpu.memory_space<vmem>>
        %dma_start3A_68 = tpu.memref_squeeze %dma_start3A_67 : memref<1x128xi32, #tpu.memory_space<vmem>> -> memref<128xi32, #tpu.memory_space<vmem>>
        %dma_start3A_69 = arith.constant 0 : i32
        %dma_start3A_70 = arith.constant 0 : i32
        %dma_start3A_71 = tpu.memref_slice %arg11[%dma_start3A_69, %dma_start3A_70] : memref<10240x64xf32, #tpu.memory_space<vmem_shared>> -> memref<10240x64xf32, #tpu.memory_space<vmem_shared>>
        tpu.enqueue_indirect_dma source(%arg9 : memref<128x64xf32, #tpu.memory_space<vmem>>) target(%dma_start3A_71 : memref<10240x64xf32, #tpu.memory_space<vmem_shared>>) offsets(%dma_start3A_68 : memref<128xi32, #tpu.memory_space<vmem>>) semaphore(%run_scoped3A : memref<!tpu.dma_semaphore, #tpu.memory_space<semaphore_mem>>) {add = true}
        %dma_wait3A_72 = arith.constant 0 : i32
        %dma_wait3A_73 = tpu.memref_slice %arg8[%scan3A_55, %dma_wait3A_72] : memref<79x128xi32, #tpu.memory_space<vmem>> -> memref<1x128xi32, #tpu.memory_space<vmem>>
        %dma_wait3A_74 = tpu.memref_squeeze %dma_wait3A_73 : memref<1x128xi32, #tpu.memory_space<vmem>> -> memref<128xi32, #tpu.memory_space<vmem>>
        %dma_wait3A_75 = arith.constant 0 : i32
        %dma_wait3A_76 = arith.constant 0 : i32
        %dma_wait3A_77 = tpu.memref_slice %arg11[%dma_wait3A_75, %dma_wait3A_76] : memref<10240x64xf32, #tpu.memory_space<vmem_shared>> -> memref<10240x64xf32, #tpu.memory_space<vmem_shared>>
        tpu.wait_indirect_dma semaphore(%run_scoped3A : memref<!tpu.dma_semaphore, #tpu.memory_space<semaphore_mem>>) src(%arg9 : memref<128x64xf32, #tpu.memory_space<vmem>>) dst(%dma_wait3A_77 : memref<10240x64xf32, #tpu.memory_space<vmem_shared>>)
        tpu.yield
      }) : () -> ()
    }
    %scan3A_21 = arith.constant 79 : i32
    %barrier3A_22 = arith.constant 0 : index
    tpu.barrier barrier_id(%barrier3A_22)
    %mul3A_23 = arith.constant 640 : i32
    %mul3A_24 = arith.muli %arg1, %mul3A_23 : i32
    %add3A_25 = arith.constant 0 : i32
    %add3A_26 = arith.addi %mul3A_24, %add3A_25 : i32
    "tpu.region"() ({
      %run_scoped3A = tpu.sem_alloc : memref<!tpu.dma_semaphore, #tpu.memory_space<semaphore_mem>>
      %dma_start3A = arith.constant 0 : i32
      %dma_start3A_55 = tpu.memref_slice %arg11[%add3A_26, %dma_start3A] : memref<10240x64xf32, #tpu.memory_space<vmem_shared>> -> memref<160x64xf32, #tpu.memory_space<vmem_shared>>
      %dma_start3A_56 = arith.constant 0 : i32
      %dma_start3A_57 = tpu.memref_slice %arg11[%add3A_26, %dma_start3A_56] : memref<10240x64xf32, #tpu.memory_space<vmem_shared>> -> memref<160x64xf32, #tpu.memory_space<vmem_shared>>
      tpu.enqueue_dma source(%dma_start3A_57 : memref<160x64xf32, #tpu.memory_space<vmem_shared>>) target(%arg10 : memref<160x64xf32, #tpu.memory_space<vmem>>) target_semaphore(%run_scoped3A : memref<!tpu.dma_semaphore, #tpu.memory_space<semaphore_mem>>)
      %dma_wait3A = arith.constant 0 : i32
      %dma_wait3A_58 = tpu.memref_slice %arg11[%add3A_26, %dma_wait3A] : memref<10240x64xf32, #tpu.memory_space<vmem_shared>> -> memref<160x64xf32, #tpu.memory_space<vmem_shared>>
      %dma_wait3A_59 = arith.constant 0 : i32
      %dma_wait3A_60 = tpu.memref_slice %arg11[%add3A_26, %dma_wait3A_59] : memref<10240x64xf32, #tpu.memory_space<vmem_shared>> -> memref<160x64xf32, #tpu.memory_space<vmem_shared>>
      tpu.wait_dma2 semaphore(%run_scoped3A : memref<!tpu.dma_semaphore, #tpu.memory_space<semaphore_mem>>) src(%dma_wait3A_60 : memref<160x64xf32, #tpu.memory_space<vmem_shared>>) dst(%arg10 : memref<160x64xf32, #tpu.memory_space<vmem>>)
      tpu.yield
    }) : () -> ()
    %mul3A_27 = arith.constant 640 : i32
    %mul3A_28 = arith.muli %arg1, %mul3A_27 : i32
    %add3A_29 = arith.constant 0 : i32
    %add3A_30 = arith.addi %mul3A_28, %add3A_29 : i32
    "tpu.region"() ({
      %run_scoped3A = tpu.sem_alloc : memref<!tpu.dma_semaphore, #tpu.memory_space<semaphore_mem>>
      %dma_start3A = arith.constant 0 : i32
      %dma_start3A_55 = tpu.memref_slice %arg6[%arg0, %add3A_30, %dma_start3A] : memref<2x10240x64xf32, #tpu.memory_space<hbm>> -> memref<1x160x64xf32, #tpu.memory_space<hbm>>
      %dma_start3A_56 = tpu.memref_squeeze %dma_start3A_55 : memref<1x160x64xf32, #tpu.memory_space<hbm>> -> memref<160x64xf32, #tpu.memory_space<hbm>>
      %dma_start3A_57 = arith.constant 0 : i32
      %dma_start3A_58 = tpu.memref_slice %arg6[%arg0, %add3A_30, %dma_start3A_57] : memref<2x10240x64xf32, #tpu.memory_space<hbm>> -> memref<1x160x64xf32, #tpu.memory_space<hbm>>
      %dma_start3A_59 = tpu.memref_squeeze %dma_start3A_58 : memref<1x160x64xf32, #tpu.memory_space<hbm>> -> memref<160x64xf32, #tpu.memory_space<hbm>>
      tpu.enqueue_dma source(%arg10 : memref<160x64xf32, #tpu.memory_space<vmem>>) target(%dma_start3A_59 : memref<160x64xf32, #tpu.memory_space<hbm>>) target_semaphore(%run_scoped3A : memref<!tpu.dma_semaphore, #tpu.memory_space<semaphore_mem>>)
      %dma_wait3A = arith.constant 0 : i32
      %dma_wait3A_60 = tpu.memref_slice %arg6[%arg0, %add3A_30, %dma_wait3A] : memref<2x10240x64xf32, #tpu.memory_space<hbm>> -> memref<1x160x64xf32, #tpu.memory_space<hbm>>
      %dma_wait3A_61 = tpu.memref_squeeze %dma_wait3A_60 : memref<1x160x64xf32, #tpu.memory_space<hbm>> -> memref<160x64xf32, #tpu.memory_space<hbm>>
      %dma_wait3A_62 = arith.constant 0 : i32
      %dma_wait3A_63 = tpu.memref_slice %arg6[%arg0, %add3A_30, %dma_wait3A_62] : memref<2x10240x64xf32, #tpu.memory_space<hbm>> -> memref<1x160x64xf32, #tpu.memory_space<hbm>>
      %dma_wait3A_64 = tpu.memref_squeeze %dma_wait3A_63 : memref<1x160x64xf32, #tpu.memory_space<hbm>> -> memref<160x64xf32, #tpu.memory_space<hbm>>
      tpu.wait_dma2 semaphore(%run_scoped3A : memref<!tpu.dma_semaphore, #tpu.memory_space<semaphore_mem>>) src(%arg10 : memref<160x64xf32, #tpu.memory_space<vmem>>) dst(%dma_wait3A_64 : memref<160x64xf32, #tpu.memory_space<hbm>>)
      tpu.yield
    }) : () -> ()
    %mul3A_31 = arith.constant 640 : i32
    %mul3A_32 = arith.muli %arg1, %mul3A_31 : i32
    %add3A_33 = arith.constant 160 : i32
    %add3A_34 = arith.addi %mul3A_32, %add3A_33 : i32
    "tpu.region"() ({
      %run_scoped3A = tpu.sem_alloc : memref<!tpu.dma_semaphore, #tpu.memory_space<semaphore_mem>>
      %dma_start3A = arith.constant 0 : i32
      %dma_start3A_55 = tpu.memref_slice %arg11[%add3A_34, %dma_start3A] : memref<10240x64xf32, #tpu.memory_space<vmem_shared>> -> memref<160x64xf32, #tpu.memory_space<vmem_shared>>
      %dma_start3A_56 = arith.constant 0 : i32
      %dma_start3A_57 = tpu.memref_slice %arg11[%add3A_34, %dma_start3A_56] : memref<10240x64xf32, #tpu.memory_space<vmem_shared>> -> memref<160x64xf32, #tpu.memory_space<vmem_shared>>
      tpu.enqueue_dma source(%dma_start3A_57 : memref<160x64xf32, #tpu.memory_space<vmem_shared>>) target(%arg10 : memref<160x64xf32, #tpu.memory_space<vmem>>) target_semaphore(%run_scoped3A : memref<!tpu.dma_semaphore, #tpu.memory_space<semaphore_mem>>)
      %dma_wait3A = arith.constant 0 : i32
      %dma_wait3A_58 = tpu.memref_slice %arg11[%add3A_34, %dma_wait3A] : memref<10240x64xf32, #tpu.memory_space<vmem_shared>> -> memref<160x64xf32, #tpu.memory_space<vmem_shared>>
      %dma_wait3A_59 = arith.constant 0 : i32
      %dma_wait3A_60 = tpu.memref_slice %arg11[%add3A_34, %dma_wait3A_59] : memref<10240x64xf32, #tpu.memory_space<vmem_shared>> -> memref<160x64xf32, #tpu.memory_space<vmem_shared>>
      tpu.wait_dma2 semaphore(%run_scoped3A : memref<!tpu.dma_semaphore, #tpu.memory_space<semaphore_mem>>) src(%dma_wait3A_60 : memref<160x64xf32, #tpu.memory_space<vmem_shared>>) dst(%arg10 : memref<160x64xf32, #tpu.memory_space<vmem>>)
      tpu.yield
    }) : () -> ()
    %mul3A_35 = arith.constant 640 : i32
    %mul3A_36 = arith.muli %arg1, %mul3A_35 : i32
    %add3A_37 = arith.constant 160 : i32
    %add3A_38 = arith.addi %mul3A_36, %add3A_37 : i32
    "tpu.region"() ({
      %run_scoped3A = tpu.sem_alloc : memref<!tpu.dma_semaphore, #tpu.memory_space<semaphore_mem>>
      %dma_start3A = arith.constant 0 : i32
      %dma_start3A_55 = tpu.memref_slice %arg6[%arg0, %add3A_38, %dma_start3A] : memref<2x10240x64xf32, #tpu.memory_space<hbm>> -> memref<1x160x64xf32, #tpu.memory_space<hbm>>
      %dma_start3A_56 = tpu.memref_squeeze %dma_start3A_55 : memref<1x160x64xf32, #tpu.memory_space<hbm>> -> memref<160x64xf32, #tpu.memory_space<hbm>>
      %dma_start3A_57 = arith.constant 0 : i32
      %dma_start3A_58 = tpu.memref_slice %arg6[%arg0, %add3A_38, %dma_start3A_57] : memref<2x10240x64xf32, #tpu.memory_space<hbm>> -> memref<1x160x64xf32, #tpu.memory_space<hbm>>
      %dma_start3A_59 = tpu.memref_squeeze %dma_start3A_58 : memref<1x160x64xf32, #tpu.memory_space<hbm>> -> memref<160x64xf32, #tpu.memory_space<hbm>>
      tpu.enqueue_dma source(%arg10 : memref<160x64xf32, #tpu.memory_space<vmem>>) target(%dma_start3A_59 : memref<160x64xf32, #tpu.memory_space<hbm>>) target_semaphore(%run_scoped3A : memref<!tpu.dma_semaphore, #tpu.memory_space<semaphore_mem>>)
      %dma_wait3A = arith.constant 0 : i32
      %dma_wait3A_60 = tpu.memref_slice %arg6[%arg0, %add3A_38, %dma_wait3A] : memref<2x10240x64xf32, #tpu.memory_space<hbm>> -> memref<1x160x64xf32, #tpu.memory_space<hbm>>
      %dma_wait3A_61 = tpu.memref_squeeze %dma_wait3A_60 : memref<1x160x64xf32, #tpu.memory_space<hbm>> -> memref<160x64xf32, #tpu.memory_space<hbm>>
      %dma_wait3A_62 = arith.constant 0 : i32
      %dma_wait3A_63 = tpu.memref_slice %arg6[%arg0, %add3A_38, %dma_wait3A_62] : memref<2x10240x64xf32, #tpu.memory_space<hbm>> -> memref<1x160x64xf32, #tpu.memory_space<hbm>>
      %dma_wait3A_64 = tpu.memref_squeeze %dma_wait3A_63 : memref<1x160x64xf32, #tpu.memory_space<hbm>> -> memref<160x64xf32, #tpu.memory_space<hbm>>
      tpu.wait_dma2 semaphore(%run_scoped3A : memref<!tpu.dma_semaphore, #tpu.memory_space<semaphore_mem>>) src(%arg10 : memref<160x64xf32, #tpu.memory_space<vmem>>) dst(%dma_wait3A_64 : memref<160x64xf32, #tpu.memory_space<hbm>>)
      tpu.yield
    }) : () -> ()
    %mul3A_39 = arith.constant 640 : i32
    %mul3A_40 = arith.muli %arg1, %mul3A_39 : i32
    %add3A_41 = arith.constant 320 : i32
    %add3A_42 = arith.addi %mul3A_40, %add3A_41 : i32
    "tpu.region"() ({
      %run_scoped3A = tpu.sem_alloc : memref<!tpu.dma_semaphore, #tpu.memory_space<semaphore_mem>>
      %dma_start3A = arith.constant 0 : i32
      %dma_start3A_55 = tpu.memref_slice %arg11[%add3A_42, %dma_start3A] : memref<10240x64xf32, #tpu.memory_space<vmem_shared>> -> memref<160x64xf32, #tpu.memory_space<vmem_shared>>
      %dma_start3A_56 = arith.constant 0 : i32
      %dma_start3A_57 = tpu.memref_slice %arg11[%add3A_42, %dma_start3A_56] : memref<10240x64xf32, #tpu.memory_space<vmem_shared>> -> memref<160x64xf32, #tpu.memory_space<vmem_shared>>
      tpu.enqueue_dma source(%dma_start3A_57 : memref<160x64xf32, #tpu.memory_space<vmem_shared>>) target(%arg10 : memref<160x64xf32, #tpu.memory_space<vmem>>) target_semaphore(%run_scoped3A : memref<!tpu.dma_semaphore, #tpu.memory_space<semaphore_mem>>)
      %dma_wait3A = arith.constant 0 : i32
      %dma_wait3A_58 = tpu.memref_slice %arg11[%add3A_42, %dma_wait3A] : memref<10240x64xf32, #tpu.memory_space<vmem_shared>> -> memref<160x64xf32, #tpu.memory_space<vmem_shared>>
      %dma_wait3A_59 = arith.constant 0 : i32
      %dma_wait3A_60 = tpu.memref_slice %arg11[%add3A_42, %dma_wait3A_59] : memref<10240x64xf32, #tpu.memory_space<vmem_shared>> -> memref<160x64xf32, #tpu.memory_space<vmem_shared>>
      tpu.wait_dma2 semaphore(%run_scoped3A : memref<!tpu.dma_semaphore, #tpu.memory_space<semaphore_mem>>) src(%dma_wait3A_60 : memref<160x64xf32, #tpu.memory_space<vmem_shared>>) dst(%arg10 : memref<160x64xf32, #tpu.memory_space<vmem>>)
      tpu.yield
    }) : () -> ()
    %mul3A_43 = arith.constant 640 : i32
    %mul3A_44 = arith.muli %arg1, %mul3A_43 : i32
    %add3A_45 = arith.constant 320 : i32
    %add3A_46 = arith.addi %mul3A_44, %add3A_45 : i32
    "tpu.region"() ({
      %run_scoped3A = tpu.sem_alloc : memref<!tpu.dma_semaphore, #tpu.memory_space<semaphore_mem>>
      %dma_start3A = arith.constant 0 : i32
      %dma_start3A_55 = tpu.memref_slice %arg6[%arg0, %add3A_46, %dma_start3A] : memref<2x10240x64xf32, #tpu.memory_space<hbm>> -> memref<1x160x64xf32, #tpu.memory_space<hbm>>
      %dma_start3A_56 = tpu.memref_squeeze %dma_start3A_55 : memref<1x160x64xf32, #tpu.memory_space<hbm>> -> memref<160x64xf32, #tpu.memory_space<hbm>>
      %dma_start3A_57 = arith.constant 0 : i32
      %dma_start3A_58 = tpu.memref_slice %arg6[%arg0, %add3A_46, %dma_start3A_57] : memref<2x10240x64xf32, #tpu.memory_space<hbm>> -> memref<1x160x64xf32, #tpu.memory_space<hbm>>
      %dma_start3A_59 = tpu.memref_squeeze %dma_start3A_58 : memref<1x160x64xf32, #tpu.memory_space<hbm>> -> memref<160x64xf32, #tpu.memory_space<hbm>>
      tpu.enqueue_dma source(%arg10 : memref<160x64xf32, #tpu.memory_space<vmem>>) target(%dma_start3A_59 : memref<160x64xf32, #tpu.memory_space<hbm>>) target_semaphore(%run_scoped3A : memref<!tpu.dma_semaphore, #tpu.memory_space<semaphore_mem>>)
      %dma_wait3A = arith.constant 0 : i32
      %dma_wait3A_60 = tpu.memref_slice %arg6[%arg0, %add3A_46, %dma_wait3A] : memref<2x10240x64xf32, #tpu.memory_space<hbm>> -> memref<1x160x64xf32, #tpu.memory_space<hbm>>
      %dma_wait3A_61 = tpu.memref_squeeze %dma_wait3A_60 : memref<1x160x64xf32, #tpu.memory_space<hbm>> -> memref<160x64xf32, #tpu.memory_space<hbm>>
      %dma_wait3A_62 = arith.constant 0 : i32
      %dma_wait3A_63 = tpu.memref_slice %arg6[%arg0, %add3A_46, %dma_wait3A_62] : memref<2x10240x64xf32, #tpu.memory_space<hbm>> -> memref<1x160x64xf32, #tpu.memory_space<hbm>>
      %dma_wait3A_64 = tpu.memref_squeeze %dma_wait3A_63 : memref<1x160x64xf32, #tpu.memory_space<hbm>> -> memref<160x64xf32, #tpu.memory_space<hbm>>
      tpu.wait_dma2 semaphore(%run_scoped3A : memref<!tpu.dma_semaphore, #tpu.memory_space<semaphore_mem>>) src(%arg10 : memref<160x64xf32, #tpu.memory_space<vmem>>) dst(%dma_wait3A_64 : memref<160x64xf32, #tpu.memory_space<hbm>>)
      tpu.yield
    }) : () -> ()
    %mul3A_47 = arith.constant 640 : i32
    %mul3A_48 = arith.muli %arg1, %mul3A_47 : i32
    %add3A_49 = arith.constant 480 : i32
    %add3A_50 = arith.addi %mul3A_48, %add3A_49 : i32
    "tpu.region"() ({
      %run_scoped3A = tpu.sem_alloc : memref<!tpu.dma_semaphore, #tpu.memory_space<semaphore_mem>>
      %dma_start3A = arith.constant 0 : i32
      %dma_start3A_55 = tpu.memref_slice %arg11[%add3A_50, %dma_start3A] : memref<10240x64xf32, #tpu.memory_space<vmem_shared>> -> memref<160x64xf32, #tpu.memory_space<vmem_shared>>
      %dma_start3A_56 = arith.constant 0 : i32
      %dma_start3A_57 = tpu.memref_slice %arg11[%add3A_50, %dma_start3A_56] : memref<10240x64xf32, #tpu.memory_space<vmem_shared>> -> memref<160x64xf32, #tpu.memory_space<vmem_shared>>
      tpu.enqueue_dma source(%dma_start3A_57 : memref<160x64xf32, #tpu.memory_space<vmem_shared>>) target(%arg10 : memref<160x64xf32, #tpu.memory_space<vmem>>) target_semaphore(%run_scoped3A : memref<!tpu.dma_semaphore, #tpu.memory_space<semaphore_mem>>)
      %dma_wait3A = arith.constant 0 : i32
      %dma_wait3A_58 = tpu.memref_slice %arg11[%add3A_50, %dma_wait3A] : memref<10240x64xf32, #tpu.memory_space<vmem_shared>> -> memref<160x64xf32, #tpu.memory_space<vmem_shared>>
      %dma_wait3A_59 = arith.constant 0 : i32
      %dma_wait3A_60 = tpu.memref_slice %arg11[%add3A_50, %dma_wait3A_59] : memref<10240x64xf32, #tpu.memory_space<vmem_shared>> -> memref<160x64xf32, #tpu.memory_space<vmem_shared>>
      tpu.wait_dma2 semaphore(%run_scoped3A : memref<!tpu.dma_semaphore, #tpu.memory_space<semaphore_mem>>) src(%dma_wait3A_60 : memref<160x64xf32, #tpu.memory_space<vmem_shared>>) dst(%arg10 : memref<160x64xf32, #tpu.memory_space<vmem>>)
      tpu.yield
    }) : () -> ()
    %mul3A_51 = arith.constant 640 : i32
    %mul3A_52 = arith.muli %arg1, %mul3A_51 : i32
    %add3A_53 = arith.constant 480 : i32
    %add3A_54 = arith.addi %mul3A_52, %add3A_53 : i32
    "tpu.region"() ({
      %run_scoped3A = tpu.sem_alloc : memref<!tpu.dma_semaphore, #tpu.memory_space<semaphore_mem>>
      %dma_start3A = arith.constant 0 : i32
      %dma_start3A_55 = tpu.memref_slice %arg6[%arg0, %add3A_54, %dma_start3A] : memref<2x10240x64xf32, #tpu.memory_space<hbm>> -> memref<1x160x64xf32, #tpu.memory_space<hbm>>
      %dma_start3A_56 = tpu.memref_squeeze %dma_start3A_55 : memref<1x160x64xf32, #tpu.memory_space<hbm>> -> memref<160x64xf32, #tpu.memory_space<hbm>>
      %dma_start3A_57 = arith.constant 0 : i32
      %dma_start3A_58 = tpu.memref_slice %arg6[%arg0, %add3A_54, %dma_start3A_57] : memref<2x10240x64xf32, #tpu.memory_space<hbm>> -> memref<1x160x64xf32, #tpu.memory_space<hbm>>
      %dma_start3A_59 = tpu.memref_squeeze %dma_start3A_58 : memref<1x160x64xf32, #tpu.memory_space<hbm>> -> memref<160x64xf32, #tpu.memory_space<hbm>>
      tpu.enqueue_dma source(%arg10 : memref<160x64xf32, #tpu.memory_space<vmem>>) target(%dma_start3A_59 : memref<160x64xf32, #tpu.memory_space<hbm>>) target_semaphore(%run_scoped3A : memref<!tpu.dma_semaphore, #tpu.memory_space<semaphore_mem>>)
      %dma_wait3A = arith.constant 0 : i32
      %dma_wait3A_60 = tpu.memref_slice %arg6[%arg0, %add3A_54, %dma_wait3A] : memref<2x10240x64xf32, #tpu.memory_space<hbm>> -> memref<1x160x64xf32, #tpu.memory_space<hbm>>
      %dma_wait3A_61 = tpu.memref_squeeze %dma_wait3A_60 : memref<1x160x64xf32, #tpu.memory_space<hbm>> -> memref<160x64xf32, #tpu.memory_space<hbm>>
      %dma_wait3A_62 = arith.constant 0 : i32
      %dma_wait3A_63 = tpu.memref_slice %arg6[%arg0, %add3A_54, %dma_wait3A_62] : memref<2x10240x64xf32, #tpu.memory_space<hbm>> -> memref<1x160x64xf32, #tpu.memory_space<hbm>>
      %dma_wait3A_64 = tpu.memref_squeeze %dma_wait3A_63 : memref<1x160x64xf32, #tpu.memory_space<hbm>> -> memref<160x64xf32, #tpu.memory_space<hbm>>
      tpu.wait_dma2 semaphore(%run_scoped3A : memref<!tpu.dma_semaphore, #tpu.memory_space<semaphore_mem>>) src(%arg10 : memref<160x64xf32, #tpu.memory_space<vmem>>) dst(%dma_wait3A_64 : memref<160x64xf32, #tpu.memory_space<hbm>>)
      tpu.yield
    }) : () -> ()
    return
  }
}

#map = affine_map<(d0, d1) -> (0, 0, 0)>
#map1 = affine_map<(d0, d1) -> (0, 0)>
module attributes {stable_mosaic.version = 14 : i64} {
  func.func @_deg_body(%arg0: i32, %arg1: i32, %arg2: memref<32x79x128xi32, #tpu.memory_space<hbm>>, %arg3: memref<32x79x128xi32, #tpu.memory_space<hbm>>, %arg4: memref<128x8xf32, #tpu.memory_space<hbm>>, %arg5: memref<640x8xf32, #tpu.memory_space<hbm>>, %arg6: memref<2x10240x8xf32, #tpu.memory_space<hbm>>, %arg7: memref<2x10240x8xf32, #tpu.memory_space<hbm>>, %arg8: memref<79x128xi32, #tpu.memory_space<vmem>>, %arg9: memref<79x128xi32, #tpu.memory_space<vmem>>, %arg10: memref<128x8xf32, #tpu.memory_space<vmem>>, %arg11: memref<640x8xf32, #tpu.memory_space<vmem>>, %arg12: memref<10240x8xf32, #tpu.memory_space<vmem_shared>>, %arg13: memref<10240x8xf32, #tpu.memory_space<vmem_shared>>) attributes {dimension_semantics = [#tpu.dimension_semantics<core_parallel>, #tpu.dimension_semantics<subcore_parallel>], iteration_bounds = array<i64: 2, 16>, scalar_prefetch = 0 : i64, scratch_operands = 6 : i64, tpu.core_type = #tpu.core_type<sc_vector_subcore>, window_params = [{transform_indices = #map}, {transform_indices = #map}, {transform_indices = #map1}, {transform_indices = #map1}, {transform_indices = #map}, {transform_indices = #map}]} {
    %mul3A = arith.constant 16 : i32
    %mul3A_0 = arith.muli %arg0, %mul3A : i32
    %add3A = arith.addi %mul3A_0, %arg1 : i32
    "tpu.region"() ({
      %run_scoped3A = tpu.sem_alloc : memref<!tpu.dma_semaphore, #tpu.memory_space<semaphore_mem>>
      tpu.enqueue_dma source(%arg4 : memref<128x8xf32, #tpu.memory_space<hbm>>) target(%arg10 : memref<128x8xf32, #tpu.memory_space<vmem>>) target_semaphore(%run_scoped3A : memref<!tpu.dma_semaphore, #tpu.memory_space<semaphore_mem>>)
      tpu.wait_dma2 semaphore(%run_scoped3A : memref<!tpu.dma_semaphore, #tpu.memory_space<semaphore_mem>>) src(%arg4 : memref<128x8xf32, #tpu.memory_space<hbm>>) dst(%arg10 : memref<128x8xf32, #tpu.memory_space<vmem>>)
      tpu.yield
    }) : () -> ()
    "tpu.region"() ({
      %run_scoped3A = tpu.sem_alloc : memref<!tpu.dma_semaphore, #tpu.memory_space<semaphore_mem>>
      tpu.enqueue_dma source(%arg5 : memref<640x8xf32, #tpu.memory_space<hbm>>) target(%arg11 : memref<640x8xf32, #tpu.memory_space<vmem>>) target_semaphore(%run_scoped3A : memref<!tpu.dma_semaphore, #tpu.memory_space<semaphore_mem>>)
      tpu.wait_dma2 semaphore(%run_scoped3A : memref<!tpu.dma_semaphore, #tpu.memory_space<semaphore_mem>>) src(%arg5 : memref<640x8xf32, #tpu.memory_space<hbm>>) dst(%arg11 : memref<640x8xf32, #tpu.memory_space<vmem>>)
      tpu.yield
    }) : () -> ()
    %mul3A_1 = arith.constant 640 : i32
    %mul3A_2 = arith.muli %arg1, %mul3A_1 : i32
    "tpu.region"() ({
      %run_scoped3A = tpu.sem_alloc : memref<!tpu.dma_semaphore, #tpu.memory_space<semaphore_mem>>
      %dma_start3A = arith.constant 0 : i32
      %dma_start3A_19 = tpu.memref_slice %arg12[%mul3A_2, %dma_start3A] : memref<10240x8xf32, #tpu.memory_space<vmem_shared>> -> memref<640x8xf32, #tpu.memory_space<vmem_shared>>
      %dma_start3A_20 = arith.constant 0 : i32
      %dma_start3A_21 = tpu.memref_slice %arg12[%mul3A_2, %dma_start3A_20] : memref<10240x8xf32, #tpu.memory_space<vmem_shared>> -> memref<640x8xf32, #tpu.memory_space<vmem_shared>>
      tpu.enqueue_dma source(%arg11 : memref<640x8xf32, #tpu.memory_space<vmem>>) target(%dma_start3A_21 : memref<640x8xf32, #tpu.memory_space<vmem_shared>>) target_semaphore(%run_scoped3A : memref<!tpu.dma_semaphore, #tpu.memory_space<semaphore_mem>>)
      %dma_wait3A = arith.constant 0 : i32
      %dma_wait3A_22 = tpu.memref_slice %arg12[%mul3A_2, %dma_wait3A] : memref<10240x8xf32, #tpu.memory_space<vmem_shared>> -> memref<640x8xf32, #tpu.memory_space<vmem_shared>>
      %dma_wait3A_23 = arith.constant 0 : i32
      %dma_wait3A_24 = tpu.memref_slice %arg12[%mul3A_2, %dma_wait3A_23] : memref<10240x8xf32, #tpu.memory_space<vmem_shared>> -> memref<640x8xf32, #tpu.memory_space<vmem_shared>>
      tpu.wait_dma2 semaphore(%run_scoped3A : memref<!tpu.dma_semaphore, #tpu.memory_space<semaphore_mem>>) src(%arg11 : memref<640x8xf32, #tpu.memory_space<vmem>>) dst(%dma_wait3A_24 : memref<640x8xf32, #tpu.memory_space<vmem_shared>>)
      tpu.yield
    }) : () -> ()
    %mul3A_3 = arith.constant 640 : i32
    %mul3A_4 = arith.muli %arg1, %mul3A_3 : i32
    "tpu.region"() ({
      %run_scoped3A = tpu.sem_alloc : memref<!tpu.dma_semaphore, #tpu.memory_space<semaphore_mem>>
      %dma_start3A = arith.constant 0 : i32
      %dma_start3A_19 = tpu.memref_slice %arg13[%mul3A_4, %dma_start3A] : memref<10240x8xf32, #tpu.memory_space<vmem_shared>> -> memref<640x8xf32, #tpu.memory_space<vmem_shared>>
      %dma_start3A_20 = arith.constant 0 : i32
      %dma_start3A_21 = tpu.memref_slice %arg13[%mul3A_4, %dma_start3A_20] : memref<10240x8xf32, #tpu.memory_space<vmem_shared>> -> memref<640x8xf32, #tpu.memory_space<vmem_shared>>
      tpu.enqueue_dma source(%arg11 : memref<640x8xf32, #tpu.memory_space<vmem>>) target(%dma_start3A_21 : memref<640x8xf32, #tpu.memory_space<vmem_shared>>) target_semaphore(%run_scoped3A : memref<!tpu.dma_semaphore, #tpu.memory_space<semaphore_mem>>)
      %dma_wait3A = arith.constant 0 : i32
      %dma_wait3A_22 = tpu.memref_slice %arg13[%mul3A_4, %dma_wait3A] : memref<10240x8xf32, #tpu.memory_space<vmem_shared>> -> memref<640x8xf32, #tpu.memory_space<vmem_shared>>
      %dma_wait3A_23 = arith.constant 0 : i32
      %dma_wait3A_24 = tpu.memref_slice %arg13[%mul3A_4, %dma_wait3A_23] : memref<10240x8xf32, #tpu.memory_space<vmem_shared>> -> memref<640x8xf32, #tpu.memory_space<vmem_shared>>
      tpu.wait_dma2 semaphore(%run_scoped3A : memref<!tpu.dma_semaphore, #tpu.memory_space<semaphore_mem>>) src(%arg11 : memref<640x8xf32, #tpu.memory_space<vmem>>) dst(%dma_wait3A_24 : memref<640x8xf32, #tpu.memory_space<vmem_shared>>)
      tpu.yield
    }) : () -> ()
    "tpu.region"() ({
      %run_scoped3A = tpu.sem_alloc : memref<!tpu.dma_semaphore, #tpu.memory_space<semaphore_mem>>
      %dma_start3A = arith.constant 0 : i32
      %dma_start3A_19 = arith.constant 0 : i32
      %dma_start3A_20 = tpu.memref_slice %arg2[%add3A, %dma_start3A, %dma_start3A_19] : memref<32x79x128xi32, #tpu.memory_space<hbm>> -> memref<1x79x128xi32, #tpu.memory_space<hbm>>
      %dma_start3A_21 = tpu.memref_squeeze %dma_start3A_20 : memref<1x79x128xi32, #tpu.memory_space<hbm>> -> memref<79x128xi32, #tpu.memory_space<hbm>>
      %dma_start3A_22 = arith.constant 0 : i32
      %dma_start3A_23 = arith.constant 0 : i32
      %dma_start3A_24 = tpu.memref_slice %arg2[%add3A, %dma_start3A_22, %dma_start3A_23] : memref<32x79x128xi32, #tpu.memory_space<hbm>> -> memref<1x79x128xi32, #tpu.memory_space<hbm>>
      %dma_start3A_25 = tpu.memref_squeeze %dma_start3A_24 : memref<1x79x128xi32, #tpu.memory_space<hbm>> -> memref<79x128xi32, #tpu.memory_space<hbm>>
      tpu.enqueue_dma source(%dma_start3A_25 : memref<79x128xi32, #tpu.memory_space<hbm>>) target(%arg8 : memref<79x128xi32, #tpu.memory_space<vmem>>) target_semaphore(%run_scoped3A : memref<!tpu.dma_semaphore, #tpu.memory_space<semaphore_mem>>)
      %dma_wait3A = arith.constant 0 : i32
      %dma_wait3A_26 = arith.constant 0 : i32
      %dma_wait3A_27 = tpu.memref_slice %arg2[%add3A, %dma_wait3A, %dma_wait3A_26] : memref<32x79x128xi32, #tpu.memory_space<hbm>> -> memref<1x79x128xi32, #tpu.memory_space<hbm>>
      %dma_wait3A_28 = tpu.memref_squeeze %dma_wait3A_27 : memref<1x79x128xi32, #tpu.memory_space<hbm>> -> memref<79x128xi32, #tpu.memory_space<hbm>>
      %dma_wait3A_29 = arith.constant 0 : i32
      %dma_wait3A_30 = arith.constant 0 : i32
      %dma_wait3A_31 = tpu.memref_slice %arg2[%add3A, %dma_wait3A_29, %dma_wait3A_30] : memref<32x79x128xi32, #tpu.memory_space<hbm>> -> memref<1x79x128xi32, #tpu.memory_space<hbm>>
      %dma_wait3A_32 = tpu.memref_squeeze %dma_wait3A_31 : memref<1x79x128xi32, #tpu.memory_space<hbm>> -> memref<79x128xi32, #tpu.memory_space<hbm>>
      tpu.wait_dma2 semaphore(%run_scoped3A : memref<!tpu.dma_semaphore, #tpu.memory_space<semaphore_mem>>) src(%dma_wait3A_32 : memref<79x128xi32, #tpu.memory_space<hbm>>) dst(%arg8 : memref<79x128xi32, #tpu.memory_space<vmem>>)
      tpu.yield
    }) : () -> ()
    "tpu.region"() ({
      %run_scoped3A = tpu.sem_alloc : memref<!tpu.dma_semaphore, #tpu.memory_space<semaphore_mem>>
      %dma_start3A = arith.constant 0 : i32
      %dma_start3A_19 = arith.constant 0 : i32
      %dma_start3A_20 = tpu.memref_slice %arg3[%add3A, %dma_start3A, %dma_start3A_19] : memref<32x79x128xi32, #tpu.memory_space<hbm>> -> memref<1x79x128xi32, #tpu.memory_space<hbm>>
      %dma_start3A_21 = tpu.memref_squeeze %dma_start3A_20 : memref<1x79x128xi32, #tpu.memory_space<hbm>> -> memref<79x128xi32, #tpu.memory_space<hbm>>
      %dma_start3A_22 = arith.constant 0 : i32
      %dma_start3A_23 = arith.constant 0 : i32
      %dma_start3A_24 = tpu.memref_slice %arg3[%add3A, %dma_start3A_22, %dma_start3A_23] : memref<32x79x128xi32, #tpu.memory_space<hbm>> -> memref<1x79x128xi32, #tpu.memory_space<hbm>>
      %dma_start3A_25 = tpu.memref_squeeze %dma_start3A_24 : memref<1x79x128xi32, #tpu.memory_space<hbm>> -> memref<79x128xi32, #tpu.memory_space<hbm>>
      tpu.enqueue_dma source(%dma_start3A_25 : memref<79x128xi32, #tpu.memory_space<hbm>>) target(%arg9 : memref<79x128xi32, #tpu.memory_space<vmem>>) target_semaphore(%run_scoped3A : memref<!tpu.dma_semaphore, #tpu.memory_space<semaphore_mem>>)
      %dma_wait3A = arith.constant 0 : i32
      %dma_wait3A_26 = arith.constant 0 : i32
      %dma_wait3A_27 = tpu.memref_slice %arg3[%add3A, %dma_wait3A, %dma_wait3A_26] : memref<32x79x128xi32, #tpu.memory_space<hbm>> -> memref<1x79x128xi32, #tpu.memory_space<hbm>>
      %dma_wait3A_28 = tpu.memref_squeeze %dma_wait3A_27 : memref<1x79x128xi32, #tpu.memory_space<hbm>> -> memref<79x128xi32, #tpu.memory_space<hbm>>
      %dma_wait3A_29 = arith.constant 0 : i32
      %dma_wait3A_30 = arith.constant 0 : i32
      %dma_wait3A_31 = tpu.memref_slice %arg3[%add3A, %dma_wait3A_29, %dma_wait3A_30] : memref<32x79x128xi32, #tpu.memory_space<hbm>> -> memref<1x79x128xi32, #tpu.memory_space<hbm>>
      %dma_wait3A_32 = tpu.memref_squeeze %dma_wait3A_31 : memref<1x79x128xi32, #tpu.memory_space<hbm>> -> memref<79x128xi32, #tpu.memory_space<hbm>>
      tpu.wait_dma2 semaphore(%run_scoped3A : memref<!tpu.dma_semaphore, #tpu.memory_space<semaphore_mem>>) src(%dma_wait3A_32 : memref<79x128xi32, #tpu.memory_space<hbm>>) dst(%arg9 : memref<79x128xi32, #tpu.memory_space<vmem>>)
      tpu.yield
    }) : () -> ()
    %barrier3A = arith.constant 0 : index
    tpu.barrier barrier_id(%barrier3A)
    %scan3A = arith.constant 0 : i32
    %scan3A_5 = arith.constant 0 : i32
    %scan3A_6 = arith.constant 79 : i32
    %scan3A_7 = arith.addi %scan3A_5, %scan3A_6 : i32
    %scan3A_8 = arith.constant 1 : i32
    scf.for %scan3A_19 = %scan3A_5 to %scan3A_7 step %scan3A_8  : i32 {
      "tpu.region"() ({
        %run_scoped3A = tpu.sem_alloc : memref<!tpu.dma_semaphore, #tpu.memory_space<semaphore_mem>>
        %dma_start3A = arith.constant 0 : i32
        %dma_start3A_20 = tpu.memref_slice %arg8[%scan3A_19, %dma_start3A] : memref<79x128xi32, #tpu.memory_space<vmem>> -> memref<1x128xi32, #tpu.memory_space<vmem>>
        %dma_start3A_21 = tpu.memref_squeeze %dma_start3A_20 : memref<1x128xi32, #tpu.memory_space<vmem>> -> memref<128xi32, #tpu.memory_space<vmem>>
        %dma_start3A_22 = arith.constant 0 : i32
        %dma_start3A_23 = arith.constant 0 : i32
        %dma_start3A_24 = tpu.memref_slice %arg12[%dma_start3A_22, %dma_start3A_23] : memref<10240x8xf32, #tpu.memory_space<vmem_shared>> -> memref<10240x8xf32, #tpu.memory_space<vmem_shared>>
        tpu.enqueue_indirect_dma source(%arg10 : memref<128x8xf32, #tpu.memory_space<vmem>>) target(%dma_start3A_24 : memref<10240x8xf32, #tpu.memory_space<vmem_shared>>) offsets(%dma_start3A_21 : memref<128xi32, #tpu.memory_space<vmem>>) semaphore(%run_scoped3A : memref<!tpu.dma_semaphore, #tpu.memory_space<semaphore_mem>>) {add = true}
        %dma_wait3A = arith.constant 0 : i32
        %dma_wait3A_25 = tpu.memref_slice %arg8[%scan3A_19, %dma_wait3A] : memref<79x128xi32, #tpu.memory_space<vmem>> -> memref<1x128xi32, #tpu.memory_space<vmem>>
        %dma_wait3A_26 = tpu.memref_squeeze %dma_wait3A_25 : memref<1x128xi32, #tpu.memory_space<vmem>> -> memref<128xi32, #tpu.memory_space<vmem>>
        %dma_wait3A_27 = arith.constant 0 : i32
        %dma_wait3A_28 = arith.constant 0 : i32
        %dma_wait3A_29 = tpu.memref_slice %arg12[%dma_wait3A_27, %dma_wait3A_28] : memref<10240x8xf32, #tpu.memory_space<vmem_shared>> -> memref<10240x8xf32, #tpu.memory_space<vmem_shared>>
        tpu.wait_indirect_dma semaphore(%run_scoped3A : memref<!tpu.dma_semaphore, #tpu.memory_space<semaphore_mem>>) src(%arg10 : memref<128x8xf32, #tpu.memory_space<vmem>>) dst(%dma_wait3A_29 : memref<10240x8xf32, #tpu.memory_space<vmem_shared>>)
        tpu.yield
      }) : () -> ()
      "tpu.region"() ({
        %run_scoped3A = tpu.sem_alloc : memref<!tpu.dma_semaphore, #tpu.memory_space<semaphore_mem>>
        %dma_start3A = arith.constant 0 : i32
        %dma_start3A_20 = tpu.memref_slice %arg9[%scan3A_19, %dma_start3A] : memref<79x128xi32, #tpu.memory_space<vmem>> -> memref<1x128xi32, #tpu.memory_space<vmem>>
        %dma_start3A_21 = tpu.memref_squeeze %dma_start3A_20 : memref<1x128xi32, #tpu.memory_space<vmem>> -> memref<128xi32, #tpu.memory_space<vmem>>
        %dma_start3A_22 = arith.constant 0 : i32
        %dma_start3A_23 = arith.constant 0 : i32
        %dma_start3A_24 = tpu.memref_slice %arg13[%dma_start3A_22, %dma_start3A_23] : memref<10240x8xf32, #tpu.memory_space<vmem_shared>> -> memref<10240x8xf32, #tpu.memory_space<vmem_shared>>
        tpu.enqueue_indirect_dma source(%arg10 : memref<128x8xf32, #tpu.memory_space<vmem>>) target(%dma_start3A_24 : memref<10240x8xf32, #tpu.memory_space<vmem_shared>>) offsets(%dma_start3A_21 : memref<128xi32, #tpu.memory_space<vmem>>) semaphore(%run_scoped3A : memref<!tpu.dma_semaphore, #tpu.memory_space<semaphore_mem>>) {add = true}
        %dma_wait3A = arith.constant 0 : i32
        %dma_wait3A_25 = tpu.memref_slice %arg9[%scan3A_19, %dma_wait3A] : memref<79x128xi32, #tpu.memory_space<vmem>> -> memref<1x128xi32, #tpu.memory_space<vmem>>
        %dma_wait3A_26 = tpu.memref_squeeze %dma_wait3A_25 : memref<1x128xi32, #tpu.memory_space<vmem>> -> memref<128xi32, #tpu.memory_space<vmem>>
        %dma_wait3A_27 = arith.constant 0 : i32
        %dma_wait3A_28 = arith.constant 0 : i32
        %dma_wait3A_29 = tpu.memref_slice %arg13[%dma_wait3A_27, %dma_wait3A_28] : memref<10240x8xf32, #tpu.memory_space<vmem_shared>> -> memref<10240x8xf32, #tpu.memory_space<vmem_shared>>
        tpu.wait_indirect_dma semaphore(%run_scoped3A : memref<!tpu.dma_semaphore, #tpu.memory_space<semaphore_mem>>) src(%arg10 : memref<128x8xf32, #tpu.memory_space<vmem>>) dst(%dma_wait3A_29 : memref<10240x8xf32, #tpu.memory_space<vmem_shared>>)
        tpu.yield
      }) : () -> ()
    }
    %scan3A_9 = arith.constant 79 : i32
    %barrier3A_10 = arith.constant 0 : index
    tpu.barrier barrier_id(%barrier3A_10)
    %mul3A_11 = arith.constant 640 : i32
    %mul3A_12 = arith.muli %arg1, %mul3A_11 : i32
    "tpu.region"() ({
      %run_scoped3A = tpu.sem_alloc : memref<!tpu.dma_semaphore, #tpu.memory_space<semaphore_mem>>
      %dma_start3A = arith.constant 0 : i32
      %dma_start3A_19 = tpu.memref_slice %arg12[%mul3A_12, %dma_start3A] : memref<10240x8xf32, #tpu.memory_space<vmem_shared>> -> memref<640x8xf32, #tpu.memory_space<vmem_shared>>
      %dma_start3A_20 = arith.constant 0 : i32
      %dma_start3A_21 = tpu.memref_slice %arg12[%mul3A_12, %dma_start3A_20] : memref<10240x8xf32, #tpu.memory_space<vmem_shared>> -> memref<640x8xf32, #tpu.memory_space<vmem_shared>>
      tpu.enqueue_dma source(%dma_start3A_21 : memref<640x8xf32, #tpu.memory_space<vmem_shared>>) target(%arg11 : memref<640x8xf32, #tpu.memory_space<vmem>>) target_semaphore(%run_scoped3A : memref<!tpu.dma_semaphore, #tpu.memory_space<semaphore_mem>>)
      %dma_wait3A = arith.constant 0 : i32
      %dma_wait3A_22 = tpu.memref_slice %arg12[%mul3A_12, %dma_wait3A] : memref<10240x8xf32, #tpu.memory_space<vmem_shared>> -> memref<640x8xf32, #tpu.memory_space<vmem_shared>>
      %dma_wait3A_23 = arith.constant 0 : i32
      %dma_wait3A_24 = tpu.memref_slice %arg12[%mul3A_12, %dma_wait3A_23] : memref<10240x8xf32, #tpu.memory_space<vmem_shared>> -> memref<640x8xf32, #tpu.memory_space<vmem_shared>>
      tpu.wait_dma2 semaphore(%run_scoped3A : memref<!tpu.dma_semaphore, #tpu.memory_space<semaphore_mem>>) src(%dma_wait3A_24 : memref<640x8xf32, #tpu.memory_space<vmem_shared>>) dst(%arg11 : memref<640x8xf32, #tpu.memory_space<vmem>>)
      tpu.yield
    }) : () -> ()
    %mul3A_13 = arith.constant 640 : i32
    %mul3A_14 = arith.muli %arg1, %mul3A_13 : i32
    "tpu.region"() ({
      %run_scoped3A = tpu.sem_alloc : memref<!tpu.dma_semaphore, #tpu.memory_space<semaphore_mem>>
      %dma_start3A = arith.constant 0 : i32
      %dma_start3A_19 = tpu.memref_slice %arg6[%arg0, %mul3A_14, %dma_start3A] : memref<2x10240x8xf32, #tpu.memory_space<hbm>> -> memref<1x640x8xf32, #tpu.memory_space<hbm>>
      %dma_start3A_20 = tpu.memref_squeeze %dma_start3A_19 : memref<1x640x8xf32, #tpu.memory_space<hbm>> -> memref<640x8xf32, #tpu.memory_space<hbm>>
      %dma_start3A_21 = arith.constant 0 : i32
      %dma_start3A_22 = tpu.memref_slice %arg6[%arg0, %mul3A_14, %dma_start3A_21] : memref<2x10240x8xf32, #tpu.memory_space<hbm>> -> memref<1x640x8xf32, #tpu.memory_space<hbm>>
      %dma_start3A_23 = tpu.memref_squeeze %dma_start3A_22 : memref<1x640x8xf32, #tpu.memory_space<hbm>> -> memref<640x8xf32, #tpu.memory_space<hbm>>
      tpu.enqueue_dma source(%arg11 : memref<640x8xf32, #tpu.memory_space<vmem>>) target(%dma_start3A_23 : memref<640x8xf32, #tpu.memory_space<hbm>>) target_semaphore(%run_scoped3A : memref<!tpu.dma_semaphore, #tpu.memory_space<semaphore_mem>>)
      %dma_wait3A = arith.constant 0 : i32
      %dma_wait3A_24 = tpu.memref_slice %arg6[%arg0, %mul3A_14, %dma_wait3A] : memref<2x10240x8xf32, #tpu.memory_space<hbm>> -> memref<1x640x8xf32, #tpu.memory_space<hbm>>
      %dma_wait3A_25 = tpu.memref_squeeze %dma_wait3A_24 : memref<1x640x8xf32, #tpu.memory_space<hbm>> -> memref<640x8xf32, #tpu.memory_space<hbm>>
      %dma_wait3A_26 = arith.constant 0 : i32
      %dma_wait3A_27 = tpu.memref_slice %arg6[%arg0, %mul3A_14, %dma_wait3A_26] : memref<2x10240x8xf32, #tpu.memory_space<hbm>> -> memref<1x640x8xf32, #tpu.memory_space<hbm>>
      %dma_wait3A_28 = tpu.memref_squeeze %dma_wait3A_27 : memref<1x640x8xf32, #tpu.memory_space<hbm>> -> memref<640x8xf32, #tpu.memory_space<hbm>>
      tpu.wait_dma2 semaphore(%run_scoped3A : memref<!tpu.dma_semaphore, #tpu.memory_space<semaphore_mem>>) src(%arg11 : memref<640x8xf32, #tpu.memory_space<vmem>>) dst(%dma_wait3A_28 : memref<640x8xf32, #tpu.memory_space<hbm>>)
      tpu.yield
    }) : () -> ()
    %mul3A_15 = arith.constant 640 : i32
    %mul3A_16 = arith.muli %arg1, %mul3A_15 : i32
    "tpu.region"() ({
      %run_scoped3A = tpu.sem_alloc : memref<!tpu.dma_semaphore, #tpu.memory_space<semaphore_mem>>
      %dma_start3A = arith.constant 0 : i32
      %dma_start3A_19 = tpu.memref_slice %arg13[%mul3A_16, %dma_start3A] : memref<10240x8xf32, #tpu.memory_space<vmem_shared>> -> memref<640x8xf32, #tpu.memory_space<vmem_shared>>
      %dma_start3A_20 = arith.constant 0 : i32
      %dma_start3A_21 = tpu.memref_slice %arg13[%mul3A_16, %dma_start3A_20] : memref<10240x8xf32, #tpu.memory_space<vmem_shared>> -> memref<640x8xf32, #tpu.memory_space<vmem_shared>>
      tpu.enqueue_dma source(%dma_start3A_21 : memref<640x8xf32, #tpu.memory_space<vmem_shared>>) target(%arg11 : memref<640x8xf32, #tpu.memory_space<vmem>>) target_semaphore(%run_scoped3A : memref<!tpu.dma_semaphore, #tpu.memory_space<semaphore_mem>>)
      %dma_wait3A = arith.constant 0 : i32
      %dma_wait3A_22 = tpu.memref_slice %arg13[%mul3A_16, %dma_wait3A] : memref<10240x8xf32, #tpu.memory_space<vmem_shared>> -> memref<640x8xf32, #tpu.memory_space<vmem_shared>>
      %dma_wait3A_23 = arith.constant 0 : i32
      %dma_wait3A_24 = tpu.memref_slice %arg13[%mul3A_16, %dma_wait3A_23] : memref<10240x8xf32, #tpu.memory_space<vmem_shared>> -> memref<640x8xf32, #tpu.memory_space<vmem_shared>>
      tpu.wait_dma2 semaphore(%run_scoped3A : memref<!tpu.dma_semaphore, #tpu.memory_space<semaphore_mem>>) src(%dma_wait3A_24 : memref<640x8xf32, #tpu.memory_space<vmem_shared>>) dst(%arg11 : memref<640x8xf32, #tpu.memory_space<vmem>>)
      tpu.yield
    }) : () -> ()
    %mul3A_17 = arith.constant 640 : i32
    %mul3A_18 = arith.muli %arg1, %mul3A_17 : i32
    "tpu.region"() ({
      %run_scoped3A = tpu.sem_alloc : memref<!tpu.dma_semaphore, #tpu.memory_space<semaphore_mem>>
      %dma_start3A = arith.constant 0 : i32
      %dma_start3A_19 = tpu.memref_slice %arg7[%arg0, %mul3A_18, %dma_start3A] : memref<2x10240x8xf32, #tpu.memory_space<hbm>> -> memref<1x640x8xf32, #tpu.memory_space<hbm>>
      %dma_start3A_20 = tpu.memref_squeeze %dma_start3A_19 : memref<1x640x8xf32, #tpu.memory_space<hbm>> -> memref<640x8xf32, #tpu.memory_space<hbm>>
      %dma_start3A_21 = arith.constant 0 : i32
      %dma_start3A_22 = tpu.memref_slice %arg7[%arg0, %mul3A_18, %dma_start3A_21] : memref<2x10240x8xf32, #tpu.memory_space<hbm>> -> memref<1x640x8xf32, #tpu.memory_space<hbm>>
      %dma_start3A_23 = tpu.memref_squeeze %dma_start3A_22 : memref<1x640x8xf32, #tpu.memory_space<hbm>> -> memref<640x8xf32, #tpu.memory_space<hbm>>
      tpu.enqueue_dma source(%arg11 : memref<640x8xf32, #tpu.memory_space<vmem>>) target(%dma_start3A_23 : memref<640x8xf32, #tpu.memory_space<hbm>>) target_semaphore(%run_scoped3A : memref<!tpu.dma_semaphore, #tpu.memory_space<semaphore_mem>>)
      %dma_wait3A = arith.constant 0 : i32
      %dma_wait3A_24 = tpu.memref_slice %arg7[%arg0, %mul3A_18, %dma_wait3A] : memref<2x10240x8xf32, #tpu.memory_space<hbm>> -> memref<1x640x8xf32, #tpu.memory_space<hbm>>
      %dma_wait3A_25 = tpu.memref_squeeze %dma_wait3A_24 : memref<1x640x8xf32, #tpu.memory_space<hbm>> -> memref<640x8xf32, #tpu.memory_space<hbm>>
      %dma_wait3A_26 = arith.constant 0 : i32
      %dma_wait3A_27 = tpu.memref_slice %arg7[%arg0, %mul3A_18, %dma_wait3A_26] : memref<2x10240x8xf32, #tpu.memory_space<hbm>> -> memref<1x640x8xf32, #tpu.memory_space<hbm>>
      %dma_wait3A_28 = tpu.memref_squeeze %dma_wait3A_27 : memref<1x640x8xf32, #tpu.memory_space<hbm>> -> memref<640x8xf32, #tpu.memory_space<hbm>>
      tpu.wait_dma2 semaphore(%run_scoped3A : memref<!tpu.dma_semaphore, #tpu.memory_space<semaphore_mem>>) src(%arg11 : memref<640x8xf32, #tpu.memory_space<vmem>>) dst(%dma_wait3A_28 : memref<640x8xf32, #tpu.memory_space<hbm>>)
      tpu.yield
    }) : () -> ()
    return
  }
}

#map = affine_map<(d0, d1) -> (0, 0)>
#map1 = affine_map<(d0, d1) -> (0, 0, 0)>
module attributes {stable_mosaic.version = 14 : i64} {
  func.func @_agg_body(%arg0: i32, %arg1: i32, %arg2: memref<10240x64xf32, #tpu.memory_space<hbm>>, %arg3: memref<32x79x128xi32, #tpu.memory_space<hbm>>, %arg4: memref<32x79x128xi32, #tpu.memory_space<hbm>>, %arg5: memref<160x64xf32, #tpu.memory_space<hbm>>, %arg6: memref<2x10240x64xf32, #tpu.memory_space<hbm>>, %arg7: memref<79x128xi32, #tpu.memory_space<vmem>>, %arg8: memref<79x128xi32, #tpu.memory_space<vmem>>, %arg9: memref<128x64xf32, #tpu.memory_space<vmem>>, %arg10: memref<160x64xf32, #tpu.memory_space<vmem>>, %arg11: memref<10240x64xf32, #tpu.memory_space<vmem_shared>>, %arg12: memref<!tpu.dma_semaphore, #tpu.memory_space<semaphore_mem>>) attributes {dimension_semantics = [#tpu.dimension_semantics<core_parallel>, #tpu.dimension_semantics<subcore_parallel>], iteration_bounds = array<i64: 2, 16>, scalar_prefetch = 0 : i64, scratch_operands = 6 : i64, tpu.core_type = #tpu.core_type<sc_vector_subcore>, window_params = [{transform_indices = #map}, {transform_indices = #map1}, {transform_indices = #map1}, {transform_indices = #map}, {transform_indices = #map1}]} {
    %mul3A = arith.constant 16 : i32
    %mul3A_0 = arith.muli %arg0, %mul3A : i32
    %add3A = arith.addi %mul3A_0, %arg1 : i32
    "tpu.region"() ({
      %run_scoped3A = tpu.sem_alloc : memref<!tpu.dma_semaphore, #tpu.memory_space<semaphore_mem>>
      tpu.enqueue_dma source(%arg5 : memref<160x64xf32, #tpu.memory_space<hbm>>) target(%arg10 : memref<160x64xf32, #tpu.memory_space<vmem>>) target_semaphore(%run_scoped3A : memref<!tpu.dma_semaphore, #tpu.memory_space<semaphore_mem>>)
      tpu.wait_dma2 semaphore(%run_scoped3A : memref<!tpu.dma_semaphore, #tpu.memory_space<semaphore_mem>>) src(%arg5 : memref<160x64xf32, #tpu.memory_space<hbm>>) dst(%arg10 : memref<160x64xf32, #tpu.memory_space<vmem>>)
      tpu.yield
    }) : () -> ()
    %mul3A_1 = arith.constant 640 : i32
    %mul3A_2 = arith.muli %arg1, %mul3A_1 : i32
    %add3A_3 = arith.constant 0 : i32
    %add3A_4 = arith.addi %mul3A_2, %add3A_3 : i32
    "tpu.region"() ({
      %run_scoped3A = tpu.sem_alloc : memref<!tpu.dma_semaphore, #tpu.memory_space<semaphore_mem>>
      %dma_start3A = arith.constant 0 : i32
      %dma_start3A_55 = tpu.memref_slice %arg11[%add3A_4, %dma_start3A] : memref<10240x64xf32, #tpu.memory_space<vmem_shared>> -> memref<160x64xf32, #tpu.memory_space<vmem_shared>>
      %dma_start3A_56 = arith.constant 0 : i32
      %dma_start3A_57 = tpu.memref_slice %arg11[%add3A_4, %dma_start3A_56] : memref<10240x64xf32, #tpu.memory_space<vmem_shared>> -> memref<160x64xf32, #tpu.memory_space<vmem_shared>>
      tpu.enqueue_dma source(%arg10 : memref<160x64xf32, #tpu.memory_space<vmem>>) target(%dma_start3A_57 : memref<160x64xf32, #tpu.memory_space<vmem_shared>>) target_semaphore(%run_scoped3A : memref<!tpu.dma_semaphore, #tpu.memory_space<semaphore_mem>>)
      %dma_wait3A = arith.constant 0 : i32
      %dma_wait3A_58 = tpu.memref_slice %arg11[%add3A_4, %dma_wait3A] : memref<10240x64xf32, #tpu.memory_space<vmem_shared>> -> memref<160x64xf32, #tpu.memory_space<vmem_shared>>
      %dma_wait3A_59 = arith.constant 0 : i32
      %dma_wait3A_60 = tpu.memref_slice %arg11[%add3A_4, %dma_wait3A_59] : memref<10240x64xf32, #tpu.memory_space<vmem_shared>> -> memref<160x64xf32, #tpu.memory_space<vmem_shared>>
      tpu.wait_dma2 semaphore(%run_scoped3A : memref<!tpu.dma_semaphore, #tpu.memory_space<semaphore_mem>>) src(%arg10 : memref<160x64xf32, #tpu.memory_space<vmem>>) dst(%dma_wait3A_60 : memref<160x64xf32, #tpu.memory_space<vmem_shared>>)
      tpu.yield
    }) : () -> ()
    %mul3A_5 = arith.constant 640 : i32
    %mul3A_6 = arith.muli %arg1, %mul3A_5 : i32
    %add3A_7 = arith.constant 160 : i32
    %add3A_8 = arith.addi %mul3A_6, %add3A_7 : i32
    "tpu.region"() ({
      %run_scoped3A = tpu.sem_alloc : memref<!tpu.dma_semaphore, #tpu.memory_space<semaphore_mem>>
      %dma_start3A = arith.constant 0 : i32
      %dma_start3A_55 = tpu.memref_slice %arg11[%add3A_8, %dma_start3A] : memref<10240x64xf32, #tpu.memory_space<vmem_shared>> -> memref<160x64xf32, #tpu.memory_space<vmem_shared>>
      %dma_start3A_56 = arith.constant 0 : i32
      %dma_start3A_57 = tpu.memref_slice %arg11[%add3A_8, %dma_start3A_56] : memref<10240x64xf32, #tpu.memory_space<vmem_shared>> -> memref<160x64xf32, #tpu.memory_space<vmem_shared>>
      tpu.enqueue_dma source(%arg10 : memref<160x64xf32, #tpu.memory_space<vmem>>) target(%dma_start3A_57 : memref<160x64xf32, #tpu.memory_space<vmem_shared>>) target_semaphore(%run_scoped3A : memref<!tpu.dma_semaphore, #tpu.memory_space<semaphore_mem>>)
      %dma_wait3A = arith.constant 0 : i32
      %dma_wait3A_58 = tpu.memref_slice %arg11[%add3A_8, %dma_wait3A] : memref<10240x64xf32, #tpu.memory_space<vmem_shared>> -> memref<160x64xf32, #tpu.memory_space<vmem_shared>>
      %dma_wait3A_59 = arith.constant 0 : i32
      %dma_wait3A_60 = tpu.memref_slice %arg11[%add3A_8, %dma_wait3A_59] : memref<10240x64xf32, #tpu.memory_space<vmem_shared>> -> memref<160x64xf32, #tpu.memory_space<vmem_shared>>
      tpu.wait_dma2 semaphore(%run_scoped3A : memref<!tpu.dma_semaphore, #tpu.memory_space<semaphore_mem>>) src(%arg10 : memref<160x64xf32, #tpu.memory_space<vmem>>) dst(%dma_wait3A_60 : memref<160x64xf32, #tpu.memory_space<vmem_shared>>)
      tpu.yield
    }) : () -> ()
    %mul3A_9 = arith.constant 640 : i32
    %mul3A_10 = arith.muli %arg1, %mul3A_9 : i32
    %add3A_11 = arith.constant 320 : i32
    %add3A_12 = arith.addi %mul3A_10, %add3A_11 : i32
    "tpu.region"() ({
      %run_scoped3A = tpu.sem_alloc : memref<!tpu.dma_semaphore, #tpu.memory_space<semaphore_mem>>
      %dma_start3A = arith.constant 0 : i32
      %dma_start3A_55 = tpu.memref_slice %arg11[%add3A_12, %dma_start3A] : memref<10240x64xf32, #tpu.memory_space<vmem_shared>> -> memref<160x64xf32, #tpu.memory_space<vmem_shared>>
      %dma_start3A_56 = arith.constant 0 : i32
      %dma_start3A_57 = tpu.memref_slice %arg11[%add3A_12, %dma_start3A_56] : memref<10240x64xf32, #tpu.memory_space<vmem_shared>> -> memref<160x64xf32, #tpu.memory_space<vmem_shared>>
      tpu.enqueue_dma source(%arg10 : memref<160x64xf32, #tpu.memory_space<vmem>>) target(%dma_start3A_57 : memref<160x64xf32, #tpu.memory_space<vmem_shared>>) target_semaphore(%run_scoped3A : memref<!tpu.dma_semaphore, #tpu.memory_space<semaphore_mem>>)
      %dma_wait3A = arith.constant 0 : i32
      %dma_wait3A_58 = tpu.memref_slice %arg11[%add3A_12, %dma_wait3A] : memref<10240x64xf32, #tpu.memory_space<vmem_shared>> -> memref<160x64xf32, #tpu.memory_space<vmem_shared>>
      %dma_wait3A_59 = arith.constant 0 : i32
      %dma_wait3A_60 = tpu.memref_slice %arg11[%add3A_12, %dma_wait3A_59] : memref<10240x64xf32, #tpu.memory_space<vmem_shared>> -> memref<160x64xf32, #tpu.memory_space<vmem_shared>>
      tpu.wait_dma2 semaphore(%run_scoped3A : memref<!tpu.dma_semaphore, #tpu.memory_space<semaphore_mem>>) src(%arg10 : memref<160x64xf32, #tpu.memory_space<vmem>>) dst(%dma_wait3A_60 : memref<160x64xf32, #tpu.memory_space<vmem_shared>>)
      tpu.yield
    }) : () -> ()
    %mul3A_13 = arith.constant 640 : i32
    %mul3A_14 = arith.muli %arg1, %mul3A_13 : i32
    %add3A_15 = arith.constant 480 : i32
    %add3A_16 = arith.addi %mul3A_14, %add3A_15 : i32
    "tpu.region"() ({
      %run_scoped3A = tpu.sem_alloc : memref<!tpu.dma_semaphore, #tpu.memory_space<semaphore_mem>>
      %dma_start3A = arith.constant 0 : i32
      %dma_start3A_55 = tpu.memref_slice %arg11[%add3A_16, %dma_start3A] : memref<10240x64xf32, #tpu.memory_space<vmem_shared>> -> memref<160x64xf32, #tpu.memory_space<vmem_shared>>
      %dma_start3A_56 = arith.constant 0 : i32
      %dma_start3A_57 = tpu.memref_slice %arg11[%add3A_16, %dma_start3A_56] : memref<10240x64xf32, #tpu.memory_space<vmem_shared>> -> memref<160x64xf32, #tpu.memory_space<vmem_shared>>
      tpu.enqueue_dma source(%arg10 : memref<160x64xf32, #tpu.memory_space<vmem>>) target(%dma_start3A_57 : memref<160x64xf32, #tpu.memory_space<vmem_shared>>) target_semaphore(%run_scoped3A : memref<!tpu.dma_semaphore, #tpu.memory_space<semaphore_mem>>)
      %dma_wait3A = arith.constant 0 : i32
      %dma_wait3A_58 = tpu.memref_slice %arg11[%add3A_16, %dma_wait3A] : memref<10240x64xf32, #tpu.memory_space<vmem_shared>> -> memref<160x64xf32, #tpu.memory_space<vmem_shared>>
      %dma_wait3A_59 = arith.constant 0 : i32
      %dma_wait3A_60 = tpu.memref_slice %arg11[%add3A_16, %dma_wait3A_59] : memref<10240x64xf32, #tpu.memory_space<vmem_shared>> -> memref<160x64xf32, #tpu.memory_space<vmem_shared>>
      tpu.wait_dma2 semaphore(%run_scoped3A : memref<!tpu.dma_semaphore, #tpu.memory_space<semaphore_mem>>) src(%arg10 : memref<160x64xf32, #tpu.memory_space<vmem>>) dst(%dma_wait3A_60 : memref<160x64xf32, #tpu.memory_space<vmem_shared>>)
      tpu.yield
    }) : () -> ()
    "tpu.region"() ({
      %run_scoped3A = tpu.sem_alloc : memref<!tpu.dma_semaphore, #tpu.memory_space<semaphore_mem>>
      %dma_start3A = arith.constant 0 : i32
      %dma_start3A_55 = arith.constant 0 : i32
      %dma_start3A_56 = tpu.memref_slice %arg3[%add3A, %dma_start3A, %dma_start3A_55] : memref<32x79x128xi32, #tpu.memory_space<hbm>> -> memref<1x79x128xi32, #tpu.memory_space<hbm>>
      %dma_start3A_57 = tpu.memref_squeeze %dma_start3A_56 : memref<1x79x128xi32, #tpu.memory_space<hbm>> -> memref<79x128xi32, #tpu.memory_space<hbm>>
      %dma_start3A_58 = arith.constant 0 : i32
      %dma_start3A_59 = arith.constant 0 : i32
      %dma_start3A_60 = tpu.memref_slice %arg3[%add3A, %dma_start3A_58, %dma_start3A_59] : memref<32x79x128xi32, #tpu.memory_space<hbm>> -> memref<1x79x128xi32, #tpu.memory_space<hbm>>
      %dma_start3A_61 = tpu.memref_squeeze %dma_start3A_60 : memref<1x79x128xi32, #tpu.memory_space<hbm>> -> memref<79x128xi32, #tpu.memory_space<hbm>>
      tpu.enqueue_dma source(%dma_start3A_61 : memref<79x128xi32, #tpu.memory_space<hbm>>) target(%arg7 : memref<79x128xi32, #tpu.memory_space<vmem>>) target_semaphore(%run_scoped3A : memref<!tpu.dma_semaphore, #tpu.memory_space<semaphore_mem>>)
      %dma_wait3A = arith.constant 0 : i32
      %dma_wait3A_62 = arith.constant 0 : i32
      %dma_wait3A_63 = tpu.memref_slice %arg3[%add3A, %dma_wait3A, %dma_wait3A_62] : memref<32x79x128xi32, #tpu.memory_space<hbm>> -> memref<1x79x128xi32, #tpu.memory_space<hbm>>
      %dma_wait3A_64 = tpu.memref_squeeze %dma_wait3A_63 : memref<1x79x128xi32, #tpu.memory_space<hbm>> -> memref<79x128xi32, #tpu.memory_space<hbm>>
      %dma_wait3A_65 = arith.constant 0 : i32
      %dma_wait3A_66 = arith.constant 0 : i32
      %dma_wait3A_67 = tpu.memref_slice %arg3[%add3A, %dma_wait3A_65, %dma_wait3A_66] : memref<32x79x128xi32, #tpu.memory_space<hbm>> -> memref<1x79x128xi32, #tpu.memory_space<hbm>>
      %dma_wait3A_68 = tpu.memref_squeeze %dma_wait3A_67 : memref<1x79x128xi32, #tpu.memory_space<hbm>> -> memref<79x128xi32, #tpu.memory_space<hbm>>
      tpu.wait_dma2 semaphore(%run_scoped3A : memref<!tpu.dma_semaphore, #tpu.memory_space<semaphore_mem>>) src(%dma_wait3A_68 : memref<79x128xi32, #tpu.memory_space<hbm>>) dst(%arg7 : memref<79x128xi32, #tpu.memory_space<vmem>>)
      tpu.yield
    }) : () -> ()
    "tpu.region"() ({
      %run_scoped3A = tpu.sem_alloc : memref<!tpu.dma_semaphore, #tpu.memory_space<semaphore_mem>>
      %dma_start3A = arith.constant 0 : i32
      %dma_start3A_55 = arith.constant 0 : i32
      %dma_start3A_56 = tpu.memref_slice %arg4[%add3A, %dma_start3A, %dma_start3A_55] : memref<32x79x128xi32, #tpu.memory_space<hbm>> -> memref<1x79x128xi32, #tpu.memory_space<hbm>>
      %dma_start3A_57 = tpu.memref_squeeze %dma_start3A_56 : memref<1x79x128xi32, #tpu.memory_space<hbm>> -> memref<79x128xi32, #tpu.memory_space<hbm>>
      %dma_start3A_58 = arith.constant 0 : i32
      %dma_start3A_59 = arith.constant 0 : i32
      %dma_start3A_60 = tpu.memref_slice %arg4[%add3A, %dma_start3A_58, %dma_start3A_59] : memref<32x79x128xi32, #tpu.memory_space<hbm>> -> memref<1x79x128xi32, #tpu.memory_space<hbm>>
      %dma_start3A_61 = tpu.memref_squeeze %dma_start3A_60 : memref<1x79x128xi32, #tpu.memory_space<hbm>> -> memref<79x128xi32, #tpu.memory_space<hbm>>
      tpu.enqueue_dma source(%dma_start3A_61 : memref<79x128xi32, #tpu.memory_space<hbm>>) target(%arg8 : memref<79x128xi32, #tpu.memory_space<vmem>>) target_semaphore(%run_scoped3A : memref<!tpu.dma_semaphore, #tpu.memory_space<semaphore_mem>>)
      %dma_wait3A = arith.constant 0 : i32
      %dma_wait3A_62 = arith.constant 0 : i32
      %dma_wait3A_63 = tpu.memref_slice %arg4[%add3A, %dma_wait3A, %dma_wait3A_62] : memref<32x79x128xi32, #tpu.memory_space<hbm>> -> memref<1x79x128xi32, #tpu.memory_space<hbm>>
      %dma_wait3A_64 = tpu.memref_squeeze %dma_wait3A_63 : memref<1x79x128xi32, #tpu.memory_space<hbm>> -> memref<79x128xi32, #tpu.memory_space<hbm>>
      %dma_wait3A_65 = arith.constant 0 : i32
      %dma_wait3A_66 = arith.constant 0 : i32
      %dma_wait3A_67 = tpu.memref_slice %arg4[%add3A, %dma_wait3A_65, %dma_wait3A_66] : memref<32x79x128xi32, #tpu.memory_space<hbm>> -> memref<1x79x128xi32, #tpu.memory_space<hbm>>
      %dma_wait3A_68 = tpu.memref_squeeze %dma_wait3A_67 : memref<1x79x128xi32, #tpu.memory_space<hbm>> -> memref<79x128xi32, #tpu.memory_space<hbm>>
      tpu.wait_dma2 semaphore(%run_scoped3A : memref<!tpu.dma_semaphore, #tpu.memory_space<semaphore_mem>>) src(%dma_wait3A_68 : memref<79x128xi32, #tpu.memory_space<hbm>>) dst(%arg8 : memref<79x128xi32, #tpu.memory_space<vmem>>)
      tpu.yield
    }) : () -> ()
    %barrier3A = arith.constant 0 : index
    tpu.barrier barrier_id(%barrier3A)
    %scan3A = arith.constant 0 : i32
    %scan3A_17 = arith.constant 0 : i32
    %scan3A_18 = arith.constant 79 : i32
    %scan3A_19 = arith.addi %scan3A_17, %scan3A_18 : i32
    %scan3A_20 = arith.constant 1 : i32
    scf.for %scan3A_55 = %scan3A_17 to %scan3A_19 step %scan3A_20  : i32 {
      %dma_start3A = arith.constant 0 : i32
      %dma_start3A_56 = tpu.memref_slice %arg7[%scan3A_55, %dma_start3A] : memref<79x128xi32, #tpu.memory_space<vmem>> -> memref<1x128xi32, #tpu.memory_space<vmem>>
      %dma_start3A_57 = tpu.memref_squeeze %dma_start3A_56 : memref<1x128xi32, #tpu.memory_space<vmem>> -> memref<128xi32, #tpu.memory_space<vmem>>
      %dma_start3A_58 = arith.constant 0 : i32
      %dma_start3A_59 = arith.constant 0 : i32
      %dma_start3A_60 = tpu.memref_slice %arg2[%dma_start3A_58, %dma_start3A_59] : memref<10240x64xf32, #tpu.memory_space<hbm>> -> memref<10240x64xf32, #tpu.memory_space<hbm>>
      tpu.enqueue_indirect_dma source(%dma_start3A_60 : memref<10240x64xf32, #tpu.memory_space<hbm>>) target(%arg9 : memref<128x64xf32, #tpu.memory_space<vmem>>) offsets(%dma_start3A_57 : memref<128xi32, #tpu.memory_space<vmem>>) semaphore(%arg12 : memref<!tpu.dma_semaphore, #tpu.memory_space<semaphore_mem>>)
      %dma_wait3A = arith.constant 0 : i32
      %dma_wait3A_61 = tpu.memref_slice %arg7[%scan3A_55, %dma_wait3A] : memref<79x128xi32, #tpu.memory_space<vmem>> -> memref<1x128xi32, #tpu.memory_space<vmem>>
      %dma_wait3A_62 = tpu.memref_squeeze %dma_wait3A_61 : memref<1x128xi32, #tpu.memory_space<vmem>> -> memref<128xi32, #tpu.memory_space<vmem>>
      %dma_wait3A_63 = arith.constant 0 : i32
      %dma_wait3A_64 = arith.constant 0 : i32
      %dma_wait3A_65 = tpu.memref_slice %arg2[%dma_wait3A_63, %dma_wait3A_64] : memref<10240x64xf32, #tpu.memory_space<hbm>> -> memref<10240x64xf32, #tpu.memory_space<hbm>>
      tpu.wait_indirect_dma semaphore(%arg12 : memref<!tpu.dma_semaphore, #tpu.memory_space<semaphore_mem>>) src(%dma_wait3A_65 : memref<10240x64xf32, #tpu.memory_space<hbm>>) dst(%arg9 : memref<128x64xf32, #tpu.memory_space<vmem>>)
      "tpu.region"() ({
        %run_scoped3A = tpu.sem_alloc : memref<!tpu.dma_semaphore, #tpu.memory_space<semaphore_mem>>
        %dma_start3A_66 = arith.constant 0 : i32
        %dma_start3A_67 = tpu.memref_slice %arg8[%scan3A_55, %dma_start3A_66] : memref<79x128xi32, #tpu.memory_space<vmem>> -> memref<1x128xi32, #tpu.memory_space<vmem>>
        %dma_start3A_68 = tpu.memref_squeeze %dma_start3A_67 : memref<1x128xi32, #tpu.memory_space<vmem>> -> memref<128xi32, #tpu.memory_space<vmem>>
        %dma_start3A_69 = arith.constant 0 : i32
        %dma_start3A_70 = arith.constant 0 : i32
        %dma_start3A_71 = tpu.memref_slice %arg11[%dma_start3A_69, %dma_start3A_70] : memref<10240x64xf32, #tpu.memory_space<vmem_shared>> -> memref<10240x64xf32, #tpu.memory_space<vmem_shared>>
        tpu.enqueue_indirect_dma source(%arg9 : memref<128x64xf32, #tpu.memory_space<vmem>>) target(%dma_start3A_71 : memref<10240x64xf32, #tpu.memory_space<vmem_shared>>) offsets(%dma_start3A_68 : memref<128xi32, #tpu.memory_space<vmem>>) semaphore(%run_scoped3A : memref<!tpu.dma_semaphore, #tpu.memory_space<semaphore_mem>>) {add = true}
        %dma_wait3A_72 = arith.constant 0 : i32
        %dma_wait3A_73 = tpu.memref_slice %arg8[%scan3A_55, %dma_wait3A_72] : memref<79x128xi32, #tpu.memory_space<vmem>> -> memref<1x128xi32, #tpu.memory_space<vmem>>
        %dma_wait3A_74 = tpu.memref_squeeze %dma_wait3A_73 : memref<1x128xi32, #tpu.memory_space<vmem>> -> memref<128xi32, #tpu.memory_space<vmem>>
        %dma_wait3A_75 = arith.constant 0 : i32
        %dma_wait3A_76 = arith.constant 0 : i32
        %dma_wait3A_77 = tpu.memref_slice %arg11[%dma_wait3A_75, %dma_wait3A_76] : memref<10240x64xf32, #tpu.memory_space<vmem_shared>> -> memref<10240x64xf32, #tpu.memory_space<vmem_shared>>
        tpu.wait_indirect_dma semaphore(%run_scoped3A : memref<!tpu.dma_semaphore, #tpu.memory_space<semaphore_mem>>) src(%arg9 : memref<128x64xf32, #tpu.memory_space<vmem>>) dst(%dma_wait3A_77 : memref<10240x64xf32, #tpu.memory_space<vmem_shared>>)
        tpu.yield
      }) : () -> ()
    }
    %scan3A_21 = arith.constant 79 : i32
    %barrier3A_22 = arith.constant 0 : index
    tpu.barrier barrier_id(%barrier3A_22)
    %mul3A_23 = arith.constant 640 : i32
    %mul3A_24 = arith.muli %arg1, %mul3A_23 : i32
    %add3A_25 = arith.constant 0 : i32
    %add3A_26 = arith.addi %mul3A_24, %add3A_25 : i32
    "tpu.region"() ({
      %run_scoped3A = tpu.sem_alloc : memref<!tpu.dma_semaphore, #tpu.memory_space<semaphore_mem>>
      %dma_start3A = arith.constant 0 : i32
      %dma_start3A_55 = tpu.memref_slice %arg11[%add3A_26, %dma_start3A] : memref<10240x64xf32, #tpu.memory_space<vmem_shared>> -> memref<160x64xf32, #tpu.memory_space<vmem_shared>>
      %dma_start3A_56 = arith.constant 0 : i32
      %dma_start3A_57 = tpu.memref_slice %arg11[%add3A_26, %dma_start3A_56] : memref<10240x64xf32, #tpu.memory_space<vmem_shared>> -> memref<160x64xf32, #tpu.memory_space<vmem_shared>>
      tpu.enqueue_dma source(%dma_start3A_57 : memref<160x64xf32, #tpu.memory_space<vmem_shared>>) target(%arg10 : memref<160x64xf32, #tpu.memory_space<vmem>>) target_semaphore(%run_scoped3A : memref<!tpu.dma_semaphore, #tpu.memory_space<semaphore_mem>>)
      %dma_wait3A = arith.constant 0 : i32
      %dma_wait3A_58 = tpu.memref_slice %arg11[%add3A_26, %dma_wait3A] : memref<10240x64xf32, #tpu.memory_space<vmem_shared>> -> memref<160x64xf32, #tpu.memory_space<vmem_shared>>
      %dma_wait3A_59 = arith.constant 0 : i32
      %dma_wait3A_60 = tpu.memref_slice %arg11[%add3A_26, %dma_wait3A_59] : memref<10240x64xf32, #tpu.memory_space<vmem_shared>> -> memref<160x64xf32, #tpu.memory_space<vmem_shared>>
      tpu.wait_dma2 semaphore(%run_scoped3A : memref<!tpu.dma_semaphore, #tpu.memory_space<semaphore_mem>>) src(%dma_wait3A_60 : memref<160x64xf32, #tpu.memory_space<vmem_shared>>) dst(%arg10 : memref<160x64xf32, #tpu.memory_space<vmem>>)
      tpu.yield
    }) : () -> ()
    %mul3A_27 = arith.constant 640 : i32
    %mul3A_28 = arith.muli %arg1, %mul3A_27 : i32
    %add3A_29 = arith.constant 0 : i32
    %add3A_30 = arith.addi %mul3A_28, %add3A_29 : i32
    "tpu.region"() ({
      %run_scoped3A = tpu.sem_alloc : memref<!tpu.dma_semaphore, #tpu.memory_space<semaphore_mem>>
      %dma_start3A = arith.constant 0 : i32
      %dma_start3A_55 = tpu.memref_slice %arg6[%arg0, %add3A_30, %dma_start3A] : memref<2x10240x64xf32, #tpu.memory_space<hbm>> -> memref<1x160x64xf32, #tpu.memory_space<hbm>>
      %dma_start3A_56 = tpu.memref_squeeze %dma_start3A_55 : memref<1x160x64xf32, #tpu.memory_space<hbm>> -> memref<160x64xf32, #tpu.memory_space<hbm>>
      %dma_start3A_57 = arith.constant 0 : i32
      %dma_start3A_58 = tpu.memref_slice %arg6[%arg0, %add3A_30, %dma_start3A_57] : memref<2x10240x64xf32, #tpu.memory_space<hbm>> -> memref<1x160x64xf32, #tpu.memory_space<hbm>>
      %dma_start3A_59 = tpu.memref_squeeze %dma_start3A_58 : memref<1x160x64xf32, #tpu.memory_space<hbm>> -> memref<160x64xf32, #tpu.memory_space<hbm>>
      tpu.enqueue_dma source(%arg10 : memref<160x64xf32, #tpu.memory_space<vmem>>) target(%dma_start3A_59 : memref<160x64xf32, #tpu.memory_space<hbm>>) target_semaphore(%run_scoped3A : memref<!tpu.dma_semaphore, #tpu.memory_space<semaphore_mem>>)
      %dma_wait3A = arith.constant 0 : i32
      %dma_wait3A_60 = tpu.memref_slice %arg6[%arg0, %add3A_30, %dma_wait3A] : memref<2x10240x64xf32, #tpu.memory_space<hbm>> -> memref<1x160x64xf32, #tpu.memory_space<hbm>>
      %dma_wait3A_61 = tpu.memref_squeeze %dma_wait3A_60 : memref<1x160x64xf32, #tpu.memory_space<hbm>> -> memref<160x64xf32, #tpu.memory_space<hbm>>
      %dma_wait3A_62 = arith.constant 0 : i32
      %dma_wait3A_63 = tpu.memref_slice %arg6[%arg0, %add3A_30, %dma_wait3A_62] : memref<2x10240x64xf32, #tpu.memory_space<hbm>> -> memref<1x160x64xf32, #tpu.memory_space<hbm>>
      %dma_wait3A_64 = tpu.memref_squeeze %dma_wait3A_63 : memref<1x160x64xf32, #tpu.memory_space<hbm>> -> memref<160x64xf32, #tpu.memory_space<hbm>>
      tpu.wait_dma2 semaphore(%run_scoped3A : memref<!tpu.dma_semaphore, #tpu.memory_space<semaphore_mem>>) src(%arg10 : memref<160x64xf32, #tpu.memory_space<vmem>>) dst(%dma_wait3A_64 : memref<160x64xf32, #tpu.memory_space<hbm>>)
      tpu.yield
    }) : () -> ()
    %mul3A_31 = arith.constant 640 : i32
    %mul3A_32 = arith.muli %arg1, %mul3A_31 : i32
    %add3A_33 = arith.constant 160 : i32
    %add3A_34 = arith.addi %mul3A_32, %add3A_33 : i32
    "tpu.region"() ({
      %run_scoped3A = tpu.sem_alloc : memref<!tpu.dma_semaphore, #tpu.memory_space<semaphore_mem>>
      %dma_start3A = arith.constant 0 : i32
      %dma_start3A_55 = tpu.memref_slice %arg11[%add3A_34, %dma_start3A] : memref<10240x64xf32, #tpu.memory_space<vmem_shared>> -> memref<160x64xf32, #tpu.memory_space<vmem_shared>>
      %dma_start3A_56 = arith.constant 0 : i32
      %dma_start3A_57 = tpu.memref_slice %arg11[%add3A_34, %dma_start3A_56] : memref<10240x64xf32, #tpu.memory_space<vmem_shared>> -> memref<160x64xf32, #tpu.memory_space<vmem_shared>>
      tpu.enqueue_dma source(%dma_start3A_57 : memref<160x64xf32, #tpu.memory_space<vmem_shared>>) target(%arg10 : memref<160x64xf32, #tpu.memory_space<vmem>>) target_semaphore(%run_scoped3A : memref<!tpu.dma_semaphore, #tpu.memory_space<semaphore_mem>>)
      %dma_wait3A = arith.constant 0 : i32
      %dma_wait3A_58 = tpu.memref_slice %arg11[%add3A_34, %dma_wait3A] : memref<10240x64xf32, #tpu.memory_space<vmem_shared>> -> memref<160x64xf32, #tpu.memory_space<vmem_shared>>
      %dma_wait3A_59 = arith.constant 0 : i32
      %dma_wait3A_60 = tpu.memref_slice %arg11[%add3A_34, %dma_wait3A_59] : memref<10240x64xf32, #tpu.memory_space<vmem_shared>> -> memref<160x64xf32, #tpu.memory_space<vmem_shared>>
      tpu.wait_dma2 semaphore(%run_scoped3A : memref<!tpu.dma_semaphore, #tpu.memory_space<semaphore_mem>>) src(%dma_wait3A_60 : memref<160x64xf32, #tpu.memory_space<vmem_shared>>) dst(%arg10 : memref<160x64xf32, #tpu.memory_space<vmem>>)
      tpu.yield
    }) : () -> ()
    %mul3A_35 = arith.constant 640 : i32
    %mul3A_36 = arith.muli %arg1, %mul3A_35 : i32
    %add3A_37 = arith.constant 160 : i32
    %add3A_38 = arith.addi %mul3A_36, %add3A_37 : i32
    "tpu.region"() ({
      %run_scoped3A = tpu.sem_alloc : memref<!tpu.dma_semaphore, #tpu.memory_space<semaphore_mem>>
      %dma_start3A = arith.constant 0 : i32
      %dma_start3A_55 = tpu.memref_slice %arg6[%arg0, %add3A_38, %dma_start3A] : memref<2x10240x64xf32, #tpu.memory_space<hbm>> -> memref<1x160x64xf32, #tpu.memory_space<hbm>>
      %dma_start3A_56 = tpu.memref_squeeze %dma_start3A_55 : memref<1x160x64xf32, #tpu.memory_space<hbm>> -> memref<160x64xf32, #tpu.memory_space<hbm>>
      %dma_start3A_57 = arith.constant 0 : i32
      %dma_start3A_58 = tpu.memref_slice %arg6[%arg0, %add3A_38, %dma_start3A_57] : memref<2x10240x64xf32, #tpu.memory_space<hbm>> -> memref<1x160x64xf32, #tpu.memory_space<hbm>>
      %dma_start3A_59 = tpu.memref_squeeze %dma_start3A_58 : memref<1x160x64xf32, #tpu.memory_space<hbm>> -> memref<160x64xf32, #tpu.memory_space<hbm>>
      tpu.enqueue_dma source(%arg10 : memref<160x64xf32, #tpu.memory_space<vmem>>) target(%dma_start3A_59 : memref<160x64xf32, #tpu.memory_space<hbm>>) target_semaphore(%run_scoped3A : memref<!tpu.dma_semaphore, #tpu.memory_space<semaphore_mem>>)
      %dma_wait3A = arith.constant 0 : i32
      %dma_wait3A_60 = tpu.memref_slice %arg6[%arg0, %add3A_38, %dma_wait3A] : memref<2x10240x64xf32, #tpu.memory_space<hbm>> -> memref<1x160x64xf32, #tpu.memory_space<hbm>>
      %dma_wait3A_61 = tpu.memref_squeeze %dma_wait3A_60 : memref<1x160x64xf32, #tpu.memory_space<hbm>> -> memref<160x64xf32, #tpu.memory_space<hbm>>
      %dma_wait3A_62 = arith.constant 0 : i32
      %dma_wait3A_63 = tpu.memref_slice %arg6[%arg0, %add3A_38, %dma_wait3A_62] : memref<2x10240x64xf32, #tpu.memory_space<hbm>> -> memref<1x160x64xf32, #tpu.memory_space<hbm>>
      %dma_wait3A_64 = tpu.memref_squeeze %dma_wait3A_63 : memref<1x160x64xf32, #tpu.memory_space<hbm>> -> memref<160x64xf32, #tpu.memory_space<hbm>>
      tpu.wait_dma2 semaphore(%run_scoped3A : memref<!tpu.dma_semaphore, #tpu.memory_space<semaphore_mem>>) src(%arg10 : memref<160x64xf32, #tpu.memory_space<vmem>>) dst(%dma_wait3A_64 : memref<160x64xf32, #tpu.memory_space<hbm>>)
      tpu.yield
    }) : () -> ()
    %mul3A_39 = arith.constant 640 : i32
    %mul3A_40 = arith.muli %arg1, %mul3A_39 : i32
    %add3A_41 = arith.constant 320 : i32
    %add3A_42 = arith.addi %mul3A_40, %add3A_41 : i32
    "tpu.region"() ({
      %run_scoped3A = tpu.sem_alloc : memref<!tpu.dma_semaphore, #tpu.memory_space<semaphore_mem>>
      %dma_start3A = arith.constant 0 : i32
      %dma_start3A_55 = tpu.memref_slice %arg11[%add3A_42, %dma_start3A] : memref<10240x64xf32, #tpu.memory_space<vmem_shared>> -> memref<160x64xf32, #tpu.memory_space<vmem_shared>>
      %dma_start3A_56 = arith.constant 0 : i32
      %dma_start3A_57 = tpu.memref_slice %arg11[%add3A_42, %dma_start3A_56] : memref<10240x64xf32, #tpu.memory_space<vmem_shared>> -> memref<160x64xf32, #tpu.memory_space<vmem_shared>>
      tpu.enqueue_dma source(%dma_start3A_57 : memref<160x64xf32, #tpu.memory_space<vmem_shared>>) target(%arg10 : memref<160x64xf32, #tpu.memory_space<vmem>>) target_semaphore(%run_scoped3A : memref<!tpu.dma_semaphore, #tpu.memory_space<semaphore_mem>>)
      %dma_wait3A = arith.constant 0 : i32
      %dma_wait3A_58 = tpu.memref_slice %arg11[%add3A_42, %dma_wait3A] : memref<10240x64xf32, #tpu.memory_space<vmem_shared>> -> memref<160x64xf32, #tpu.memory_space<vmem_shared>>
      %dma_wait3A_59 = arith.constant 0 : i32
      %dma_wait3A_60 = tpu.memref_slice %arg11[%add3A_42, %dma_wait3A_59] : memref<10240x64xf32, #tpu.memory_space<vmem_shared>> -> memref<160x64xf32, #tpu.memory_space<vmem_shared>>
      tpu.wait_dma2 semaphore(%run_scoped3A : memref<!tpu.dma_semaphore, #tpu.memory_space<semaphore_mem>>) src(%dma_wait3A_60 : memref<160x64xf32, #tpu.memory_space<vmem_shared>>) dst(%arg10 : memref<160x64xf32, #tpu.memory_space<vmem>>)
      tpu.yield
    }) : () -> ()
    %mul3A_43 = arith.constant 640 : i32
    %mul3A_44 = arith.muli %arg1, %mul3A_43 : i32
    %add3A_45 = arith.constant 320 : i32
    %add3A_46 = arith.addi %mul3A_44, %add3A_45 : i32
    "tpu.region"() ({
      %run_scoped3A = tpu.sem_alloc : memref<!tpu.dma_semaphore, #tpu.memory_space<semaphore_mem>>
      %dma_start3A = arith.constant 0 : i32
      %dma_start3A_55 = tpu.memref_slice %arg6[%arg0, %add3A_46, %dma_start3A] : memref<2x10240x64xf32, #tpu.memory_space<hbm>> -> memref<1x160x64xf32, #tpu.memory_space<hbm>>
      %dma_start3A_56 = tpu.memref_squeeze %dma_start3A_55 : memref<1x160x64xf32, #tpu.memory_space<hbm>> -> memref<160x64xf32, #tpu.memory_space<hbm>>
      %dma_start3A_57 = arith.constant 0 : i32
      %dma_start3A_58 = tpu.memref_slice %arg6[%arg0, %add3A_46, %dma_start3A_57] : memref<2x10240x64xf32, #tpu.memory_space<hbm>> -> memref<1x160x64xf32, #tpu.memory_space<hbm>>
      %dma_start3A_59 = tpu.memref_squeeze %dma_start3A_58 : memref<1x160x64xf32, #tpu.memory_space<hbm>> -> memref<160x64xf32, #tpu.memory_space<hbm>>
      tpu.enqueue_dma source(%arg10 : memref<160x64xf32, #tpu.memory_space<vmem>>) target(%dma_start3A_59 : memref<160x64xf32, #tpu.memory_space<hbm>>) target_semaphore(%run_scoped3A : memref<!tpu.dma_semaphore, #tpu.memory_space<semaphore_mem>>)
      %dma_wait3A = arith.constant 0 : i32
      %dma_wait3A_60 = tpu.memref_slice %arg6[%arg0, %add3A_46, %dma_wait3A] : memref<2x10240x64xf32, #tpu.memory_space<hbm>> -> memref<1x160x64xf32, #tpu.memory_space<hbm>>
      %dma_wait3A_61 = tpu.memref_squeeze %dma_wait3A_60 : memref<1x160x64xf32, #tpu.memory_space<hbm>> -> memref<160x64xf32, #tpu.memory_space<hbm>>
      %dma_wait3A_62 = arith.constant 0 : i32
      %dma_wait3A_63 = tpu.memref_slice %arg6[%arg0, %add3A_46, %dma_wait3A_62] : memref<2x10240x64xf32, #tpu.memory_space<hbm>> -> memref<1x160x64xf32, #tpu.memory_space<hbm>>
      %dma_wait3A_64 = tpu.memref_squeeze %dma_wait3A_63 : memref<1x160x64xf32, #tpu.memory_space<hbm>> -> memref<160x64xf32, #tpu.memory_space<hbm>>
      tpu.wait_dma2 semaphore(%run_scoped3A : memref<!tpu.dma_semaphore, #tpu.memory_space<semaphore_mem>>) src(%arg10 : memref<160x64xf32, #tpu.memory_space<vmem>>) dst(%dma_wait3A_64 : memref<160x64xf32, #tpu.memory_space<hbm>>)
      tpu.yield
    }) : () -> ()
    %mul3A_47 = arith.constant 640 : i32
    %mul3A_48 = arith.muli %arg1, %mul3A_47 : i32
    %add3A_49 = arith.constant 480 : i32
    %add3A_50 = arith.addi %mul3A_48, %add3A_49 : i32
    "tpu.region"() ({
      %run_scoped3A = tpu.sem_alloc : memref<!tpu.dma_semaphore, #tpu.memory_space<semaphore_mem>>
      %dma_start3A = arith.constant 0 : i32
      %dma_start3A_55 = tpu.memref_slice %arg11[%add3A_50, %dma_start3A] : memref<10240x64xf32, #tpu.memory_space<vmem_shared>> -> memref<160x64xf32, #tpu.memory_space<vmem_shared>>
      %dma_start3A_56 = arith.constant 0 : i32
      %dma_start3A_57 = tpu.memref_slice %arg11[%add3A_50, %dma_start3A_56] : memref<10240x64xf32, #tpu.memory_space<vmem_shared>> -> memref<160x64xf32, #tpu.memory_space<vmem_shared>>
      tpu.enqueue_dma source(%dma_start3A_57 : memref<160x64xf32, #tpu.memory_space<vmem_shared>>) target(%arg10 : memref<160x64xf32, #tpu.memory_space<vmem>>) target_semaphore(%run_scoped3A : memref<!tpu.dma_semaphore, #tpu.memory_space<semaphore_mem>>)
      %dma_wait3A = arith.constant 0 : i32
      %dma_wait3A_58 = tpu.memref_slice %arg11[%add3A_50, %dma_wait3A] : memref<10240x64xf32, #tpu.memory_space<vmem_shared>> -> memref<160x64xf32, #tpu.memory_space<vmem_shared>>
      %dma_wait3A_59 = arith.constant 0 : i32
      %dma_wait3A_60 = tpu.memref_slice %arg11[%add3A_50, %dma_wait3A_59] : memref<10240x64xf32, #tpu.memory_space<vmem_shared>> -> memref<160x64xf32, #tpu.memory_space<vmem_shared>>
      tpu.wait_dma2 semaphore(%run_scoped3A : memref<!tpu.dma_semaphore, #tpu.memory_space<semaphore_mem>>) src(%dma_wait3A_60 : memref<160x64xf32, #tpu.memory_space<vmem_shared>>) dst(%arg10 : memref<160x64xf32, #tpu.memory_space<vmem>>)
      tpu.yield
    }) : () -> ()
    %mul3A_51 = arith.constant 640 : i32
    %mul3A_52 = arith.muli %arg1, %mul3A_51 : i32
    %add3A_53 = arith.constant 480 : i32
    %add3A_54 = arith.addi %mul3A_52, %add3A_53 : i32
    "tpu.region"() ({
      %run_scoped3A = tpu.sem_alloc : memref<!tpu.dma_semaphore, #tpu.memory_space<semaphore_mem>>
      %dma_start3A = arith.constant 0 : i32
      %dma_start3A_55 = tpu.memref_slice %arg6[%arg0, %add3A_54, %dma_start3A] : memref<2x10240x64xf32, #tpu.memory_space<hbm>> -> memref<1x160x64xf32, #tpu.memory_space<hbm>>
      %dma_start3A_56 = tpu.memref_squeeze %dma_start3A_55 : memref<1x160x64xf32, #tpu.memory_space<hbm>> -> memref<160x64xf32, #tpu.memory_space<hbm>>
      %dma_start3A_57 = arith.constant 0 : i32
      %dma_start3A_58 = tpu.memref_slice %arg6[%arg0, %add3A_54, %dma_start3A_57] : memref<2x10240x64xf32, #tpu.memory_space<hbm>> -> memref<1x160x64xf32, #tpu.memory_space<hbm>>
      %dma_start3A_59 = tpu.memref_squeeze %dma_start3A_58 : memref<1x160x64xf32, #tpu.memory_space<hbm>> -> memref<160x64xf32, #tpu.memory_space<hbm>>
      tpu.enqueue_dma source(%arg10 : memref<160x64xf32, #tpu.memory_space<vmem>>) target(%dma_start3A_59 : memref<160x64xf32, #tpu.memory_space<hbm>>) target_semaphore(%run_scoped3A : memref<!tpu.dma_semaphore, #tpu.memory_space<semaphore_mem>>)
      %dma_wait3A = arith.constant 0 : i32
      %dma_wait3A_60 = tpu.memref_slice %arg6[%arg0, %add3A_54, %dma_wait3A] : memref<2x10240x64xf32, #tpu.memory_space<hbm>> -> memref<1x160x64xf32, #tpu.memory_space<hbm>>
      %dma_wait3A_61 = tpu.memref_squeeze %dma_wait3A_60 : memref<1x160x64xf32, #tpu.memory_space<hbm>> -> memref<160x64xf32, #tpu.memory_space<hbm>>
      %dma_wait3A_62 = arith.constant 0 : i32
      %dma_wait3A_63 = tpu.memref_slice %arg6[%arg0, %add3A_54, %dma_wait3A_62] : memref<2x10240x64xf32, #tpu.memory_space<hbm>> -> memref<1x160x64xf32, #tpu.memory_space<hbm>>
      %dma_wait3A_64 = tpu.memref_squeeze %dma_wait3A_63 : memref<1x160x64xf32, #tpu.memory_space<hbm>> -> memref<160x64xf32, #tpu.memory_space<hbm>>
      tpu.wait_dma2 semaphore(%run_scoped3A : memref<!tpu.dma_semaphore, #tpu.memory_space<semaphore_mem>>) src(%arg10 : memref<160x64xf32, #tpu.memory_space<vmem>>) dst(%dma_wait3A_64 : memref<160x64xf32, #tpu.memory_space<hbm>>)
      tpu.yield
    }) : () -> ()
    return
  }
}

#map = affine_map<(d0, d1) -> (0, 0)>
#map1 = affine_map<(d0, d1) -> (0, 0, 0)>
module attributes {stable_mosaic.version = 14 : i64} {
  func.func @_agg_body(%arg0: i32, %arg1: i32, %arg2: memref<10240x64xf32, #tpu.memory_space<hbm>>, %arg3: memref<32x79x128xi32, #tpu.memory_space<hbm>>, %arg4: memref<32x79x128xi32, #tpu.memory_space<hbm>>, %arg5: memref<160x64xf32, #tpu.memory_space<hbm>>, %arg6: memref<2x10240x64xf32, #tpu.memory_space<hbm>>, %arg7: memref<79x128xi32, #tpu.memory_space<vmem>>, %arg8: memref<79x128xi32, #tpu.memory_space<vmem>>, %arg9: memref<128x64xf32, #tpu.memory_space<vmem>>, %arg10: memref<160x64xf32, #tpu.memory_space<vmem>>, %arg11: memref<10240x64xf32, #tpu.memory_space<vmem_shared>>, %arg12: memref<!tpu.dma_semaphore, #tpu.memory_space<semaphore_mem>>) attributes {dimension_semantics = [#tpu.dimension_semantics<core_parallel>, #tpu.dimension_semantics<subcore_parallel>], iteration_bounds = array<i64: 2, 16>, scalar_prefetch = 0 : i64, scratch_operands = 6 : i64, tpu.core_type = #tpu.core_type<sc_vector_subcore>, window_params = [{transform_indices = #map}, {transform_indices = #map1}, {transform_indices = #map1}, {transform_indices = #map}, {transform_indices = #map1}]} {
    %mul3A = arith.constant 16 : i32
    %mul3A_0 = arith.muli %arg0, %mul3A : i32
    %add3A = arith.addi %mul3A_0, %arg1 : i32
    "tpu.region"() ({
      %run_scoped3A = tpu.sem_alloc : memref<!tpu.dma_semaphore, #tpu.memory_space<semaphore_mem>>
      tpu.enqueue_dma source(%arg5 : memref<160x64xf32, #tpu.memory_space<hbm>>) target(%arg10 : memref<160x64xf32, #tpu.memory_space<vmem>>) target_semaphore(%run_scoped3A : memref<!tpu.dma_semaphore, #tpu.memory_space<semaphore_mem>>)
      tpu.wait_dma2 semaphore(%run_scoped3A : memref<!tpu.dma_semaphore, #tpu.memory_space<semaphore_mem>>) src(%arg5 : memref<160x64xf32, #tpu.memory_space<hbm>>) dst(%arg10 : memref<160x64xf32, #tpu.memory_space<vmem>>)
      tpu.yield
    }) : () -> ()
    %mul3A_1 = arith.constant 640 : i32
    %mul3A_2 = arith.muli %arg1, %mul3A_1 : i32
    %add3A_3 = arith.constant 0 : i32
    %add3A_4 = arith.addi %mul3A_2, %add3A_3 : i32
    "tpu.region"() ({
      %run_scoped3A = tpu.sem_alloc : memref<!tpu.dma_semaphore, #tpu.memory_space<semaphore_mem>>
      %dma_start3A = arith.constant 0 : i32
      %dma_start3A_55 = tpu.memref_slice %arg11[%add3A_4, %dma_start3A] : memref<10240x64xf32, #tpu.memory_space<vmem_shared>> -> memref<160x64xf32, #tpu.memory_space<vmem_shared>>
      %dma_start3A_56 = arith.constant 0 : i32
      %dma_start3A_57 = tpu.memref_slice %arg11[%add3A_4, %dma_start3A_56] : memref<10240x64xf32, #tpu.memory_space<vmem_shared>> -> memref<160x64xf32, #tpu.memory_space<vmem_shared>>
      tpu.enqueue_dma source(%arg10 : memref<160x64xf32, #tpu.memory_space<vmem>>) target(%dma_start3A_57 : memref<160x64xf32, #tpu.memory_space<vmem_shared>>) target_semaphore(%run_scoped3A : memref<!tpu.dma_semaphore, #tpu.memory_space<semaphore_mem>>)
      %dma_wait3A = arith.constant 0 : i32
      %dma_wait3A_58 = tpu.memref_slice %arg11[%add3A_4, %dma_wait3A] : memref<10240x64xf32, #tpu.memory_space<vmem_shared>> -> memref<160x64xf32, #tpu.memory_space<vmem_shared>>
      %dma_wait3A_59 = arith.constant 0 : i32
      %dma_wait3A_60 = tpu.memref_slice %arg11[%add3A_4, %dma_wait3A_59] : memref<10240x64xf32, #tpu.memory_space<vmem_shared>> -> memref<160x64xf32, #tpu.memory_space<vmem_shared>>
      tpu.wait_dma2 semaphore(%run_scoped3A : memref<!tpu.dma_semaphore, #tpu.memory_space<semaphore_mem>>) src(%arg10 : memref<160x64xf32, #tpu.memory_space<vmem>>) dst(%dma_wait3A_60 : memref<160x64xf32, #tpu.memory_space<vmem_shared>>)
      tpu.yield
    }) : () -> ()
    %mul3A_5 = arith.constant 640 : i32
    %mul3A_6 = arith.muli %arg1, %mul3A_5 : i32
    %add3A_7 = arith.constant 160 : i32
    %add3A_8 = arith.addi %mul3A_6, %add3A_7 : i32
    "tpu.region"() ({
      %run_scoped3A = tpu.sem_alloc : memref<!tpu.dma_semaphore, #tpu.memory_space<semaphore_mem>>
      %dma_start3A = arith.constant 0 : i32
      %dma_start3A_55 = tpu.memref_slice %arg11[%add3A_8, %dma_start3A] : memref<10240x64xf32, #tpu.memory_space<vmem_shared>> -> memref<160x64xf32, #tpu.memory_space<vmem_shared>>
      %dma_start3A_56 = arith.constant 0 : i32
      %dma_start3A_57 = tpu.memref_slice %arg11[%add3A_8, %dma_start3A_56] : memref<10240x64xf32, #tpu.memory_space<vmem_shared>> -> memref<160x64xf32, #tpu.memory_space<vmem_shared>>
      tpu.enqueue_dma source(%arg10 : memref<160x64xf32, #tpu.memory_space<vmem>>) target(%dma_start3A_57 : memref<160x64xf32, #tpu.memory_space<vmem_shared>>) target_semaphore(%run_scoped3A : memref<!tpu.dma_semaphore, #tpu.memory_space<semaphore_mem>>)
      %dma_wait3A = arith.constant 0 : i32
      %dma_wait3A_58 = tpu.memref_slice %arg11[%add3A_8, %dma_wait3A] : memref<10240x64xf32, #tpu.memory_space<vmem_shared>> -> memref<160x64xf32, #tpu.memory_space<vmem_shared>>
      %dma_wait3A_59 = arith.constant 0 : i32
      %dma_wait3A_60 = tpu.memref_slice %arg11[%add3A_8, %dma_wait3A_59] : memref<10240x64xf32, #tpu.memory_space<vmem_shared>> -> memref<160x64xf32, #tpu.memory_space<vmem_shared>>
      tpu.wait_dma2 semaphore(%run_scoped3A : memref<!tpu.dma_semaphore, #tpu.memory_space<semaphore_mem>>) src(%arg10 : memref<160x64xf32, #tpu.memory_space<vmem>>) dst(%dma_wait3A_60 : memref<160x64xf32, #tpu.memory_space<vmem_shared>>)
      tpu.yield
    }) : () -> ()
    %mul3A_9 = arith.constant 640 : i32
    %mul3A_10 = arith.muli %arg1, %mul3A_9 : i32
    %add3A_11 = arith.constant 320 : i32
    %add3A_12 = arith.addi %mul3A_10, %add3A_11 : i32
    "tpu.region"() ({
      %run_scoped3A = tpu.sem_alloc : memref<!tpu.dma_semaphore, #tpu.memory_space<semaphore_mem>>
      %dma_start3A = arith.constant 0 : i32
      %dma_start3A_55 = tpu.memref_slice %arg11[%add3A_12, %dma_start3A] : memref<10240x64xf32, #tpu.memory_space<vmem_shared>> -> memref<160x64xf32, #tpu.memory_space<vmem_shared>>
      %dma_start3A_56 = arith.constant 0 : i32
      %dma_start3A_57 = tpu.memref_slice %arg11[%add3A_12, %dma_start3A_56] : memref<10240x64xf32, #tpu.memory_space<vmem_shared>> -> memref<160x64xf32, #tpu.memory_space<vmem_shared>>
      tpu.enqueue_dma source(%arg10 : memref<160x64xf32, #tpu.memory_space<vmem>>) target(%dma_start3A_57 : memref<160x64xf32, #tpu.memory_space<vmem_shared>>) target_semaphore(%run_scoped3A : memref<!tpu.dma_semaphore, #tpu.memory_space<semaphore_mem>>)
      %dma_wait3A = arith.constant 0 : i32
      %dma_wait3A_58 = tpu.memref_slice %arg11[%add3A_12, %dma_wait3A] : memref<10240x64xf32, #tpu.memory_space<vmem_shared>> -> memref<160x64xf32, #tpu.memory_space<vmem_shared>>
      %dma_wait3A_59 = arith.constant 0 : i32
      %dma_wait3A_60 = tpu.memref_slice %arg11[%add3A_12, %dma_wait3A_59] : memref<10240x64xf32, #tpu.memory_space<vmem_shared>> -> memref<160x64xf32, #tpu.memory_space<vmem_shared>>
      tpu.wait_dma2 semaphore(%run_scoped3A : memref<!tpu.dma_semaphore, #tpu.memory_space<semaphore_mem>>) src(%arg10 : memref<160x64xf32, #tpu.memory_space<vmem>>) dst(%dma_wait3A_60 : memref<160x64xf32, #tpu.memory_space<vmem_shared>>)
      tpu.yield
    }) : () -> ()
    %mul3A_13 = arith.constant 640 : i32
    %mul3A_14 = arith.muli %arg1, %mul3A_13 : i32
    %add3A_15 = arith.constant 480 : i32
    %add3A_16 = arith.addi %mul3A_14, %add3A_15 : i32
    "tpu.region"() ({
      %run_scoped3A = tpu.sem_alloc : memref<!tpu.dma_semaphore, #tpu.memory_space<semaphore_mem>>
      %dma_start3A = arith.constant 0 : i32
      %dma_start3A_55 = tpu.memref_slice %arg11[%add3A_16, %dma_start3A] : memref<10240x64xf32, #tpu.memory_space<vmem_shared>> -> memref<160x64xf32, #tpu.memory_space<vmem_shared>>
      %dma_start3A_56 = arith.constant 0 : i32
      %dma_start3A_57 = tpu.memref_slice %arg11[%add3A_16, %dma_start3A_56] : memref<10240x64xf32, #tpu.memory_space<vmem_shared>> -> memref<160x64xf32, #tpu.memory_space<vmem_shared>>
      tpu.enqueue_dma source(%arg10 : memref<160x64xf32, #tpu.memory_space<vmem>>) target(%dma_start3A_57 : memref<160x64xf32, #tpu.memory_space<vmem_shared>>) target_semaphore(%run_scoped3A : memref<!tpu.dma_semaphore, #tpu.memory_space<semaphore_mem>>)
      %dma_wait3A = arith.constant 0 : i32
      %dma_wait3A_58 = tpu.memref_slice %arg11[%add3A_16, %dma_wait3A] : memref<10240x64xf32, #tpu.memory_space<vmem_shared>> -> memref<160x64xf32, #tpu.memory_space<vmem_shared>>
      %dma_wait3A_59 = arith.constant 0 : i32
      %dma_wait3A_60 = tpu.memref_slice %arg11[%add3A_16, %dma_wait3A_59] : memref<10240x64xf32, #tpu.memory_space<vmem_shared>> -> memref<160x64xf32, #tpu.memory_space<vmem_shared>>
      tpu.wait_dma2 semaphore(%run_scoped3A : memref<!tpu.dma_semaphore, #tpu.memory_space<semaphore_mem>>) src(%arg10 : memref<160x64xf32, #tpu.memory_space<vmem>>) dst(%dma_wait3A_60 : memref<160x64xf32, #tpu.memory_space<vmem_shared>>)
      tpu.yield
    }) : () -> ()
    "tpu.region"() ({
      %run_scoped3A = tpu.sem_alloc : memref<!tpu.dma_semaphore, #tpu.memory_space<semaphore_mem>>
      %dma_start3A = arith.constant 0 : i32
      %dma_start3A_55 = arith.constant 0 : i32
      %dma_start3A_56 = tpu.memref_slice %arg3[%add3A, %dma_start3A, %dma_start3A_55] : memref<32x79x128xi32, #tpu.memory_space<hbm>> -> memref<1x79x128xi32, #tpu.memory_space<hbm>>
      %dma_start3A_57 = tpu.memref_squeeze %dma_start3A_56 : memref<1x79x128xi32, #tpu.memory_space<hbm>> -> memref<79x128xi32, #tpu.memory_space<hbm>>
      %dma_start3A_58 = arith.constant 0 : i32
      %dma_start3A_59 = arith.constant 0 : i32
      %dma_start3A_60 = tpu.memref_slice %arg3[%add3A, %dma_start3A_58, %dma_start3A_59] : memref<32x79x128xi32, #tpu.memory_space<hbm>> -> memref<1x79x128xi32, #tpu.memory_space<hbm>>
      %dma_start3A_61 = tpu.memref_squeeze %dma_start3A_60 : memref<1x79x128xi32, #tpu.memory_space<hbm>> -> memref<79x128xi32, #tpu.memory_space<hbm>>
      tpu.enqueue_dma source(%dma_start3A_61 : memref<79x128xi32, #tpu.memory_space<hbm>>) target(%arg7 : memref<79x128xi32, #tpu.memory_space<vmem>>) target_semaphore(%run_scoped3A : memref<!tpu.dma_semaphore, #tpu.memory_space<semaphore_mem>>)
      %dma_wait3A = arith.constant 0 : i32
      %dma_wait3A_62 = arith.constant 0 : i32
      %dma_wait3A_63 = tpu.memref_slice %arg3[%add3A, %dma_wait3A, %dma_wait3A_62] : memref<32x79x128xi32, #tpu.memory_space<hbm>> -> memref<1x79x128xi32, #tpu.memory_space<hbm>>
      %dma_wait3A_64 = tpu.memref_squeeze %dma_wait3A_63 : memref<1x79x128xi32, #tpu.memory_space<hbm>> -> memref<79x128xi32, #tpu.memory_space<hbm>>
      %dma_wait3A_65 = arith.constant 0 : i32
      %dma_wait3A_66 = arith.constant 0 : i32
      %dma_wait3A_67 = tpu.memref_slice %arg3[%add3A, %dma_wait3A_65, %dma_wait3A_66] : memref<32x79x128xi32, #tpu.memory_space<hbm>> -> memref<1x79x128xi32, #tpu.memory_space<hbm>>
      %dma_wait3A_68 = tpu.memref_squeeze %dma_wait3A_67 : memref<1x79x128xi32, #tpu.memory_space<hbm>> -> memref<79x128xi32, #tpu.memory_space<hbm>>
      tpu.wait_dma2 semaphore(%run_scoped3A : memref<!tpu.dma_semaphore, #tpu.memory_space<semaphore_mem>>) src(%dma_wait3A_68 : memref<79x128xi32, #tpu.memory_space<hbm>>) dst(%arg7 : memref<79x128xi32, #tpu.memory_space<vmem>>)
      tpu.yield
    }) : () -> ()
    "tpu.region"() ({
      %run_scoped3A = tpu.sem_alloc : memref<!tpu.dma_semaphore, #tpu.memory_space<semaphore_mem>>
      %dma_start3A = arith.constant 0 : i32
      %dma_start3A_55 = arith.constant 0 : i32
      %dma_start3A_56 = tpu.memref_slice %arg4[%add3A, %dma_start3A, %dma_start3A_55] : memref<32x79x128xi32, #tpu.memory_space<hbm>> -> memref<1x79x128xi32, #tpu.memory_space<hbm>>
      %dma_start3A_57 = tpu.memref_squeeze %dma_start3A_56 : memref<1x79x128xi32, #tpu.memory_space<hbm>> -> memref<79x128xi32, #tpu.memory_space<hbm>>
      %dma_start3A_58 = arith.constant 0 : i32
      %dma_start3A_59 = arith.constant 0 : i32
      %dma_start3A_60 = tpu.memref_slice %arg4[%add3A, %dma_start3A_58, %dma_start3A_59] : memref<32x79x128xi32, #tpu.memory_space<hbm>> -> memref<1x79x128xi32, #tpu.memory_space<hbm>>
      %dma_start3A_61 = tpu.memref_squeeze %dma_start3A_60 : memref<1x79x128xi32, #tpu.memory_space<hbm>> -> memref<79x128xi32, #tpu.memory_space<hbm>>
      tpu.enqueue_dma source(%dma_start3A_61 : memref<79x128xi32, #tpu.memory_space<hbm>>) target(%arg8 : memref<79x128xi32, #tpu.memory_space<vmem>>) target_semaphore(%run_scoped3A : memref<!tpu.dma_semaphore, #tpu.memory_space<semaphore_mem>>)
      %dma_wait3A = arith.constant 0 : i32
      %dma_wait3A_62 = arith.constant 0 : i32
      %dma_wait3A_63 = tpu.memref_slice %arg4[%add3A, %dma_wait3A, %dma_wait3A_62] : memref<32x79x128xi32, #tpu.memory_space<hbm>> -> memref<1x79x128xi32, #tpu.memory_space<hbm>>
      %dma_wait3A_64 = tpu.memref_squeeze %dma_wait3A_63 : memref<1x79x128xi32, #tpu.memory_space<hbm>> -> memref<79x128xi32, #tpu.memory_space<hbm>>
      %dma_wait3A_65 = arith.constant 0 : i32
      %dma_wait3A_66 = arith.constant 0 : i32
      %dma_wait3A_67 = tpu.memref_slice %arg4[%add3A, %dma_wait3A_65, %dma_wait3A_66] : memref<32x79x128xi32, #tpu.memory_space<hbm>> -> memref<1x79x128xi32, #tpu.memory_space<hbm>>
      %dma_wait3A_68 = tpu.memref_squeeze %dma_wait3A_67 : memref<1x79x128xi32, #tpu.memory_space<hbm>> -> memref<79x128xi32, #tpu.memory_space<hbm>>
      tpu.wait_dma2 semaphore(%run_scoped3A : memref<!tpu.dma_semaphore, #tpu.memory_space<semaphore_mem>>) src(%dma_wait3A_68 : memref<79x128xi32, #tpu.memory_space<hbm>>) dst(%arg8 : memref<79x128xi32, #tpu.memory_space<vmem>>)
      tpu.yield
    }) : () -> ()
    %barrier3A = arith.constant 0 : index
    tpu.barrier barrier_id(%barrier3A)
    %scan3A = arith.constant 0 : i32
    %scan3A_17 = arith.constant 0 : i32
    %scan3A_18 = arith.constant 79 : i32
    %scan3A_19 = arith.addi %scan3A_17, %scan3A_18 : i32
    %scan3A_20 = arith.constant 1 : i32
    scf.for %scan3A_55 = %scan3A_17 to %scan3A_19 step %scan3A_20  : i32 {
      %dma_start3A = arith.constant 0 : i32
      %dma_start3A_56 = tpu.memref_slice %arg7[%scan3A_55, %dma_start3A] : memref<79x128xi32, #tpu.memory_space<vmem>> -> memref<1x128xi32, #tpu.memory_space<vmem>>
      %dma_start3A_57 = tpu.memref_squeeze %dma_start3A_56 : memref<1x128xi32, #tpu.memory_space<vmem>> -> memref<128xi32, #tpu.memory_space<vmem>>
      %dma_start3A_58 = arith.constant 0 : i32
      %dma_start3A_59 = arith.constant 0 : i32
      %dma_start3A_60 = tpu.memref_slice %arg2[%dma_start3A_58, %dma_start3A_59] : memref<10240x64xf32, #tpu.memory_space<hbm>> -> memref<10240x64xf32, #tpu.memory_space<hbm>>
      tpu.enqueue_indirect_dma source(%dma_start3A_60 : memref<10240x64xf32, #tpu.memory_space<hbm>>) target(%arg9 : memref<128x64xf32, #tpu.memory_space<vmem>>) offsets(%dma_start3A_57 : memref<128xi32, #tpu.memory_space<vmem>>) semaphore(%arg12 : memref<!tpu.dma_semaphore, #tpu.memory_space<semaphore_mem>>)
      %dma_wait3A = arith.constant 0 : i32
      %dma_wait3A_61 = tpu.memref_slice %arg7[%scan3A_55, %dma_wait3A] : memref<79x128xi32, #tpu.memory_space<vmem>> -> memref<1x128xi32, #tpu.memory_space<vmem>>
      %dma_wait3A_62 = tpu.memref_squeeze %dma_wait3A_61 : memref<1x128xi32, #tpu.memory_space<vmem>> -> memref<128xi32, #tpu.memory_space<vmem>>
      %dma_wait3A_63 = arith.constant 0 : i32
      %dma_wait3A_64 = arith.constant 0 : i32
      %dma_wait3A_65 = tpu.memref_slice %arg2[%dma_wait3A_63, %dma_wait3A_64] : memref<10240x64xf32, #tpu.memory_space<hbm>> -> memref<10240x64xf32, #tpu.memory_space<hbm>>
      tpu.wait_indirect_dma semaphore(%arg12 : memref<!tpu.dma_semaphore, #tpu.memory_space<semaphore_mem>>) src(%dma_wait3A_65 : memref<10240x64xf32, #tpu.memory_space<hbm>>) dst(%arg9 : memref<128x64xf32, #tpu.memory_space<vmem>>)
      "tpu.region"() ({
        %run_scoped3A = tpu.sem_alloc : memref<!tpu.dma_semaphore, #tpu.memory_space<semaphore_mem>>
        %dma_start3A_66 = arith.constant 0 : i32
        %dma_start3A_67 = tpu.memref_slice %arg8[%scan3A_55, %dma_start3A_66] : memref<79x128xi32, #tpu.memory_space<vmem>> -> memref<1x128xi32, #tpu.memory_space<vmem>>
        %dma_start3A_68 = tpu.memref_squeeze %dma_start3A_67 : memref<1x128xi32, #tpu.memory_space<vmem>> -> memref<128xi32, #tpu.memory_space<vmem>>
        %dma_start3A_69 = arith.constant 0 : i32
        %dma_start3A_70 = arith.constant 0 : i32
        %dma_start3A_71 = tpu.memref_slice %arg11[%dma_start3A_69, %dma_start3A_70] : memref<10240x64xf32, #tpu.memory_space<vmem_shared>> -> memref<10240x64xf32, #tpu.memory_space<vmem_shared>>
        tpu.enqueue_indirect_dma source(%arg9 : memref<128x64xf32, #tpu.memory_space<vmem>>) target(%dma_start3A_71 : memref<10240x64xf32, #tpu.memory_space<vmem_shared>>) offsets(%dma_start3A_68 : memref<128xi32, #tpu.memory_space<vmem>>) semaphore(%run_scoped3A : memref<!tpu.dma_semaphore, #tpu.memory_space<semaphore_mem>>) {add = true}
        %dma_wait3A_72 = arith.constant 0 : i32
        %dma_wait3A_73 = tpu.memref_slice %arg8[%scan3A_55, %dma_wait3A_72] : memref<79x128xi32, #tpu.memory_space<vmem>> -> memref<1x128xi32, #tpu.memory_space<vmem>>
        %dma_wait3A_74 = tpu.memref_squeeze %dma_wait3A_73 : memref<1x128xi32, #tpu.memory_space<vmem>> -> memref<128xi32, #tpu.memory_space<vmem>>
        %dma_wait3A_75 = arith.constant 0 : i32
        %dma_wait3A_76 = arith.constant 0 : i32
        %dma_wait3A_77 = tpu.memref_slice %arg11[%dma_wait3A_75, %dma_wait3A_76] : memref<10240x64xf32, #tpu.memory_space<vmem_shared>> -> memref<10240x64xf32, #tpu.memory_space<vmem_shared>>
        tpu.wait_indirect_dma semaphore(%run_scoped3A : memref<!tpu.dma_semaphore, #tpu.memory_space<semaphore_mem>>) src(%arg9 : memref<128x64xf32, #tpu.memory_space<vmem>>) dst(%dma_wait3A_77 : memref<10240x64xf32, #tpu.memory_space<vmem_shared>>)
        tpu.yield
      }) : () -> ()
    }
    %scan3A_21 = arith.constant 79 : i32
    %barrier3A_22 = arith.constant 0 : index
    tpu.barrier barrier_id(%barrier3A_22)
    %mul3A_23 = arith.constant 640 : i32
    %mul3A_24 = arith.muli %arg1, %mul3A_23 : i32
    %add3A_25 = arith.constant 0 : i32
    %add3A_26 = arith.addi %mul3A_24, %add3A_25 : i32
    "tpu.region"() ({
      %run_scoped3A = tpu.sem_alloc : memref<!tpu.dma_semaphore, #tpu.memory_space<semaphore_mem>>
      %dma_start3A = arith.constant 0 : i32
      %dma_start3A_55 = tpu.memref_slice %arg11[%add3A_26, %dma_start3A] : memref<10240x64xf32, #tpu.memory_space<vmem_shared>> -> memref<160x64xf32, #tpu.memory_space<vmem_shared>>
      %dma_start3A_56 = arith.constant 0 : i32
      %dma_start3A_57 = tpu.memref_slice %arg11[%add3A_26, %dma_start3A_56] : memref<10240x64xf32, #tpu.memory_space<vmem_shared>> -> memref<160x64xf32, #tpu.memory_space<vmem_shared>>
      tpu.enqueue_dma source(%dma_start3A_57 : memref<160x64xf32, #tpu.memory_space<vmem_shared>>) target(%arg10 : memref<160x64xf32, #tpu.memory_space<vmem>>) target_semaphore(%run_scoped3A : memref<!tpu.dma_semaphore, #tpu.memory_space<semaphore_mem>>)
      %dma_wait3A = arith.constant 0 : i32
      %dma_wait3A_58 = tpu.memref_slice %arg11[%add3A_26, %dma_wait3A] : memref<10240x64xf32, #tpu.memory_space<vmem_shared>> -> memref<160x64xf32, #tpu.memory_space<vmem_shared>>
      %dma_wait3A_59 = arith.constant 0 : i32
      %dma_wait3A_60 = tpu.memref_slice %arg11[%add3A_26, %dma_wait3A_59] : memref<10240x64xf32, #tpu.memory_space<vmem_shared>> -> memref<160x64xf32, #tpu.memory_space<vmem_shared>>
      tpu.wait_dma2 semaphore(%run_scoped3A : memref<!tpu.dma_semaphore, #tpu.memory_space<semaphore_mem>>) src(%dma_wait3A_60 : memref<160x64xf32, #tpu.memory_space<vmem_shared>>) dst(%arg10 : memref<160x64xf32, #tpu.memory_space<vmem>>)
      tpu.yield
    }) : () -> ()
    %mul3A_27 = arith.constant 640 : i32
    %mul3A_28 = arith.muli %arg1, %mul3A_27 : i32
    %add3A_29 = arith.constant 0 : i32
    %add3A_30 = arith.addi %mul3A_28, %add3A_29 : i32
    "tpu.region"() ({
      %run_scoped3A = tpu.sem_alloc : memref<!tpu.dma_semaphore, #tpu.memory_space<semaphore_mem>>
      %dma_start3A = arith.constant 0 : i32
      %dma_start3A_55 = tpu.memref_slice %arg6[%arg0, %add3A_30, %dma_start3A] : memref<2x10240x64xf32, #tpu.memory_space<hbm>> -> memref<1x160x64xf32, #tpu.memory_space<hbm>>
      %dma_start3A_56 = tpu.memref_squeeze %dma_start3A_55 : memref<1x160x64xf32, #tpu.memory_space<hbm>> -> memref<160x64xf32, #tpu.memory_space<hbm>>
      %dma_start3A_57 = arith.constant 0 : i32
      %dma_start3A_58 = tpu.memref_slice %arg6[%arg0, %add3A_30, %dma_start3A_57] : memref<2x10240x64xf32, #tpu.memory_space<hbm>> -> memref<1x160x64xf32, #tpu.memory_space<hbm>>
      %dma_start3A_59 = tpu.memref_squeeze %dma_start3A_58 : memref<1x160x64xf32, #tpu.memory_space<hbm>> -> memref<160x64xf32, #tpu.memory_space<hbm>>
      tpu.enqueue_dma source(%arg10 : memref<160x64xf32, #tpu.memory_space<vmem>>) target(%dma_start3A_59 : memref<160x64xf32, #tpu.memory_space<hbm>>) target_semaphore(%run_scoped3A : memref<!tpu.dma_semaphore, #tpu.memory_space<semaphore_mem>>)
      %dma_wait3A = arith.constant 0 : i32
      %dma_wait3A_60 = tpu.memref_slice %arg6[%arg0, %add3A_30, %dma_wait3A] : memref<2x10240x64xf32, #tpu.memory_space<hbm>> -> memref<1x160x64xf32, #tpu.memory_space<hbm>>
      %dma_wait3A_61 = tpu.memref_squeeze %dma_wait3A_60 : memref<1x160x64xf32, #tpu.memory_space<hbm>> -> memref<160x64xf32, #tpu.memory_space<hbm>>
      %dma_wait3A_62 = arith.constant 0 : i32
      %dma_wait3A_63 = tpu.memref_slice %arg6[%arg0, %add3A_30, %dma_wait3A_62] : memref<2x10240x64xf32, #tpu.memory_space<hbm>> -> memref<1x160x64xf32, #tpu.memory_space<hbm>>
      %dma_wait3A_64 = tpu.memref_squeeze %dma_wait3A_63 : memref<1x160x64xf32, #tpu.memory_space<hbm>> -> memref<160x64xf32, #tpu.memory_space<hbm>>
      tpu.wait_dma2 semaphore(%run_scoped3A : memref<!tpu.dma_semaphore, #tpu.memory_space<semaphore_mem>>) src(%arg10 : memref<160x64xf32, #tpu.memory_space<vmem>>) dst(%dma_wait3A_64 : memref<160x64xf32, #tpu.memory_space<hbm>>)
      tpu.yield
    }) : () -> ()
    %mul3A_31 = arith.constant 640 : i32
    %mul3A_32 = arith.muli %arg1, %mul3A_31 : i32
    %add3A_33 = arith.constant 160 : i32
    %add3A_34 = arith.addi %mul3A_32, %add3A_33 : i32
    "tpu.region"() ({
      %run_scoped3A = tpu.sem_alloc : memref<!tpu.dma_semaphore, #tpu.memory_space<semaphore_mem>>
      %dma_start3A = arith.constant 0 : i32
      %dma_start3A_55 = tpu.memref_slice %arg11[%add3A_34, %dma_start3A] : memref<10240x64xf32, #tpu.memory_space<vmem_shared>> -> memref<160x64xf32, #tpu.memory_space<vmem_shared>>
      %dma_start3A_56 = arith.constant 0 : i32
      %dma_start3A_57 = tpu.memref_slice %arg11[%add3A_34, %dma_start3A_56] : memref<10240x64xf32, #tpu.memory_space<vmem_shared>> -> memref<160x64xf32, #tpu.memory_space<vmem_shared>>
      tpu.enqueue_dma source(%dma_start3A_57 : memref<160x64xf32, #tpu.memory_space<vmem_shared>>) target(%arg10 : memref<160x64xf32, #tpu.memory_space<vmem>>) target_semaphore(%run_scoped3A : memref<!tpu.dma_semaphore, #tpu.memory_space<semaphore_mem>>)
      %dma_wait3A = arith.constant 0 : i32
      %dma_wait3A_58 = tpu.memref_slice %arg11[%add3A_34, %dma_wait3A] : memref<10240x64xf32, #tpu.memory_space<vmem_shared>> -> memref<160x64xf32, #tpu.memory_space<vmem_shared>>
      %dma_wait3A_59 = arith.constant 0 : i32
      %dma_wait3A_60 = tpu.memref_slice %arg11[%add3A_34, %dma_wait3A_59] : memref<10240x64xf32, #tpu.memory_space<vmem_shared>> -> memref<160x64xf32, #tpu.memory_space<vmem_shared>>
      tpu.wait_dma2 semaphore(%run_scoped3A : memref<!tpu.dma_semaphore, #tpu.memory_space<semaphore_mem>>) src(%dma_wait3A_60 : memref<160x64xf32, #tpu.memory_space<vmem_shared>>) dst(%arg10 : memref<160x64xf32, #tpu.memory_space<vmem>>)
      tpu.yield
    }) : () -> ()
    %mul3A_35 = arith.constant 640 : i32
    %mul3A_36 = arith.muli %arg1, %mul3A_35 : i32
    %add3A_37 = arith.constant 160 : i32
    %add3A_38 = arith.addi %mul3A_36, %add3A_37 : i32
    "tpu.region"() ({
      %run_scoped3A = tpu.sem_alloc : memref<!tpu.dma_semaphore, #tpu.memory_space<semaphore_mem>>
      %dma_start3A = arith.constant 0 : i32
      %dma_start3A_55 = tpu.memref_slice %arg6[%arg0, %add3A_38, %dma_start3A] : memref<2x10240x64xf32, #tpu.memory_space<hbm>> -> memref<1x160x64xf32, #tpu.memory_space<hbm>>
      %dma_start3A_56 = tpu.memref_squeeze %dma_start3A_55 : memref<1x160x64xf32, #tpu.memory_space<hbm>> -> memref<160x64xf32, #tpu.memory_space<hbm>>
      %dma_start3A_57 = arith.constant 0 : i32
      %dma_start3A_58 = tpu.memref_slice %arg6[%arg0, %add3A_38, %dma_start3A_57] : memref<2x10240x64xf32, #tpu.memory_space<hbm>> -> memref<1x160x64xf32, #tpu.memory_space<hbm>>
      %dma_start3A_59 = tpu.memref_squeeze %dma_start3A_58 : memref<1x160x64xf32, #tpu.memory_space<hbm>> -> memref<160x64xf32, #tpu.memory_space<hbm>>
      tpu.enqueue_dma source(%arg10 : memref<160x64xf32, #tpu.memory_space<vmem>>) target(%dma_start3A_59 : memref<160x64xf32, #tpu.memory_space<hbm>>) target_semaphore(%run_scoped3A : memref<!tpu.dma_semaphore, #tpu.memory_space<semaphore_mem>>)
      %dma_wait3A = arith.constant 0 : i32
      %dma_wait3A_60 = tpu.memref_slice %arg6[%arg0, %add3A_38, %dma_wait3A] : memref<2x10240x64xf32, #tpu.memory_space<hbm>> -> memref<1x160x64xf32, #tpu.memory_space<hbm>>
      %dma_wait3A_61 = tpu.memref_squeeze %dma_wait3A_60 : memref<1x160x64xf32, #tpu.memory_space<hbm>> -> memref<160x64xf32, #tpu.memory_space<hbm>>
      %dma_wait3A_62 = arith.constant 0 : i32
      %dma_wait3A_63 = tpu.memref_slice %arg6[%arg0, %add3A_38, %dma_wait3A_62] : memref<2x10240x64xf32, #tpu.memory_space<hbm>> -> memref<1x160x64xf32, #tpu.memory_space<hbm>>
      %dma_wait3A_64 = tpu.memref_squeeze %dma_wait3A_63 : memref<1x160x64xf32, #tpu.memory_space<hbm>> -> memref<160x64xf32, #tpu.memory_space<hbm>>
      tpu.wait_dma2 semaphore(%run_scoped3A : memref<!tpu.dma_semaphore, #tpu.memory_space<semaphore_mem>>) src(%arg10 : memref<160x64xf32, #tpu.memory_space<vmem>>) dst(%dma_wait3A_64 : memref<160x64xf32, #tpu.memory_space<hbm>>)
      tpu.yield
    }) : () -> ()
    %mul3A_39 = arith.constant 640 : i32
    %mul3A_40 = arith.muli %arg1, %mul3A_39 : i32
    %add3A_41 = arith.constant 320 : i32
    %add3A_42 = arith.addi %mul3A_40, %add3A_41 : i32
    "tpu.region"() ({
      %run_scoped3A = tpu.sem_alloc : memref<!tpu.dma_semaphore, #tpu.memory_space<semaphore_mem>>
      %dma_start3A = arith.constant 0 : i32
      %dma_start3A_55 = tpu.memref_slice %arg11[%add3A_42, %dma_start3A] : memref<10240x64xf32, #tpu.memory_space<vmem_shared>> -> memref<160x64xf32, #tpu.memory_space<vmem_shared>>
      %dma_start3A_56 = arith.constant 0 : i32
      %dma_start3A_57 = tpu.memref_slice %arg11[%add3A_42, %dma_start3A_56] : memref<10240x64xf32, #tpu.memory_space<vmem_shared>> -> memref<160x64xf32, #tpu.memory_space<vmem_shared>>
      tpu.enqueue_dma source(%dma_start3A_57 : memref<160x64xf32, #tpu.memory_space<vmem_shared>>) target(%arg10 : memref<160x64xf32, #tpu.memory_space<vmem>>) target_semaphore(%run_scoped3A : memref<!tpu.dma_semaphore, #tpu.memory_space<semaphore_mem>>)
      %dma_wait3A = arith.constant 0 : i32
      %dma_wait3A_58 = tpu.memref_slice %arg11[%add3A_42, %dma_wait3A] : memref<10240x64xf32, #tpu.memory_space<vmem_shared>> -> memref<160x64xf32, #tpu.memory_space<vmem_shared>>
      %dma_wait3A_59 = arith.constant 0 : i32
      %dma_wait3A_60 = tpu.memref_slice %arg11[%add3A_42, %dma_wait3A_59] : memref<10240x64xf32, #tpu.memory_space<vmem_shared>> -> memref<160x64xf32, #tpu.memory_space<vmem_shared>>
      tpu.wait_dma2 semaphore(%run_scoped3A : memref<!tpu.dma_semaphore, #tpu.memory_space<semaphore_mem>>) src(%dma_wait3A_60 : memref<160x64xf32, #tpu.memory_space<vmem_shared>>) dst(%arg10 : memref<160x64xf32, #tpu.memory_space<vmem>>)
      tpu.yield
    }) : () -> ()
    %mul3A_43 = arith.constant 640 : i32
    %mul3A_44 = arith.muli %arg1, %mul3A_43 : i32
    %add3A_45 = arith.constant 320 : i32
    %add3A_46 = arith.addi %mul3A_44, %add3A_45 : i32
    "tpu.region"() ({
      %run_scoped3A = tpu.sem_alloc : memref<!tpu.dma_semaphore, #tpu.memory_space<semaphore_mem>>
      %dma_start3A = arith.constant 0 : i32
      %dma_start3A_55 = tpu.memref_slice %arg6[%arg0, %add3A_46, %dma_start3A] : memref<2x10240x64xf32, #tpu.memory_space<hbm>> -> memref<1x160x64xf32, #tpu.memory_space<hbm>>
      %dma_start3A_56 = tpu.memref_squeeze %dma_start3A_55 : memref<1x160x64xf32, #tpu.memory_space<hbm>> -> memref<160x64xf32, #tpu.memory_space<hbm>>
      %dma_start3A_57 = arith.constant 0 : i32
      %dma_start3A_58 = tpu.memref_slice %arg6[%arg0, %add3A_46, %dma_start3A_57] : memref<2x10240x64xf32, #tpu.memory_space<hbm>> -> memref<1x160x64xf32, #tpu.memory_space<hbm>>
      %dma_start3A_59 = tpu.memref_squeeze %dma_start3A_58 : memref<1x160x64xf32, #tpu.memory_space<hbm>> -> memref<160x64xf32, #tpu.memory_space<hbm>>
      tpu.enqueue_dma source(%arg10 : memref<160x64xf32, #tpu.memory_space<vmem>>) target(%dma_start3A_59 : memref<160x64xf32, #tpu.memory_space<hbm>>) target_semaphore(%run_scoped3A : memref<!tpu.dma_semaphore, #tpu.memory_space<semaphore_mem>>)
      %dma_wait3A = arith.constant 0 : i32
      %dma_wait3A_60 = tpu.memref_slice %arg6[%arg0, %add3A_46, %dma_wait3A] : memref<2x10240x64xf32, #tpu.memory_space<hbm>> -> memref<1x160x64xf32, #tpu.memory_space<hbm>>
      %dma_wait3A_61 = tpu.memref_squeeze %dma_wait3A_60 : memref<1x160x64xf32, #tpu.memory_space<hbm>> -> memref<160x64xf32, #tpu.memory_space<hbm>>
      %dma_wait3A_62 = arith.constant 0 : i32
      %dma_wait3A_63 = tpu.memref_slice %arg6[%arg0, %add3A_46, %dma_wait3A_62] : memref<2x10240x64xf32, #tpu.memory_space<hbm>> -> memref<1x160x64xf32, #tpu.memory_space<hbm>>
      %dma_wait3A_64 = tpu.memref_squeeze %dma_wait3A_63 : memref<1x160x64xf32, #tpu.memory_space<hbm>> -> memref<160x64xf32, #tpu.memory_space<hbm>>
      tpu.wait_dma2 semaphore(%run_scoped3A : memref<!tpu.dma_semaphore, #tpu.memory_space<semaphore_mem>>) src(%arg10 : memref<160x64xf32, #tpu.memory_space<vmem>>) dst(%dma_wait3A_64 : memref<160x64xf32, #tpu.memory_space<hbm>>)
      tpu.yield
    }) : () -> ()
    %mul3A_47 = arith.constant 640 : i32
    %mul3A_48 = arith.muli %arg1, %mul3A_47 : i32
    %add3A_49 = arith.constant 480 : i32
    %add3A_50 = arith.addi %mul3A_48, %add3A_49 : i32
    "tpu.region"() ({
      %run_scoped3A = tpu.sem_alloc : memref<!tpu.dma_semaphore, #tpu.memory_space<semaphore_mem>>
      %dma_start3A = arith.constant 0 : i32
      %dma_start3A_55 = tpu.memref_slice %arg11[%add3A_50, %dma_start3A] : memref<10240x64xf32, #tpu.memory_space<vmem_shared>> -> memref<160x64xf32, #tpu.memory_space<vmem_shared>>
      %dma_start3A_56 = arith.constant 0 : i32
      %dma_start3A_57 = tpu.memref_slice %arg11[%add3A_50, %dma_start3A_56] : memref<10240x64xf32, #tpu.memory_space<vmem_shared>> -> memref<160x64xf32, #tpu.memory_space<vmem_shared>>
      tpu.enqueue_dma source(%dma_start3A_57 : memref<160x64xf32, #tpu.memory_space<vmem_shared>>) target(%arg10 : memref<160x64xf32, #tpu.memory_space<vmem>>) target_semaphore(%run_scoped3A : memref<!tpu.dma_semaphore, #tpu.memory_space<semaphore_mem>>)
      %dma_wait3A = arith.constant 0 : i32
      %dma_wait3A_58 = tpu.memref_slice %arg11[%add3A_50, %dma_wait3A] : memref<10240x64xf32, #tpu.memory_space<vmem_shared>> -> memref<160x64xf32, #tpu.memory_space<vmem_shared>>
      %dma_wait3A_59 = arith.constant 0 : i32
      %dma_wait3A_60 = tpu.memref_slice %arg11[%add3A_50, %dma_wait3A_59] : memref<10240x64xf32, #tpu.memory_space<vmem_shared>> -> memref<160x64xf32, #tpu.memory_space<vmem_shared>>
      tpu.wait_dma2 semaphore(%run_scoped3A : memref<!tpu.dma_semaphore, #tpu.memory_space<semaphore_mem>>) src(%dma_wait3A_60 : memref<160x64xf32, #tpu.memory_space<vmem_shared>>) dst(%arg10 : memref<160x64xf32, #tpu.memory_space<vmem>>)
      tpu.yield
    }) : () -> ()
    %mul3A_51 = arith.constant 640 : i32
    %mul3A_52 = arith.muli %arg1, %mul3A_51 : i32
    %add3A_53 = arith.constant 480 : i32
    %add3A_54 = arith.addi %mul3A_52, %add3A_53 : i32
    "tpu.region"() ({
      %run_scoped3A = tpu.sem_alloc : memref<!tpu.dma_semaphore, #tpu.memory_space<semaphore_mem>>
      %dma_start3A = arith.constant 0 : i32
      %dma_start3A_55 = tpu.memref_slice %arg6[%arg0, %add3A_54, %dma_start3A] : memref<2x10240x64xf32, #tpu.memory_space<hbm>> -> memref<1x160x64xf32, #tpu.memory_space<hbm>>
      %dma_start3A_56 = tpu.memref_squeeze %dma_start3A_55 : memref<1x160x64xf32, #tpu.memory_space<hbm>> -> memref<160x64xf32, #tpu.memory_space<hbm>>
      %dma_start3A_57 = arith.constant 0 : i32
      %dma_start3A_58 = tpu.memref_slice %arg6[%arg0, %add3A_54, %dma_start3A_57] : memref<2x10240x64xf32, #tpu.memory_space<hbm>> -> memref<1x160x64xf32, #tpu.memory_space<hbm>>
      %dma_start3A_59 = tpu.memref_squeeze %dma_start3A_58 : memref<1x160x64xf32, #tpu.memory_space<hbm>> -> memref<160x64xf32, #tpu.memory_space<hbm>>
      tpu.enqueue_dma source(%arg10 : memref<160x64xf32, #tpu.memory_space<vmem>>) target(%dma_start3A_59 : memref<160x64xf32, #tpu.memory_space<hbm>>) target_semaphore(%run_scoped3A : memref<!tpu.dma_semaphore, #tpu.memory_space<semaphore_mem>>)
      %dma_wait3A = arith.constant 0 : i32
      %dma_wait3A_60 = tpu.memref_slice %arg6[%arg0, %add3A_54, %dma_wait3A] : memref<2x10240x64xf32, #tpu.memory_space<hbm>> -> memref<1x160x64xf32, #tpu.memory_space<hbm>>
      %dma_wait3A_61 = tpu.memref_squeeze %dma_wait3A_60 : memref<1x160x64xf32, #tpu.memory_space<hbm>> -> memref<160x64xf32, #tpu.memory_space<hbm>>
      %dma_wait3A_62 = arith.constant 0 : i32
      %dma_wait3A_63 = tpu.memref_slice %arg6[%arg0, %add3A_54, %dma_wait3A_62] : memref<2x10240x64xf32, #tpu.memory_space<hbm>> -> memref<1x160x64xf32, #tpu.memory_space<hbm>>
      %dma_wait3A_64 = tpu.memref_squeeze %dma_wait3A_63 : memref<1x160x64xf32, #tpu.memory_space<hbm>> -> memref<160x64xf32, #tpu.memory_space<hbm>>
      tpu.wait_dma2 semaphore(%run_scoped3A : memref<!tpu.dma_semaphore, #tpu.memory_space<semaphore_mem>>) src(%arg10 : memref<160x64xf32, #tpu.memory_space<vmem>>) dst(%dma_wait3A_64 : memref<160x64xf32, #tpu.memory_space<hbm>>)
      tpu.yield
    }) : () -> ()
    return
  }
}

module attributes {stable_mosaic.version = 14 : i64} {
  func.func @_l1_body(%arg0: i32, %arg1: memref<1024x128xf32, #tpu.memory_space<vmem>>, %arg2: memref<128x64xf32, #tpu.memory_space<vmem>>, %arg3: memref<64xf32, #tpu.memory_space<vmem>>, %arg4: memref<2x1024x8xf32, #tpu.memory_space<vmem>>, %arg5: memref<1024x64xf32, #tpu.memory_space<vmem>>, %arg6: memref<1024x64xf32, #tpu.memory_space<vmem>>) attributes {dimension_semantics = [#tpu.dimension_semantics<parallel>], iteration_bounds = array<i64: 10>, scalar_prefetch = 0 : i64, scratch_operands = 0 : i64, tpu.core_type = #tpu.core_type<tc>, window_params = [{transform_indices = @transform_0, window_bounds = array<i64: 1024, 128>}, {pipeline_mode = #tpu.pipeline_mode<synchronous>, transform_indices = @transform_1, window_bounds = array<i64: 128, 64>}, {pipeline_mode = #tpu.pipeline_mode<synchronous>, transform_indices = @transform_2, window_bounds = array<i64: 64>}, {transform_indices = @transform_3, window_bounds = array<i64: 2, 1024, 8>}, {transform_indices = @transform_4, window_bounds = array<i64: 1024, 64>}, {transform_indices = @transform_5, window_bounds = array<i64: 1024, 64>}]} {
    %get3A = arith.constant 0 : index
    %get3A_0 = arith.constant 0 : index
    %get3A_1 = vector.load %arg1[%get3A, %get3A_0] : memref<1024x128xf32, #tpu.memory_space<vmem>>, vector<1024x128xf32>
    %get3A_2 = arith.constant 0 : index
    %get3A_3 = arith.constant 0 : index
    %get3A_4 = vector.load %arg2[%get3A_2, %get3A_3] : memref<128x64xf32, #tpu.memory_space<vmem>>, vector<128x64xf32>
    %dot_general3A = arith.constant dense<0.000000e+00> : vector<1024x64xf32>
    %dot_general3A_5 = tpu.matmul %get3A_1, %get3A_4, %dot_general3A {dimension_numbers = #tpu.dot_dimension_numbers<[1], [0], [0], [1], [0, 0, 1, 1], [], []>, transpose_lhs_hint = false} : vector<1024x128xf32>, vector<128x64xf32>, vector<1024x64xf32> -> vector<1024x64xf32>
    %get3A_6 = arith.constant 0 : index
    %get3A_7 = vector.load %arg3[%get3A_6] : memref<64xf32, #tpu.memory_space<vmem>>, vector<64xf32>
    %broadcast_in_dim3A = vector.shape_cast %get3A_7 : vector<64xf32> to vector<1x64xf32>
    %add3A = vector.broadcast %broadcast_in_dim3A : vector<1x64xf32> to vector<1024x64xf32>
    %add3A_8 = arith.addf %dot_general3A_5, %add3A : vector<1024x64xf32>
    %max3A = arith.constant 0.000000e+00 : f32
    %max3A_9 = vector.broadcast %max3A : f32 to vector<1024x64xf32>
    %max3A_10 = arith.maximumf %add3A_8, %max3A_9 : vector<1024x64xf32>
    %get3A_11 = arith.constant 0 : index
    %get3A_12 = arith.constant 0 : index
    %get3A_13 = arith.constant 0 : index
    %get3A_14 = vector.load %arg4[%get3A_11, %get3A_12, %get3A_13] : memref<2x1024x8xf32, #tpu.memory_space<vmem>>, vector<1x1024x1xf32>
    %get3A_15 = vector.shape_cast %get3A_14 : vector<1x1024x1xf32> to vector<1024x1xf32>
    %get3A_16 = arith.constant 1 : index
    %get3A_17 = arith.constant 0 : index
    %get3A_18 = arith.constant 0 : index
    %get3A_19 = vector.load %arg4[%get3A_16, %get3A_17, %get3A_18] : memref<2x1024x8xf32, #tpu.memory_space<vmem>>, vector<1x1024x1xf32>
    %get3A_20 = vector.shape_cast %get3A_19 : vector<1x1024x1xf32> to vector<1024x1xf32>
    %add3A_21 = arith.addf %get3A_15, %get3A_20 : vector<1024x1xf32>
    %max3A_22 = arith.constant 1.000000e+00 : f32
    %max3A_23 = vector.broadcast %max3A_22 : f32 to vector<1024x1xf32>
    %max3A_24 = arith.maximumf %add3A_21, %max3A_23 : vector<1024x1xf32>
    %rsqrt3A = math.rsqrt %max3A_24 : vector<1024x1xf32>
    %swap3A = arith.constant 0 : index
    %swap3A_25 = arith.constant 0 : index
    %swap3A_26 = vector.load %arg5[%swap3A, %swap3A_25] : memref<1024x64xf32, #tpu.memory_space<vmem>>, vector<1024x64xf32>
    tpu.vector_store %arg5[%swap3A, %swap3A_25], %max3A_10 {strides = array<i32>} : memref<1024x64xf32, #tpu.memory_space<vmem>>, vector<1024x64xf32>,
    %mul3A = vector.broadcast %rsqrt3A : vector<1024x1xf32> to vector<1024x64xf32>
    %mul3A_27 = arith.mulf %max3A_10, %mul3A : vector<1024x64xf32>
    %swap3A_28 = arith.constant 0 : index
    %swap3A_29 = arith.constant 0 : index
    %swap3A_30 = vector.load %arg6[%swap3A_28, %swap3A_29] : memref<1024x64xf32, #tpu.memory_space<vmem>>, vector<1024x64xf32>
    tpu.vector_store %arg6[%swap3A_28, %swap3A_29], %mul3A_27 {strides = array<i32>} : memref<1024x64xf32, #tpu.memory_space<vmem>>, vector<1024x64xf32>,
    return
  }
  func.func @transform_0(%arg0: i32) -> (i32, i32) {
    %c0_i32 = arith.constant 0 : i32
    %c0_i32_0 = arith.constant 0 : i32
    return %arg0, %c0_i32 : i32, i32
  }
  func.func @transform_1(%arg0: i32) -> (i32, i32) {
    %c0_i32 = arith.constant 0 : i32
    %c0_i32_0 = arith.constant 0 : i32
    %c0_i32_1 = arith.constant 0 : i32
    return %c0_i32, %c0_i32_0 : i32, i32
  }
  func.func @transform_2(%arg0: i32) -> i32 {
    %c0_i32 = arith.constant 0 : i32
    %c0_i32_0 = arith.constant 0 : i32
    return %c0_i32 : i32
  }
  func.func @transform_3(%arg0: i32) -> (i32, i32, i32) {
    %c0_i32 = arith.constant 0 : i32
    %c0_i32_0 = arith.constant 0 : i32
    %c0_i32_1 = arith.constant 0 : i32
    return %c0_i32, %arg0, %c0_i32_0 : i32, i32, i32
  }
  func.func @transform_4(%arg0: i32) -> (i32, i32) {
    %c0_i32 = arith.constant 0 : i32
    %c0_i32_0 = arith.constant 0 : i32
    return %arg0, %c0_i32 : i32, i32
  }
  func.func @transform_5(%arg0: i32) -> (i32, i32) {
    %c0_i32 = arith.constant 0 : i32
    %c0_i32_0 = arith.constant 0 : i32
    return %arg0, %c0_i32 : i32, i32
  }
}

module attributes {stable_mosaic.version = 14 : i64} {
  func.func @_mid_body(%arg0: i32, %arg1: memref<1024x64xf32, #tpu.memory_space<vmem>>, %arg2: memref<2x1024x64xf32, #tpu.memory_space<vmem>>, %arg3: memref<2x1024x8xf32, #tpu.memory_space<vmem>>, %arg4: memref<2x1024x8xf32, #tpu.memory_space<vmem>>, %arg5: memref<64x64xf32, #tpu.memory_space<vmem>>, %arg6: memref<64x64xf32, #tpu.memory_space<vmem>>, %arg7: memref<64xf32, #tpu.memory_space<vmem>>, %arg8: memref<1024x64xf32, #tpu.memory_space<vmem>>, %arg9: memref<1024x64xf32, #tpu.memory_space<vmem>>) attributes {dimension_semantics = [#tpu.dimension_semantics<parallel>], iteration_bounds = array<i64: 10>, scalar_prefetch = 0 : i64, scratch_operands = 0 : i64, tpu.core_type = #tpu.core_type<tc>, window_params = [{transform_indices = @transform_0, window_bounds = array<i64: 1024, 64>}, {transform_indices = @transform_1, window_bounds = array<i64: 2, 1024, 64>}, {transform_indices = @transform_2, window_bounds = array<i64: 2, 1024, 8>}, {transform_indices = @transform_3, window_bounds = array<i64: 2, 1024, 8>}, {pipeline_mode = #tpu.pipeline_mode<synchronous>, transform_indices = @transform_4, window_bounds = array<i64: 64, 64>}, {pipeline_mode = #tpu.pipeline_mode<synchronous>, transform_indices = @transform_5, window_bounds = array<i64: 64, 64>}, {pipeline_mode = #tpu.pipeline_mode<synchronous>, transform_indices = @transform_6, window_bounds = array<i64: 64>}, {transform_indices = @transform_7, window_bounds = array<i64: 1024, 64>}, {transform_indices = @transform_8, window_bounds = array<i64: 1024, 64>}]} {
    %get3A = arith.constant 0 : index
    %get3A_0 = arith.constant 0 : index
    %get3A_1 = arith.constant 0 : index
    %get3A_2 = vector.load %arg3[%get3A, %get3A_0, %get3A_1] : memref<2x1024x8xf32, #tpu.memory_space<vmem>>, vector<1x1024x1xf32>
    %get3A_3 = vector.shape_cast %get3A_2 : vector<1x1024x1xf32> to vector<1024x1xf32>
    %get3A_4 = arith.constant 1 : index
    %get3A_5 = arith.constant 0 : index
    %get3A_6 = arith.constant 0 : index
    %get3A_7 = vector.load %arg3[%get3A_4, %get3A_5, %get3A_6] : memref<2x1024x8xf32, #tpu.memory_space<vmem>>, vector<1x1024x1xf32>
    %get3A_8 = vector.shape_cast %get3A_7 : vector<1x1024x1xf32> to vector<1024x1xf32>
    %add3A = arith.addf %get3A_3, %get3A_8 : vector<1024x1xf32>
    %max3A = arith.constant 1.000000e+00 : f32
    %max3A_9 = vector.broadcast %max3A : f32 to vector<1024x1xf32>
    %max3A_10 = arith.maximumf %add3A, %max3A_9 : vector<1024x1xf32>
    %rsqrt3A = math.rsqrt %max3A_10 : vector<1024x1xf32>
    %get3A_11 = arith.constant 0 : index
    %get3A_12 = arith.constant 0 : index
    %get3A_13 = arith.constant 0 : index
    %get3A_14 = vector.load %arg2[%get3A_11, %get3A_12, %get3A_13] : memref<2x1024x64xf32, #tpu.memory_space<vmem>>, vector<1x1024x64xf32>
    %get3A_15 = vector.shape_cast %get3A_14 : vector<1x1024x64xf32> to vector<1024x64xf32>
    %get3A_16 = arith.constant 1 : index
    %get3A_17 = arith.constant 0 : index
    %get3A_18 = arith.constant 0 : index
    %get3A_19 = vector.load %arg2[%get3A_16, %get3A_17, %get3A_18] : memref<2x1024x64xf32, #tpu.memory_space<vmem>>, vector<1x1024x64xf32>
    %get3A_20 = vector.shape_cast %get3A_19 : vector<1x1024x64xf32> to vector<1024x64xf32>
    %add3A_21 = arith.addf %get3A_15, %get3A_20 : vector<1024x64xf32>
    %mul3A = vector.broadcast %rsqrt3A : vector<1024x1xf32> to vector<1024x64xf32>
    %mul3A_22 = arith.mulf %add3A_21, %mul3A : vector<1024x64xf32>
    %get3A_23 = arith.constant 0 : index
    %get3A_24 = arith.constant 0 : index
    %get3A_25 = vector.load %arg1[%get3A_23, %get3A_24] : memref<1024x64xf32, #tpu.memory_space<vmem>>, vector<1024x64xf32>
    %get3A_26 = arith.constant 0 : index
    %get3A_27 = arith.constant 0 : index
    %get3A_28 = vector.load %arg5[%get3A_26, %get3A_27] : memref<64x64xf32, #tpu.memory_space<vmem>>, vector<64x64xf32>
    %dot_general3A = arith.constant dense<0.000000e+00> : vector<1024x64xf32>
    %dot_general3A_29 = tpu.matmul %get3A_25, %get3A_28, %dot_general3A {dimension_numbers = #tpu.dot_dimension_numbers<[1], [0], [0], [1], [0, 0, 1, 1], [], []>, transpose_lhs_hint = false} : vector<1024x64xf32>, vector<64x64xf32>, vector<1024x64xf32> -> vector<1024x64xf32>
    %get3A_30 = arith.constant 0 : index
    %get3A_31 = arith.constant 0 : index
    %get3A_32 = vector.load %arg6[%get3A_30, %get3A_31] : memref<64x64xf32, #tpu.memory_space<vmem>>, vector<64x64xf32>
    %dot_general3A_33 = arith.constant dense<0.000000e+00> : vector<1024x64xf32>
    %dot_general3A_34 = tpu.matmul %mul3A_22, %get3A_32, %dot_general3A_33 {dimension_numbers = #tpu.dot_dimension_numbers<[1], [0], [0], [1], [0, 0, 1, 1], [], []>, transpose_lhs_hint = false} : vector<1024x64xf32>, vector<64x64xf32>, vector<1024x64xf32> -> vector<1024x64xf32>
    %add3A_35 = arith.addf %dot_general3A_29, %dot_general3A_34 : vector<1024x64xf32>
    %get3A_36 = arith.constant 0 : index
    %get3A_37 = vector.load %arg7[%get3A_36] : memref<64xf32, #tpu.memory_space<vmem>>, vector<64xf32>
    %broadcast_in_dim3A = vector.shape_cast %get3A_37 : vector<64xf32> to vector<1x64xf32>
    %add3A_38 = vector.broadcast %broadcast_in_dim3A : vector<1x64xf32> to vector<1024x64xf32>
    %add3A_39 = arith.addf %add3A_35, %add3A_38 : vector<1024x64xf32>
    %max3A_40 = arith.constant 0.000000e+00 : f32
    %max3A_41 = vector.broadcast %max3A_40 : f32 to vector<1024x64xf32>
    %max3A_42 = arith.maximumf %add3A_39, %max3A_41 : vector<1024x64xf32>
    %get3A_43 = arith.constant 0 : index
    %get3A_44 = arith.constant 0 : index
    %get3A_45 = arith.constant 0 : index
    %get3A_46 = vector.load %arg4[%get3A_43, %get3A_44, %get3A_45] : memref<2x1024x8xf32, #tpu.memory_space<vmem>>, vector<1x1024x1xf32>
    %get3A_47 = vector.shape_cast %get3A_46 : vector<1x1024x1xf32> to vector<1024x1xf32>
    %get3A_48 = arith.constant 1 : index
    %get3A_49 = arith.constant 0 : index
    %get3A_50 = arith.constant 0 : index
    %get3A_51 = vector.load %arg4[%get3A_48, %get3A_49, %get3A_50] : memref<2x1024x8xf32, #tpu.memory_space<vmem>>, vector<1x1024x1xf32>
    %get3A_52 = vector.shape_cast %get3A_51 : vector<1x1024x1xf32> to vector<1024x1xf32>
    %add3A_53 = arith.addf %get3A_47, %get3A_52 : vector<1024x1xf32>
    %max3A_54 = arith.constant 1.000000e+00 : f32
    %max3A_55 = vector.broadcast %max3A_54 : f32 to vector<1024x1xf32>
    %max3A_56 = arith.maximumf %add3A_53, %max3A_55 : vector<1024x1xf32>
    %rsqrt3A_57 = math.rsqrt %max3A_56 : vector<1024x1xf32>
    %swap3A = arith.constant 0 : index
    %swap3A_58 = arith.constant 0 : index
    %swap3A_59 = vector.load %arg8[%swap3A, %swap3A_58] : memref<1024x64xf32, #tpu.memory_space<vmem>>, vector<1024x64xf32>
    tpu.vector_store %arg8[%swap3A, %swap3A_58], %max3A_42 {strides = array<i32>} : memref<1024x64xf32, #tpu.memory_space<vmem>>, vector<1024x64xf32>,
    %mul3A_60 = vector.broadcast %rsqrt3A_57 : vector<1024x1xf32> to vector<1024x64xf32>
    %mul3A_61 = arith.mulf %max3A_42, %mul3A_60 : vector<1024x64xf32>
    %swap3A_62 = arith.constant 0 : index
    %swap3A_63 = arith.constant 0 : index
    %swap3A_64 = vector.load %arg9[%swap3A_62, %swap3A_63] : memref<1024x64xf32, #tpu.memory_space<vmem>>, vector<1024x64xf32>
    tpu.vector_store %arg9[%swap3A_62, %swap3A_63], %mul3A_61 {strides = array<i32>} : memref<1024x64xf32, #tpu.memory_space<vmem>>, vector<1024x64xf32>,
    return
  }
  func.func @transform_0(%arg0: i32) -> (i32, i32) {
    %c0_i32 = arith.constant 0 : i32
    %c0_i32_0 = arith.constant 0 : i32
    return %arg0, %c0_i32 : i32, i32
  }
  func.func @transform_1(%arg0: i32) -> (i32, i32, i32) {
    %c0_i32 = arith.constant 0 : i32
    %c0_i32_0 = arith.constant 0 : i32
    %c0_i32_1 = arith.constant 0 : i32
    return %c0_i32, %arg0, %c0_i32_0 : i32, i32, i32
  }
  func.func @transform_2(%arg0: i32) -> (i32, i32, i32) {
    %c0_i32 = arith.constant 0 : i32
    %c0_i32_0 = arith.constant 0 : i32
    %c0_i32_1 = arith.constant 0 : i32
    return %c0_i32, %arg0, %c0_i32_0 : i32, i32, i32
  }
  func.func @transform_3(%arg0: i32) -> (i32, i32, i32) {
    %c0_i32 = arith.constant 0 : i32
    %c0_i32_0 = arith.constant 0 : i32
    %c0_i32_1 = arith.constant 0 : i32
    return %c0_i32, %arg0, %c0_i32_0 : i32, i32, i32
  }
  func.func @transform_4(%arg0: i32) -> (i32, i32) {
    %c0_i32 = arith.constant 0 : i32
    %c0_i32_0 = arith.constant 0 : i32
    %c0_i32_1 = arith.constant 0 : i32
    return %c0_i32, %c0_i32_0 : i32, i32
  }
  func.func @transform_5(%arg0: i32) -> (i32, i32) {
    %c0_i32 = arith.constant 0 : i32
    %c0_i32_0 = arith.constant 0 : i32
    %c0_i32_1 = arith.constant 0 : i32
    return %c0_i32, %c0_i32_0 : i32, i32
  }
  func.func @transform_6(%arg0: i32) -> i32 {
    %c0_i32 = arith.constant 0 : i32
    %c0_i32_0 = arith.constant 0 : i32
    return %c0_i32 : i32
  }
  func.func @transform_7(%arg0: i32) -> (i32, i32) {
    %c0_i32 = arith.constant 0 : i32
    %c0_i32_0 = arith.constant 0 : i32
    return %arg0, %c0_i32 : i32, i32
  }
  func.func @transform_8(%arg0: i32) -> (i32, i32) {
    %c0_i32 = arith.constant 0 : i32
    %c0_i32_0 = arith.constant 0 : i32
    return %arg0, %c0_i32 : i32, i32
  }
}

module attributes {stable_mosaic.version = 14 : i64} {
  func.func @_fin_body(%arg0: i32, %arg1: memref<1024x64xf32, #tpu.memory_space<vmem>>, %arg2: memref<2x1024x64xf32, #tpu.memory_space<vmem>>, %arg3: memref<2x1024x8xf32, #tpu.memory_space<vmem>>, %arg4: memref<64x128xf32, #tpu.memory_space<vmem>>, %arg5: memref<64x128xf32, #tpu.memory_space<vmem>>, %arg6: memref<128xf32, #tpu.memory_space<vmem>>, %arg7: memref<1024x128xf32, #tpu.memory_space<vmem>>) attributes {dimension_semantics = [#tpu.dimension_semantics<parallel>], iteration_bounds = array<i64: 10>, scalar_prefetch = 0 : i64, scratch_operands = 0 : i64, tpu.core_type = #tpu.core_type<tc>, window_params = [{transform_indices = @transform_0, window_bounds = array<i64: 1024, 64>}, {transform_indices = @transform_1, window_bounds = array<i64: 2, 1024, 64>}, {transform_indices = @transform_2, window_bounds = array<i64: 2, 1024, 8>}, {pipeline_mode = #tpu.pipeline_mode<synchronous>, transform_indices = @transform_3, window_bounds = array<i64: 64, 128>}, {pipeline_mode = #tpu.pipeline_mode<synchronous>, transform_indices = @transform_4, window_bounds = array<i64: 64, 128>}, {pipeline_mode = #tpu.pipeline_mode<synchronous>, transform_indices = @transform_5, window_bounds = array<i64: 128>}, {transform_indices = @transform_6, window_bounds = array<i64: 1024, 128>}]} {
    %get3A = arith.constant 0 : index
    %get3A_0 = arith.constant 0 : index
    %get3A_1 = arith.constant 0 : index
    %get3A_2 = vector.load %arg3[%get3A, %get3A_0, %get3A_1] : memref<2x1024x8xf32, #tpu.memory_space<vmem>>, vector<1x1024x1xf32>
    %get3A_3 = vector.shape_cast %get3A_2 : vector<1x1024x1xf32> to vector<1024x1xf32>
    %get3A_4 = arith.constant 1 : index
    %get3A_5 = arith.constant 0 : index
    %get3A_6 = arith.constant 0 : index
    %get3A_7 = vector.load %arg3[%get3A_4, %get3A_5, %get3A_6] : memref<2x1024x8xf32, #tpu.memory_space<vmem>>, vector<1x1024x1xf32>
    %get3A_8 = vector.shape_cast %get3A_7 : vector<1x1024x1xf32> to vector<1024x1xf32>
    %add3A = arith.addf %get3A_3, %get3A_8 : vector<1024x1xf32>
    %max3A = arith.constant 1.000000e+00 : f32
    %max3A_9 = vector.broadcast %max3A : f32 to vector<1024x1xf32>
    %max3A_10 = arith.maximumf %add3A, %max3A_9 : vector<1024x1xf32>
    %rsqrt3A = math.rsqrt %max3A_10 : vector<1024x1xf32>
    %get3A_11 = arith.constant 0 : index
    %get3A_12 = arith.constant 0 : index
    %get3A_13 = arith.constant 0 : index
    %get3A_14 = vector.load %arg2[%get3A_11, %get3A_12, %get3A_13] : memref<2x1024x64xf32, #tpu.memory_space<vmem>>, vector<1x1024x64xf32>
    %get3A_15 = vector.shape_cast %get3A_14 : vector<1x1024x64xf32> to vector<1024x64xf32>
    %get3A_16 = arith.constant 1 : index
    %get3A_17 = arith.constant 0 : index
    %get3A_18 = arith.constant 0 : index
    %get3A_19 = vector.load %arg2[%get3A_16, %get3A_17, %get3A_18] : memref<2x1024x64xf32, #tpu.memory_space<vmem>>, vector<1x1024x64xf32>
    %get3A_20 = vector.shape_cast %get3A_19 : vector<1x1024x64xf32> to vector<1024x64xf32>
    %add3A_21 = arith.addf %get3A_15, %get3A_20 : vector<1024x64xf32>
    %mul3A = vector.broadcast %rsqrt3A : vector<1024x1xf32> to vector<1024x64xf32>
    %mul3A_22 = arith.mulf %add3A_21, %mul3A : vector<1024x64xf32>
    %get3A_23 = arith.constant 0 : index
    %get3A_24 = arith.constant 0 : index
    %get3A_25 = vector.load %arg1[%get3A_23, %get3A_24] : memref<1024x64xf32, #tpu.memory_space<vmem>>, vector<1024x64xf32>
    %get3A_26 = arith.constant 0 : index
    %get3A_27 = arith.constant 0 : index
    %get3A_28 = vector.load %arg4[%get3A_26, %get3A_27] : memref<64x128xf32, #tpu.memory_space<vmem>>, vector<64x128xf32>
    %dot_general3A = arith.constant dense<0.000000e+00> : vector<1024x128xf32>
    %dot_general3A_29 = tpu.matmul %get3A_25, %get3A_28, %dot_general3A {dimension_numbers = #tpu.dot_dimension_numbers<[1], [0], [0], [1], [0, 0, 1, 1], [], []>, transpose_lhs_hint = false} : vector<1024x64xf32>, vector<64x128xf32>, vector<1024x128xf32> -> vector<1024x128xf32>
    %get3A_30 = arith.constant 0 : index
    %get3A_31 = arith.constant 0 : index
    %get3A_32 = vector.load %arg5[%get3A_30, %get3A_31] : memref<64x128xf32, #tpu.memory_space<vmem>>, vector<64x128xf32>
    %dot_general3A_33 = arith.constant dense<0.000000e+00> : vector<1024x128xf32>
    %dot_general3A_34 = tpu.matmul %mul3A_22, %get3A_32, %dot_general3A_33 {dimension_numbers = #tpu.dot_dimension_numbers<[1], [0], [0], [1], [0, 0, 1, 1], [], []>, transpose_lhs_hint = false} : vector<1024x64xf32>, vector<64x128xf32>, vector<1024x128xf32> -> vector<1024x128xf32>
    %add3A_35 = arith.addf %dot_general3A_29, %dot_general3A_34 : vector<1024x128xf32>
    %get3A_36 = arith.constant 0 : index
    %get3A_37 = vector.load %arg6[%get3A_36] : memref<128xf32, #tpu.memory_space<vmem>>, vector<128xf32>
    %broadcast_in_dim3A = vector.shape_cast %get3A_37 : vector<128xf32> to vector<1x128xf32>
    %add3A_38 = vector.broadcast %broadcast_in_dim3A : vector<1x128xf32> to vector<1024x128xf32>
    %add3A_39 = arith.addf %add3A_35, %add3A_38 : vector<1024x128xf32>
    %max3A_40 = arith.constant 0.000000e+00 : f32
    %max3A_41 = vector.broadcast %max3A_40 : f32 to vector<1024x128xf32>
    %max3A_42 = arith.maximumf %add3A_39, %max3A_41 : vector<1024x128xf32>
    %swap3A = arith.constant 0 : index
    %swap3A_43 = arith.constant 0 : index
    %swap3A_44 = vector.load %arg7[%swap3A, %swap3A_43] : memref<1024x128xf32, #tpu.memory_space<vmem>>, vector<1024x128xf32>
    tpu.vector_store %arg7[%swap3A, %swap3A_43], %max3A_42 {strides = array<i32>} : memref<1024x128xf32, #tpu.memory_space<vmem>>, vector<1024x128xf32>,
    return
  }
  func.func @transform_0(%arg0: i32) -> (i32, i32) {
    %c0_i32 = arith.constant 0 : i32
    %c0_i32_0 = arith.constant 0 : i32
    return %arg0, %c0_i32 : i32, i32
  }
  func.func @transform_1(%arg0: i32) -> (i32, i32, i32) {
    %c0_i32 = arith.constant 0 : i32
    %c0_i32_0 = arith.constant 0 : i32
    %c0_i32_1 = arith.constant 0 : i32
    return %c0_i32, %arg0, %c0_i32_0 : i32, i32, i32
  }
  func.func @transform_2(%arg0: i32) -> (i32, i32, i32) {
    %c0_i32 = arith.constant 0 : i32
    %c0_i32_0 = arith.constant 0 : i32
    %c0_i32_1 = arith.constant 0 : i32
    return %c0_i32, %arg0, %c0_i32_0 : i32, i32, i32
  }
  func.func @transform_3(%arg0: i32) -> (i32, i32) {
    %c0_i32 = arith.constant 0 : i32
    %c0_i32_0 = arith.constant 0 : i32
    %c0_i32_1 = arith.constant 0 : i32
    return %c0_i32, %c0_i32_0 : i32, i32
  }
  func.func @transform_4(%arg0: i32) -> (i32, i32) {
    %c0_i32 = arith.constant 0 : i32
    %c0_i32_0 = arith.constant 0 : i32
    %c0_i32_1 = arith.constant 0 : i32
    return %c0_i32, %c0_i32_0 : i32, i32
  }
  func.func @transform_5(%arg0: i32) -> i32 {
    %c0_i32 = arith.constant 0 : i32
    %c0_i32_0 = arith.constant 0 : i32
    return %c0_i32 : i32
  }
  func.func @transform_6(%arg0: i32) -> (i32, i32) {
    %c0_i32 = arith.constant 0 : i32
    %c0_i32_0 = arith.constant 0 : i32
    return %arg0, %c0_i32 : i32, i32
  }
}

</mosaic_0001>

<sc_bundles>
// kernel: kernel.10.cloned.1.call-start
scs
__scs_entry_jumppad:
0x0: {  	(pc) =	sbr.rel $0x88, $3  }
0x1: {  	(tag) =	ssettag $0x0;
	lr =	simm.s32 $0x1  }
0x2: {  	[smem:$0x3F97] =	sst lr;
	_ =	strace $0xD0000000  }
0x3: {  	_ = 	snop  }
0x4: {  	_ = 	snop  }
0x5: {  	_ = 	snop  }
0x6: {  	_ = 	snop  }
0x7: {  	_ = 	snop  }
__scs_overlays_trampoline_lowered:
0x8: {  	[smem:$0x3FA6] =	sst s0  }
0x9: {  	[smem:$0x3FA7] =	sst s1  }
0xa: {  	[smem:$0x3FA8] =	sst s2  }
0xb: {  	[smem:$0x3FA9] =	sst s3  }
0xc: {  	[smem:$0x3FAA] =	sst s4  }
0xd: {  	[smem:$0x3FAB] =	sst s5  }
0xe: {  	[smem:$0x3FAC] =	sst s6  }
0xf: {  	[smem:$0x3FAD] =	sst s7  }
0x10: {  	[smem:$0x3FAE] =	sst s8  }
0x11: {  	[smem:$0x3FAF] =	sst s9;
	s0 =	simm.s32 @!p0 $0x0  }
0x12: {  	s1 =	sld [smem:$0x3F95];
	s0 =	simm.s32 @p0 $0x1  }
0x13: {  	[smem:$0x3FB0] =	sst s0;
	s0 =	simm.s32 @!p1 $0x0  }
0x14: {  	s2 =	sld [smem:$0x3F94];
	s0 =	simm.s32 @p1 $0x1  }
0x15: {  	[smem:$0x3FB1] =	sst s0;
	s0 =	simm.s32 @!p2 $0x0  }
0x16: {  	s3 =	sld [smem:$0x3FDB];
	s0 =	simm.s32 @p2 $0x1  }
0x17: {  	s4 =	simm.s32 $0x1BF5;
	[smem:$0x3FB3] =	sst s0  }
0x18: {  	s0 =	sld [smem:$0x3F96];
	_ =	swait.ge [sflag:s4], $0x0  }
0x19: {  	s7 =	sld [smem:$0x3F97]  }
0x1a: {  	s8 =	sadd.s32 $0xFFFFE003, lr  }
0x1b: {  	s9 =	sadd.s32 $0xFFFFFEF7, lr;
	s5 =	simm.s32 $0xFFFFFFFF;
	p2 =	slt.u32 s8, $0xFFFFF086  }
0x1c: {  	p1 =	slt.u32 s9, $0xF7A;
	s5 =	simm.s32 @!p2 $0x0  }
0x1d: {  	s5 =	simm.s32 @p1 $0x1;
	p0 =	seq.s32 s7, s2  }
0x1e: {  	s7 =	smul.u32 @!p0 $0xF7A, s2;
	p2 =	seq.s32 @!p0 s5, $0x0  }
0x1f: {  	s9 =	smul.u32 $0xF7A, s1;
	s8 =	simm.s32 @!p0 $0x1BF5;
	p2 =	por !p2, p0  }
0x20: {  	[sflag:s8] =	ssyncset.s32 @!p0 $0xFFFFF086;
	s6 =	sadd.s32 @!p0 s3, s7;
	s7 =	simm.s32 @!p0 $0x108  }
0x21: {  	s3 =	sadd.s32 s3, s9;
	s6 =	sadd.s32 @!p0 $0x88, s6;
	s7 =	simm.s32 @p2 $0x1082  }
0x22: {  	[simem:s7], [sflag:s8] =	dma.local @!p0 [hbm:s6], $0xF7A  }
0x23: {  	s9 =	sor.u32 $0xD0000000, s2;
	s6 =	simm.s32 $0x108;
	_ =	swait.ge @!p0 [sflag:s8], $0x0  }
0x24: {  	s3 =	sadd.s32 $0x88, s3;
	s6 =	simm.s32 @!p1 $0x1082;
	[sflag:s4] =	ssyncset.s32 $0xFFFFF086  }
0x25: {  	[simem:s6], [sflag:s4] =	dma.local [hbm:s3], $0xF7A  }
0x26: {  	[smem:$0x3F97] =	sst s1;
	(tag) =	ssettag s2;
	_ =	strace s9  }
0x27: {  	s1 =	sld [smem:$0x3FA7]  }
0x28: {  	s2 =	sld [smem:$0x3FA8]  }
0x29: {  	s4 =	sld [smem:$0x3FAA]  }
0x2a: {  	p0 =	seq.s32 s5, $0x0;
	s5 =	sld [smem:$0x3FAB]  }
0x2b: {  	s6 =	sld [smem:$0x3FAC]  }
0x2c: {  	s7 =	sld [smem:$0x3FAD]  }
0x2d: {  	s3 =	simm.s32 $0x108;
	s8 =	sld [smem:$0x3FAE]  }
0x2e: {  	s3 =	simm.s32 @!p0 $0x1082;
	s9 =	sld [smem:$0x3FAF]  }
0x2f: {  	lr =	sadd.s32 s0, s3;
	s0 =	sld [smem:$0x3FA6]  }
0x30: {  	s3 =	sld [smem:$0x3FA9]  }
0x31: {  	[smem:$0x3FB2] =	sst s10  }
0x32: {  	s10 =	sld [smem:$0x3FB0];
	_ =	sdelay $0x3  }
0x33: {  	p0 =	seq.s32 s10, $0x1;
	s10 =	sld [smem:$0x3FB2];
	_ =	sdelay $0x3  }
0x34: {  	[smem:$0x3FB2] =	sst s10  }
0x35: {  	s10 =	sld [smem:$0x3FB1];
	_ =	sdelay $0x3  }
0x36: {  	p1 =	seq.s32 s10, $0x1;
	s10 =	sld [smem:$0x3FB2];
	_ =	sdelay $0x3  }
0x37: {  	[smem:$0x3FB2] =	sst s10  }
0x38: {  	s10 =	sld [smem:$0x3FB3]  }
0x39: {  	_ = 	snop;
	(pc) =	sbr.ind lr, $3  }
0x3a: {  	_ = 	snop  }
0x3b: {  	_ = 	snop  }
0x3c: {  	p2 =	seq.s32 s10, $0x1;
	s10 =	sld [smem:$0x3FB2]  }
0x3d: {  	_ =	shalt  }
0x3e: {  	_ =	shalt  }
0x3f: {  	_ =	shalt  }
0x40: {  	_ =	shalt  }
0x41: {  	_ =	shalt  }
0x42: {  	_ =	shalt  }
0x43: {  	_ =	shalt  }
0x44: {  	_ =	shalt  }
0x45: {  	_ =	shalt  }
0x46: {  	_ =	shalt  }
0x47: {  	_ =	shalt  }
0x48: {  	_ =	shalt  }
0x49: {  	_ =	shalt  }
0x4a: {  	_ =	shalt  }
0x4b: {  	_ =	shalt  }
0x4c: {  	_ =	shalt  }
0x4d: {  	_ =	shalt  }
0x4e: {  	_ =	shalt  }
0x4f: {  	_ =	shalt  }
0x50: {  	_ =	shalt  }
0x51: {  	_ =	shalt  }
0x52: {  	_ =	shalt  }
0x53: {  	_ =	shalt  }
0x54: {  	_ =	shalt  }
0x55: {  	_ =	shalt  }
0x56: {  	_ =	shalt  }
0x57: {  	_ =	shalt  }
0x58: {  	_ =	shalt  }
0x59: {  	_ =	shalt  }
0x5a: {  	_ =	shalt  }
0x5b: {  	_ =	shalt  }
0x5c: {  	_ =	shalt  }
0x5d: {  	_ =	shalt  }
0x5e: {  	_ =	shalt  }
0x5f: {  	_ =	shalt  }
0x60: {  	_ =	shalt  }
0x61: {  	_ =	shalt  }
0x62: {  	_ =	shalt  }
0x63: {  	_ =	shalt  }
0x64: {  	_ =	shalt  }
0x65: {  	_ =	shalt  }
0x66: {  	_ =	shalt  }
0x67: {  	_ =	shalt  }
0x68: {  	_ =	shalt  }
0x69: {  	_ =	shalt  }
0x6a: {  	_ =	shalt  }
0x6b: {  	_ =	shalt  }
0x6c: {  	_ =	shalt  }
0x6d: {  	_ =	shalt  }
0x6e: {  	_ =	shalt  }
0x6f: {  	_ =	shalt  }
0x70: {  	_ =	shalt  }
0x71: {  	_ =	shalt  }
0x72: {  	_ =	shalt  }
0x73: {  	_ =	shalt  }
0x74: {  	_ =	shalt  }
0x75: {  	_ =	shalt  }
0x76: {  	_ =	shalt  }
0x77: {  	_ =	shalt  }
0x78: {  	_ =	shalt  }
0x79: {  	_ =	shalt  }
0x7a: {  	_ =	shalt  }
0x7b: {  	_ =	shalt  }
0x7c: {  	_ =	shalt  }
0x7d: {  	_ =	shalt  }
0x7e: {  	_ =	shalt  }
0x7f: {  	_ =	shalt  }
0x80: {  	_ =	shalt  }
0x81: {  	_ =	shalt  }
0x82: {  	_ =	shalt  }
0x83: {  	_ =	shalt  }
0x84: {  	_ =	shalt  }
0x85: {  	_ =	shalt  }
0x86: {  	_ =	shalt  }
0x87: {  	_ =	shalt  }
.Lfunc_end0:
.L_simem_size_0:
called_computation_lowered:
.L_overlay_start_0:
0x88: {  	s2 =	sld [smem:$0x3FD9]  }
0x89: {  	s3 =	sld [smem:$0x3FFE];
	_ =	sdelay $0x1  }
0x8a: {  	s1 =	srdreg.scid  }
0x8b: {  	s0 =	sand.u32 $0x1, s1  }
0x8c: {  	s17 =	sshll.u32 s0, $0xA;
	s2 =	sadd.s32 s3, s2  }
0x8d: {  	s2 =	sadd.s32 s2, s17  }
0x8e: {  	[smem:$0x3FBE] =	sst s2  }
0x8f: {  	_ = 	snop  }
0x90: {  	s2 =	sld [smem:$0x3FD0];
	(tm) =	ssettm $0x1  }
0x91: {  	s18 =	sld [smem:$0x3FFB];
	_ =	sdelay $0x3  }
0x92: {  	_ =	strace s18  }
0x93: {  	s3 =	sld [smem:$0x3FFC];
	_ =	sdelay $0x3  }
0x94: {  	_ =	strace s3  }
0x95: {  	s3 =	sld [smem:$0x3FFD];
	_ =	sdelay $0x3  }
0x96: {  	_ =	strace s3  }
0x97: {  	_ =	strace $0x8FFFFFFF  }
0x98: {  	s19 =	sld [smem:$0x3FDB];
	_ =	sdelay $0x1  }
0x99: {  	s4 =	simm.s32 $_scs_section_size  }
0x9a: {  	s5 =	simm.s32 $_size__tile_overlayer_lowered;
	s6 =	simm.s32 $_tile_overlayer_lowered  }
0x9b: {  	s22 =	simm.s32 $0x1BFF;
	s21 =	sshll.u32 s6, $0x1;
	s3 =	sadd.s32 s4, s19  }
0x9c: {  	s7 =	simm.s32 $0x0;
	s20 =	sshll.u32 s5, $0x1;
	s5 =	sadd.s32 s21, s3  }
0x9d: {  	[timem:s7], [sflag:s22] =	dma.local [hbm:s5], s20  }
0x9e: {  	_ =	swait.ge [sflag:s22], s20  }
0x9f: {  	s4 =	ssub.s32 $0x0, s20;
	[sflag:s22] =	ssyncset.done $0x0  }
0xa0: {  	[sflag:s22] =	ssyncadd.s32 s4;
	_ =	sdelay $0x1  }
0xa1: {  	s23 =	simm.s32 $0x1B8B  }
0xa2: {  	_ =	swait.ge [sflag:s23], $0x1  }
0xa3: {  	[sflag:s23] =	ssyncset.done $0x0  }
0xa4: {  	s25 =	simm.s32 $0x1B8E;
	s24 =	sld [smem:$0x3FFE];
	[sflag:s23] =	ssyncadd.s32 $0xFFFFFFFF  }
0xa5: {  	s26 =	simm.s32 $execute0_lowered;
	[smem:$0x3FD2] =	sst s25  }
0xa6: {  	s5 =	sshll.u32 s26, $0x1;
	_ =	strace $0x80000046;
	[dreg:$0x1] =	wrdreg $0xFFFFFFFF  }
0xa7: {  	s28 =	simm.s32 $_size_execute0_lowered;
	s3 =	sadd.s32 s3, s5;
	[dreg:$0x0] =	wrdreg $0x0  }
0xa8: {  	s5 =	sshll.u32 s28, $0x1;
	[dreg:$0x2] =	wrdreg s3  }
0xa9: {  	[dreg:$0x3] =	wrdreg s5  }
0xaa: {  	[dreg:$0x4] =	wrdreg $0xC0  }
0xab: {  	_ =	task [dreg:s7], $0x5FFFF  }
0xac: {  	[dreg:$0x1] =	wrdreg $0xFFFFFFFF  }
0xad: {  	[dreg:$0x0] =	wrdreg $0x60  }
0xae: {  	[dreg:$0x2] =	wrdreg s24  }
0xaf: {  	[dreg:$0x3] =	wrdreg s2  }
0xb0: {  	[dreg:$0x4] =	wrdreg $0x67000  }
0xb1: {  	[dreg:$0x5] =	wrdreg $0x7B000  }
0xb2: {  	[dreg:$0x6] =	wrdreg $0x9  }
0xb3: {  	_ =	task.clear_ibuf [dreg:s7], $0x7FFFF;
	_ =	strace $0x90000046  }
0xb4: {  	s29 =	simm.s32 $0x9;
	_ =	strace $0x80000048  }
0xb5: {  	_ =	swait.ge [sflag:s29], $0x1  }
0xb6: {  	[sflag:s29] =	ssyncadd.s32 $0xFFFFFFFF  }
0xb7: {  	_ =	strace $0x90000048  }
0xb8: {  	_ =	sfence  }
0xb9: {  	s30 =	sld [smem:$0x0];
	_ =	sdelay $0x2  }
0xba: {  	s31 =	sshll.u32 s1, $0xD;
	s1 =	sshrl.u32 s1, $0x2  }
0xbb: {  	s3 =	sand.u32 $0x4000, s31;
	s1 =	sadd.s32 s1, s30  }
0xbc: {  	s0 =	sor.u32 s3, s0;
	s1 =	sshll.u32 s1, $0x11  }
0xbd: {  	s0 =	sor.u32 s1, s0  }
0xbe: {  	s0 =	sadd.s32 $0x8F2B, s0  }
0xbf: {  	[sflag:s0] =	ssyncadd.remote.s32 $0x1  }
0xc0: {  	_ =	sfence.sel $0xFFFF  }
0xc1: {  	[dreg:$0x0] =	wrdreg $0xFFFFFFFF;
	(pc) =	sbr.abs _section_cstart, $3  }
0xc2: {  	[dreg:$0x1] =	wrdreg $0xFFFFFFFF  }
0xc3: {  	_ =	task.clear_ibuf [dreg:s7], $0x2FFFF;
	_ =	strace $0x9FFFFFFF  }
0xc4: {  	(tm) =	ssettm $0x7FFFFFFF  }
0xc5: {  	_ =	shalt  }
tec
execute0_lowered:
.L_overlay_start_1:
0x0: {  	(tag) =	ssettag $0x1  }
0x1: {  	s7 =	rddreg [dreg:$0x0]  }
0x2: {  	s11 =	rddreg [dreg:$0x1]  }
0x3: {  	s2 =	rddreg [dreg:$0x2]  }
0x4: {  	s0 =	srdreg.scid;
	s3 =	rddreg [dreg:$0x3]  }
0x5: {  	s4 =	simm.s32 $0x0;
	s16 =	simm.s32 $0x5300;
	s17 =	simm.s32 $0x2780  }
0x6: {  	s18 =	simm.s32 $0x80;
	s6 =	sand.u32 $0x1, s0;
	s0 =	stileid.u32  }
0x7: {  	s19 =	simm.s32 $0x0;
	[smem:$0x7FF] =	sst s4;
	s8 =	smul.u32 $0x1400, s0  }
0x8: {  	s1 =	sshll.u32 s6, $0x4;
	s9 =	smul.u32 $0x14000, s6;
	s12 =	ssub.s32 $0x2, s6  }
0x9: {  	s6 =	sadd.s32 $0x16E00, s7;
	s1 =	sor.u32 s0, s1;
	s31 =	sshrl.u32 s12, $0x1  }
0xa: {  	s5 =	smul.u32 $0x4F0, s1;
	s1 =	rddreg [dreg:$0x4];
	s9 =	sadd.s32 s8, s9  }
0xb: {  	_ =	strace $0x80000047;
	s15 =	ssub.s32 s12, s31;
	s13 =	sshrl.u32 s9, $0x3  }
0xc: {  	s10 =	sadd.s32 s5, s7;
	s5 =	sadd.s32 $0x17200, s7;
	s14 =	sadd.s32 s13, s7  }
0xd: {  	s7 =	sadd.s32 s8, s2;
	s8 =	sadd.s32 s8, s3;
	s11 =	sadd.s32 s11, s13  }
0xe: {  	s13 =	smax.u32 s15, $0x1;
	s15 =	simm.s32 $0x1;
	s9 =	sadd.s32 $0xD000, s10  }
0xf: {  	s10 =	sadd.s32 $0x3200, s10;
	s12 =	sadd.s32 $0x17400, s14;
	s14 =	simm.s32 $0x4F00  }
.LBB2_1:
0x10: {  	[tilespmem:s14], [sflag:$0x1] =	stream.linear.gather [hbm4b:s5+s4], $0x400, $0x38;
	[tilespmem:$0x8F00] =	vst v63  }
0x11: {  	_ =	swait.ge [sflag:s15], $0x400  }
0x12: {  	[sflag:s15] =	ssyncset.done $0x0  }
0x13: {  	[sflag:s15] =	ssyncadd.s32 $0xFFFFFC00  }
0x14: {  	[tilespmem:s16], [sflag:$0x1] =	stream.linear.gather [hbm4b:s6+s4], $0x1400, $0x38;
	[tilespmem:$0x8F00] =	vst v63  }
0x15: {  	_ =	swait.ge [sflag:s15], $0x1400  }
0x16: {  	[sflag:s15] =	ssyncset.done $0x0  }
0x17: {  	[sflag:s15] =	ssyncadd.s32 $0xFFFFEC00  }
0x18: {  	[spmem:s7] =	stream.linear.scatter [tilespmem:s16], [sflag:$0x1], $0x1400, $0x38;
	[tilespmem:$0x8F00] =	vst v63  }
0x19: {  	_ =	swait.ge [sflag:s15], $0x1400  }
0x1a: {  	[sflag:s15] =	ssyncset.done $0x0  }
0x1b: {  	[sflag:s15] =	ssyncadd.s32 $0xFFFFEC00  }
0x1c: {  	[spmem:s8] =	stream.linear.scatter [tilespmem:s16], [sflag:$0x1], $0x1400, $0x38;
	[tilespmem:$0x8F00] =	vst v63  }
0x1d: {  	_ =	swait.ge [sflag:s15], $0x1400  }
0x1e: {  	[sflag:s15] =	ssyncset.done $0x0  }
0x1f: {  	[sflag:s15] =	ssyncadd.s32 $0xFFFFEC00  }
0x20: {  	[tilespmem:s4], [sflag:$0x1] =	stream.linear.gather [hbm4b:s9+s4], $0x2780, $0x38;
	[tilespmem:$0x8F00] =	vst v63  }
0x21: {  	_ =	swait.ge [sflag:s15], $0x2780  }
0x22: {  	[sflag:s15] =	ssyncset.done $0x0  }
0x23: {  	[sflag:s15] =	ssyncadd.s32 $0xFFFFD880  }
0x24: {  	[tilespmem:s17], [sflag:$0x1] =	stream.linear.gather [hbm4b:s10+s4], $0x2780, $0x38;
	[tilespmem:$0x8F00] =	vst v63  }
0x25: {  	_ =	swait.ge [sflag:s15], $0x2780  }
0x26: {  	[sflag:s15] =	ssyncset.done $0x0  }
0x27: {  	[sflag:s15] =	ssyncadd.s32 $0xFFFFD880  }
0x28: {  	s20 =	simm.s32 $0x0;
	[bflag:$0x0] =	sbarrier.arrive $0xFFFF  }
0x29: {  	[spmem:s2] =	stream.indirect.scatter.add.f32 [tilespmem:s14], [sflag:$0x1], $0x8, s20, s18, $0xb8;
	[tilespmem:$0x8F00] =	vst v63  }
0x2a: {  	_ =	swait.ge [sflag:s15], $0x400  }
0x2b: {  	[sflag:s15] =	ssyncset.done $0x0  }
0x2c: {  	s31 =	simm.s32 $0x2780;
	[sflag:s15] =	ssyncadd.s32 $0xFFFFFC00  }
0x2d: {  	[spmem:s3] =	stream.indirect.scatter.add.f32 [tilespmem:s14], [sflag:$0x1], $0x8, s31, s18, $0xb8;
	[tilespmem:$0x8F00] =	vst v63  }
0x2e: {  	_ =	swait.ge [sflag:s15], $0x400  }
0x2f: {  	s21 =	simm.s32 $0x400;
	s20 =	simm.s32 $0x200;
	[sflag:s15] =	ssyncset.done $0x0  }
.LBB2_2:
0x30: {  	s22 =	sshra.s32 s20, $0x2  }
0x31: {  	[sflag:s15] =	ssyncadd.s32 $0xFFFFFC00;
	s20 =	smov.u32 s21;
	s23 =	sadd.s32 $0x200, s21  }
0x32: {  	[spmem:s2] =	stream.indirect.scatter.add.f32 [tilespmem:s14], [sflag:$0x1], $0x8, s22, s18, $0xb8;
	[tilespmem:$0x8F00] =	vst v63  }
0x33: {  	p0 =	sne.s32 s21, $0x9C00;
	_ =	swait.ge [sflag:s15], $0x400  }
.Ltmp0:
0x34: {  	[sflag:s15] =	ssyncset.done $0x0;
	(pc) =	sbr.rel @p0 .LBB2_2-.Ltmp0, $4  }
0x35: {  	s21 =	sadd.s32 $0x2780, s22;
	[sflag:s15] =	ssyncadd.s32 $0xFFFFFC00  }
0x36: {  	[spmem:s3] =	stream.indirect.scatter.add.f32 [tilespmem:s14], [sflag:$0x1], $0x8, s21, s18, $0xb8;
	[tilespmem:$0x8F00] =	vst v63  }
0x37: {  	_ =	swait.ge [sflag:s15], $0x400  }
0x38: {  	s21 =	smov.u32 s23;
	[sflag:s15] =	ssyncset.done $0x0  }
0x39: {  	s20 =	sshra.s32 s20, $0x2;
	[sflag:s15] =	ssyncadd.s32 $0xFFFFFC00  }
0x3a: {  	[spmem:s2] =	stream.indirect.scatter.add.f32 [tilespmem:s14], [sflag:$0x1], $0x8, s20, s18, $0xb8;
	[tilespmem:$0x8F00] =	vst v63  }
0x3b: {  	_ =	swait.ge [sflag:s15], $0x400  }
0x3c: {  	[sflag:s15] =	ssyncset.done $0x0  }
0x3d: {  	s20 =	sadd.s32 $0x2780, s20;
	[sflag:s15] =	ssyncadd.s32 $0xFFFFFC00  }
0x3e: {  	[spmem:s3] =	stream.indirect.scatter.add.f32 [tilespmem:s14], [sflag:$0x1], $0x8, s20, s18, $0xb8;
	[tilespmem:$0x8F00] =	vst v63  }
0x3f: {  	_ =	swait.ge [sflag:s15], $0x400  }
0x40: {  	[sflag:s15] =	ssyncset.done $0x0  }
0x41: {  	[sflag:s15] =	ssyncadd.s32 $0xFFFFFC00  }
0x42: {  	[bflag:$0x0] =	sbarrier.arrive $0xFFFF  }
0x43: {  	[tilespmem:s16], [sflag:$0x1] =	stream.linear.gather [spmem:s7], $0x1400, $0x38;
	[tilespmem:$0x8F00] =	vst v63  }
0x44: {  	_ =	swait.ge [sflag:s15], $0x1400  }
0x45: {  	[sflag:s15] =	ssyncset.done $0x0  }
0x46: {  	[sflag:s15] =	ssyncadd.s32 $0xFFFFEC00  }
0x47: {  	[hbm4b:s11+s4] =	stream.linear.scatter [tilespmem:s16], [sflag:$0x1], $0x1400, $0x38;
	[tilespmem:$0x8F00] =	vst v63  }
0x48: {  	_ =	swait.ge [sflag:s15], $0x1400  }
0x49: {  	[sflag:s15] =	ssyncset.done $0x0  }
0x4a: {  	[sflag:s15] =	ssyncadd.s32 $0xFFFFEC00  }
0x4b: {  	[tilespmem:s16], [sflag:$0x1] =	stream.linear.gather [spmem:s8], $0x1400, $0x38;
	[tilespmem:$0x8F00] =	vst v63  }
0x4c: {  	s19 =	sadd.s32 $0x1, s19;
	_ =	swait.ge [sflag:s15], $0x1400  }
0x4d: {  	p0 =	sne.s32 s19, s13;
	[sflag:s15] =	ssyncset.done $0x0  }
.Ltmp1:
0x4e: {  	[sflag:s15] =	ssyncadd.s32 $0xFFFFEC00;
	(pc) =	sbr.rel @p0 .LBB2_1-.Ltmp1, $4  }
0x4f: {  	[hbm4b:s12+s4] =	stream.linear.scatter [tilespmem:s16], [sflag:$0x1], $0x1400, $0x38;
	[tilespmem:$0x8F00] =	vst v63  }
0x50: {  	_ =	swait.ge [sflag:s15], $0x1400  }
0x51: {  	[sflag:s15] =	ssyncset.done $0x0  }
0x52: {  	[sflag:s15] =	ssyncadd.s32 $0xFFFFEC00  }
0x53: {  	_ =	sfence.sel $0x180000  }
0x54: {  	[bflag:$0x0] =	sbarrier.arrive $0xFFFF  }
0x55: {  	p0 =	sne.s32 s0, $0x0;
	_ =	strace $0x90000047  }
0x56: {  	s0 =	sadd.s32 @!p0 $0x100000, s1;
	[bflag:$0x2] =	sbarrier.arrive $0xFFFF  }
0x57: {  	[sflag:s0] =	ssyncadd.tile.s32 @!p0 $0x1;
	_ =	shalt  }
.Lfunc_end2:
_tile_overlayer_lowered:
.L_overlay_start_2:
0x58: {  	(tag) =	ssettag $0x2  }
0x59: {  	s0 =	rddreg [dreg:$0x0];
	s2 =	stileid.u32  }
0x5a: {  	s1 =	rddreg [dreg:$0x1];
	p0 =	sne.s32 s2, $0x0  }
0x5b: {  	s3 =	rddreg [dreg:$0x2];
	[bflag:$0x3] =	sbarrier.arrive $0xFFFF;
	s2 =	simm.s32 @!p0 $0x1C01  }
0x5c: {  	[timem:s3], [sflag:s2] =	dma.local @!p0 [hbm:s0], s1  }
0x5d: {  	s0 =	simm.s32 @!p0 $0x1  }
0x5e: {  	_ =	swait.ge @!p0 [sflag:s0], s1  }
0x5f: {  	s1 =	ssub.s32 @!p0 $0x0, s1;
	[sflag:s0] =	ssyncset.done @!p0 $0x0  }
0x60: {  	[sflag:s0] =	ssyncadd.s32 @!p0 s1  }
0x61: {  	[bflag:$0x3] =	sbarrier.arrive $0xFFFF  }
0x62: {  	_ =	shalt  }

// kernel: kernel.13.cloned.1.call-start
scs
__scs_entry_jumppad:
0x0: {  	(pc) =	sbr.rel $0x88, $3  }
0x1: {  	(tag) =	ssettag $0x0;
	lr =	simm.s32 $0x1  }
0x2: {  	[smem:$0x3F97] =	sst lr;
	_ =	strace $0xD0000000  }
0x3: {  	_ = 	snop  }
0x4: {  	_ = 	snop  }
0x5: {  	_ = 	snop  }
0x6: {  	_ = 	snop  }
0x7: {  	_ = 	snop  }
__scs_overlays_trampoline_lowered:
0x8: {  	[smem:$0x3FA6] =	sst s0  }
0x9: {  	[smem:$0x3FA7] =	sst s1  }
0xa: {  	[smem:$0x3FA8] =	sst s2  }
0xb: {  	[smem:$0x3FA9] =	sst s3  }
0xc: {  	[smem:$0x3FAA] =	sst s4  }
0xd: {  	[smem:$0x3FAB] =	sst s5  }
0xe: {  	[smem:$0x3FAC] =	sst s6  }
0xf: {  	[smem:$0x3FAD] =	sst s7  }
0x10: {  	[smem:$0x3FAE] =	sst s8  }
0x11: {  	[smem:$0x3FAF] =	sst s9;
	s0 =	simm.s32 @!p0 $0x0  }
0x12: {  	s1 =	sld [smem:$0x3F95];
	s0 =	simm.s32 @p0 $0x1  }
0x13: {  	[smem:$0x3FB0] =	sst s0;
	s0 =	simm.s32 @!p1 $0x0  }
0x14: {  	s2 =	sld [smem:$0x3F94];
	s0 =	simm.s32 @p1 $0x1  }
0x15: {  	[smem:$0x3FB1] =	sst s0;
	s0 =	simm.s32 @!p2 $0x0  }
0x16: {  	s3 =	sld [smem:$0x3FDB];
	s0 =	simm.s32 @p2 $0x1  }
0x17: {  	s4 =	simm.s32 $0x1BF5;
	[smem:$0x3FB3] =	sst s0  }
0x18: {  	s0 =	sld [smem:$0x3F96];
	_ =	swait.ge [sflag:s4], $0x0  }
0x19: {  	s7 =	sld [smem:$0x3F97]  }
0x1a: {  	s8 =	sadd.s32 $0xFFFFE003, lr  }
0x1b: {  	s9 =	sadd.s32 $0xFFFFFEF7, lr;
	s5 =	simm.s32 $0xFFFFFFFF;
	p2 =	slt.u32 s8, $0xFFFFF086  }
0x1c: {  	p1 =	slt.u32 s9, $0xF7A;
	s5 =	simm.s32 @!p2 $0x0  }
0x1d: {  	s5 =	simm.s32 @p1 $0x1;
	p0 =	seq.s32 s7, s2  }
0x1e: {  	s7 =	smul.u32 @!p0 $0xF7A, s2;
	p2 =	seq.s32 @!p0 s5, $0x0  }
0x1f: {  	s9 =	smul.u32 $0xF7A, s1;
	s8 =	simm.s32 @!p0 $0x1BF5;
	p2 =	por !p2, p0  }
0x20: {  	[sflag:s8] =	ssyncset.s32 @!p0 $0xFFFFF086;
	s6 =	sadd.s32 @!p0 s3, s7;
	s7 =	simm.s32 @!p0 $0x108  }
0x21: {  	s3 =	sadd.s32 s3, s9;
	s6 =	sadd.s32 @!p0 $0x88, s6;
	s7 =	simm.s32 @p2 $0x1082  }
0x22: {  	[simem:s7], [sflag:s8] =	dma.local @!p0 [hbm:s6], $0xF7A  }
0x23: {  	s9 =	sor.u32 $0xD0000000, s2;
	s6 =	simm.s32 $0x108;
	_ =	swait.ge @!p0 [sflag:s8], $0x0  }
0x24: {  	s3 =	sadd.s32 $0x88, s3;
	s6 =	simm.s32 @!p1 $0x1082;
	[sflag:s4] =	ssyncset.s32 $0xFFFFF086  }
0x25: {  	[simem:s6], [sflag:s4] =	dma.local [hbm:s3], $0xF7A  }
0x26: {  	[smem:$0x3F97] =	sst s1;
	(tag) =	ssettag s2;
	_ =	strace s9  }
0x27: {  	s1 =	sld [smem:$0x3FA7]  }
0x28: {  	s2 =	sld [smem:$0x3FA8]  }
0x29: {  	s4 =	sld [smem:$0x3FAA]  }
0x2a: {  	p0 =	seq.s32 s5, $0x0;
	s5 =	sld [smem:$0x3FAB]  }
0x2b: {  	s6 =	sld [smem:$0x3FAC]  }
0x2c: {  	s7 =	sld [smem:$0x3FAD]  }
0x2d: {  	s3 =	simm.s32 $0x108;
	s8 =	sld [smem:$0x3FAE]  }
0x2e: {  	s3 =	simm.s32 @!p0 $0x1082;
	s9 =	sld [smem:$0x3FAF]  }
0x2f: {  	lr =	sadd.s32 s0, s3;
	s0 =	sld [smem:$0x3FA6]  }
0x30: {  	s3 =	sld [smem:$0x3FA9]  }
0x31: {  	[smem:$0x3FB2] =	sst s10  }
0x32: {  	s10 =	sld [smem:$0x3FB0];
	_ =	sdelay $0x3  }
0x33: {  	p0 =	seq.s32 s10, $0x1;
	s10 =	sld [smem:$0x3FB2];
	_ =	sdelay $0x3  }
0x34: {  	[smem:$0x3FB2] =	sst s10  }
0x35: {  	s10 =	sld [smem:$0x3FB1];
	_ =	sdelay $0x3  }
0x36: {  	p1 =	seq.s32 s10, $0x1;
	s10 =	sld [smem:$0x3FB2];
	_ =	sdelay $0x3  }
0x37: {  	[smem:$0x3FB2] =	sst s10  }
0x38: {  	s10 =	sld [smem:$0x3FB3]  }
0x39: {  	_ = 	snop;
	(pc) =	sbr.ind lr, $3  }
0x3a: {  	_ = 	snop  }
0x3b: {  	_ = 	snop  }
0x3c: {  	p2 =	seq.s32 s10, $0x1;
	s10 =	sld [smem:$0x3FB2]  }
0x3d: {  	_ =	shalt  }
0x3e: {  	_ =	shalt  }
0x3f: {  	_ =	shalt  }
0x40: {  	_ =	shalt  }
0x41: {  	_ =	shalt  }
0x42: {  	_ =	shalt  }
0x43: {  	_ =	shalt  }
0x44: {  	_ =	shalt  }
0x45: {  	_ =	shalt  }
0x46: {  	_ =	shalt  }
0x47: {  	_ =	shalt  }
0x48: {  	_ =	shalt  }
0x49: {  	_ =	shalt  }
0x4a: {  	_ =	shalt  }
0x4b: {  	_ =	shalt  }
0x4c: {  	_ =	shalt  }
0x4d: {  	_ =	shalt  }
0x4e: {  	_ =	shalt  }
0x4f: {  	_ =	shalt  }
0x50: {  	_ =	shalt  }
0x51: {  	_ =	shalt  }
0x52: {  	_ =	shalt  }
0x53: {  	_ =	shalt  }
0x54: {  	_ =	shalt  }
0x55: {  	_ =	shalt  }
0x56: {  	_ =	shalt  }
0x57: {  	_ =	shalt  }
0x58: {  	_ =	shalt  }
0x59: {  	_ =	shalt  }
0x5a: {  	_ =	shalt  }
0x5b: {  	_ =	shalt  }
0x5c: {  	_ =	shalt  }
0x5d: {  	_ =	shalt  }
0x5e: {  	_ =	shalt  }
0x5f: {  	_ =	shalt  }
0x60: {  	_ =	shalt  }
0x61: {  	_ =	shalt  }
0x62: {  	_ =	shalt  }
0x63: {  	_ =	shalt  }
0x64: {  	_ =	shalt  }
0x65: {  	_ =	shalt  }
0x66: {  	_ =	shalt  }
0x67: {  	_ =	shalt  }
0x68: {  	_ =	shalt  }
0x69: {  	_ =	shalt  }
0x6a: {  	_ =	shalt  }
0x6b: {  	_ =	shalt  }
0x6c: {  	_ =	shalt  }
0x6d: {  	_ =	shalt  }
0x6e: {  	_ =	shalt  }
0x6f: {  	_ =	shalt  }
0x70: {  	_ =	shalt  }
0x71: {  	_ =	shalt  }
0x72: {  	_ =	shalt  }
0x73: {  	_ =	shalt  }
0x74: {  	_ =	shalt  }
0x75: {  	_ =	shalt  }
0x76: {  	_ =	shalt  }
0x77: {  	_ =	shalt  }
0x78: {  	_ =	shalt  }
0x79: {  	_ =	shalt  }
0x7a: {  	_ =	shalt  }
0x7b: {  	_ =	shalt  }
0x7c: {  	_ =	shalt  }
0x7d: {  	_ =	shalt  }
0x7e: {  	_ =	shalt  }
0x7f: {  	_ =	shalt  }
0x80: {  	_ =	shalt  }
0x81: {  	_ =	shalt  }
0x82: {  	_ =	shalt  }
0x83: {  	_ =	shalt  }
0x84: {  	_ =	shalt  }
0x85: {  	_ =	shalt  }
0x86: {  	_ =	shalt  }
0x87: {  	_ =	shalt  }
.Lfunc_end0:
.L_simem_size_0:
called_computation.1_lowered:
.L_overlay_start_0:
0x88: {  	s2 =	sld [smem:$0x3FD9]  }
0x89: {  	s3 =	sld [smem:$0x3FFE];
	_ =	sdelay $0x1  }
0x8a: {  	s1 =	srdreg.scid  }
0x8b: {  	s0 =	sand.u32 $0x1, s1  }
0x8c: {  	s17 =	sshll.u32 s0, $0xA;
	s2 =	sadd.s32 s3, s2  }
0x8d: {  	s2 =	sadd.s32 s2, s17  }
0x8e: {  	[smem:$0x3FBE] =	sst s2  }
0x8f: {  	_ = 	snop  }
0x90: {  	s2 =	sld [smem:$0x3FD0];
	(tm) =	ssettm $0x1  }
0x91: {  	s18 =	sld [smem:$0x3FFB];
	_ =	sdelay $0x3  }
0x92: {  	_ =	strace s18  }
0x93: {  	s3 =	sld [smem:$0x3FFC];
	_ =	sdelay $0x3  }
0x94: {  	_ =	strace s3  }
0x95: {  	s3 =	sld [smem:$0x3FFD];
	_ =	sdelay $0x3  }
0x96: {  	_ =	strace s3  }
0x97: {  	_ =	strace $0x8FFFFFFF  }
0x98: {  	s19 =	sld [smem:$0x3FDB];
	_ =	sdelay $0x1  }
0x99: {  	s4 =	simm.s32 $_scs_section_size  }
0x9a: {  	s5 =	simm.s32 $_size__tile_overlayer_lowered;
	s6 =	simm.s32 $_tile_overlayer_lowered  }
0x9b: {  	s22 =	simm.s32 $0x1BFF;
	s21 =	sshll.u32 s6, $0x1;
	s3 =	sadd.s32 s4, s19  }
0x9c: {  	s7 =	simm.s32 $0x0;
	s20 =	sshll.u32 s5, $0x1;
	s5 =	sadd.s32 s21, s3  }
0x9d: {  	[timem:s7], [sflag:s22] =	dma.local [hbm:s5], s20  }
0x9e: {  	_ =	swait.ge [sflag:s22], s20  }
0x9f: {  	s4 =	ssub.s32 $0x0, s20;
	[sflag:s22] =	ssyncset.done $0x0  }
0xa0: {  	[sflag:s22] =	ssyncadd.s32 s4;
	_ =	sdelay $0x1  }
0xa1: {  	s23 =	simm.s32 $0x1B8B  }
0xa2: {  	_ =	swait.ge [sflag:s23], $0x1  }
0xa3: {  	[sflag:s23] =	ssyncset.done $0x0  }
0xa4: {  	s25 =	simm.s32 $0x1B8E;
	s24 =	sld [smem:$0x3FFE];
	[sflag:s23] =	ssyncadd.s32 $0xFFFFFFFF  }
0xa5: {  	s26 =	simm.s32 $execute0_lowered;
	[smem:$0x3FD2] =	sst s25  }
0xa6: {  	s5 =	sshll.u32 s26, $0x1;
	_ =	strace $0x80000049;
	[dreg:$0x1] =	wrdreg $0xFFFFFFFF  }
0xa7: {  	s28 =	simm.s32 $_size_execute0_lowered;
	s3 =	sadd.s32 s3, s5;
	[dreg:$0x0] =	wrdreg $0x0  }
0xa8: {  	s5 =	sshll.u32 s28, $0x1;
	[dreg:$0x2] =	wrdreg s3  }
0xa9: {  	[dreg:$0x3] =	wrdreg s5  }
0xaa: {  	[dreg:$0x4] =	wrdreg $0xC0  }
0xab: {  	_ =	task [dreg:s7], $0x5FFFF  }
0xac: {  	[dreg:$0x1] =	wrdreg $0xFFFFFFFF  }
0xad: {  	[dreg:$0x0] =	wrdreg $0x60  }
0xae: {  	[dreg:$0x2] =	wrdreg s2  }
0xaf: {  	[dreg:$0x3] =	wrdreg s24  }
0xb0: {  	[dreg:$0x4] =	wrdreg $0x97000  }
0xb1: {  	[dreg:$0x5] =	wrdreg $0x9  }
0xb2: {  	_ =	task.clear_ibuf [dreg:s7], $0x6FFFF;
	_ =	strace $0x90000049  }
0xb3: {  	s29 =	simm.s32 $0x9;
	_ =	strace $0x8000004B  }
0xb4: {  	_ =	swait.ge [sflag:s29], $0x1  }
0xb5: {  	[sflag:s29] =	ssyncadd.s32 $0xFFFFFFFF  }
0xb6: {  	_ =	strace $0x9000004B  }
0xb7: {  	_ =	sfence  }
0xb8: {  	s30 =	sld [smem:$0x0];
	_ =	sdelay $0x2  }
0xb9: {  	s31 =	sshll.u32 s1, $0xD;
	s1 =	sshrl.u32 s1, $0x2  }
0xba: {  	s3 =	sand.u32 $0x4000, s31;
	s1 =	sadd.s32 s1, s30  }
0xbb: {  	s0 =	sor.u32 s3, s0;
	s1 =	sshll.u32 s1, $0x11  }
0xbc: {  	s0 =	sor.u32 s1, s0  }
0xbd: {  	s0 =	sadd.s32 $0x8F2B, s0  }
0xbe: {  	[sflag:s0] =	ssyncadd.remote.s32 $0x1  }
0xbf: {  	_ =	sfence.sel $0xFFFF  }
0xc0: {  	[dreg:$0x0] =	wrdreg $0xFFFFFFFF;
	(pc) =	sbr.abs _section_cstart, $3  }
0xc1: {  	[dreg:$0x1] =	wrdreg $0xFFFFFFFF  }
0xc2: {  	_ =	task.clear_ibuf [dreg:s7], $0x2FFFF;
	_ =	strace $0x9FFFFFFF  }
0xc3: {  	(tm) =	ssettm $0x7FFFFFFF  }
tec
execute0_lowered:
.L_overlay_start_1:
0x0: {  	(tag) =	ssettag $0x1  }
0x1: {  	s0 =	rddreg [dreg:$0x0]  }
0x2: {  	s1 =	srdreg.scid;
	s6 =	rddreg [dreg:$0x1]  }
0x3: {  	s3 =	rddreg [dreg:$0x2];
	s2 =	stileid.u32  }
0x4: {  	s4 =	simm.s32 $0x0;
	s19 =	simm.s32 $0x2780;
	s20 =	simm.s32 $0x80  }
0x5: {  	s21 =	simm.s32 $0x4F00;
	s7 =	sand.u32 $0x1, s1;
	s1 =	rddreg [dreg:$0x3]  }
0x6: {  	s22 =	simm.s32 $0x1;
	s23 =	simm.s32 $0x0;
	[smem:$0x7FF] =	sst s4  }
0x7: {  	s10 =	smul.u32 $0xA000, s2;
	s15 =	sadd.s32 $0x6CA00, s6;
	s5 =	sshll.u32 s7, $0x4  }
0x8: {  	_ =	strace $0x8000004A;
	s8 =	ssub.s32 $0x2, s7;
	s14 =	smul.u32 $0xA0000, s7  }
0x9: {  	s5 =	sor.u32 s2, s5;
	s9 =	sshrl.u32 s8, $0x1;
	s13 =	sadd.s32 $0x2800, s10  }
0xa: {  	s17 =	sadd.s32 $0x5000, s10;
	s18 =	sadd.s32 $0x7800, s10;
	s5 =	smul.u32 $0x4F0, s5  }
0xb: {  	s16 =	ssub.s32 s8, s9;
	s7 =	sadd.s32 s13, s3;
	s8 =	sadd.s32 s17, s3  }
0xc: {  	s9 =	sadd.s32 s18, s3;
	s12 =	sadd.s32 s10, s14;
	s13 =	sadd.s32 s14, s13  }
0xd: {  	s17 =	sadd.s32 s14, s17;
	s18 =	sadd.s32 s14, s18;
	s12 =	sshrl.u32 s12, $0x3  }
0xe: {  	s13 =	sshrl.u32 s13, $0x3;
	s17 =	sshrl.u32 s17, $0x3;
	s31 =	sshrl.u32 s18, $0x3  }
0xf: {  	s16 =	smax.u32 s16, $0x1;
	s18 =	simm.s32 $0x2;
	s11 =	sadd.s32 s5, s6  }
0x10: {  	s5 =	sadd.s32 $0x6C400, s6;
	s6 =	sadd.s32 s10, s3;
	s12 =	sadd.s32 s15, s12  }
0x11: {  	s13 =	sadd.s32 s15, s13;
	s14 =	sadd.s32 s15, s17;
	s15 =	sadd.s32 s15, s31  }
0x12: {  	s17 =	simm.s32 $0x6F00;
	s10 =	sadd.s32 $0xD000, s11;
	s11 =	sadd.s32 $0x3200, s11  }
.LBB2_1:
0x13: {  	[tilespmem:s17], [sflag:$0x2] =	stream.linear.gather [hbm4b:s5+s4], $0x2800, $0x38;
	[tilespmem:$0x13700] =	vst v63  }
0x14: {  	_ =	swait.ge [sflag:s18], $0x2800  }
0x15: {  	[sflag:s18] =	ssyncset.done $0x0  }
0x16: {  	[sflag:s18] =	ssyncadd.s32 $0xFFFFD800  }
0x17: {  	[spmem:s6] =	stream.linear.scatter [tilespmem:s17], [sflag:$0x2], $0x2800, $0x38;
	[tilespmem:$0x13700] =	vst v63  }
0x18: {  	_ =	swait.ge [sflag:s18], $0x2800  }
0x19: {  	[sflag:s18] =	ssyncset.done $0x0  }
0x1a: {  	[sflag:s18] =	ssyncadd.s32 $0xFFFFD800  }
0x1b: {  	[spmem:s7] =	stream.linear.scatter [tilespmem:s17], [sflag:$0x2], $0x2800, $0x38;
	[tilespmem:$0x13700] =	vst v63  }
0x1c: {  	_ =	swait.ge [sflag:s18], $0x2800  }
0x1d: {  	[sflag:s18] =	ssyncset.done $0x0  }
0x1e: {  	[sflag:s18] =	ssyncadd.s32 $0xFFFFD800  }
0x1f: {  	[spmem:s8] =	stream.linear.scatter [tilespmem:s17], [sflag:$0x2], $0x2800, $0x38;
	[tilespmem:$0x13700] =	vst v63  }
0x20: {  	_ =	swait.ge [sflag:s18], $0x2800  }
0x21: {  	[sflag:s18] =	ssyncset.done $0x0  }
0x22: {  	[sflag:s18] =	ssyncadd.s32 $0xFFFFD800  }
0x23: {  	[spmem:s9] =	stream.linear.scatter [tilespmem:s17], [sflag:$0x2], $0x2800, $0x38;
	[tilespmem:$0x13700] =	vst v63  }
0x24: {  	_ =	swait.ge [sflag:s18], $0x2800  }
0x25: {  	[sflag:s18] =	ssyncset.done $0x0  }
0x26: {  	[sflag:s18] =	ssyncadd.s32 $0xFFFFD800  }
0x27: {  	[tilespmem:s4], [sflag:$0x2] =	stream.linear.gather [hbm4b:s10+s4], $0x2780, $0x38;
	[tilespmem:$0x13700] =	vst v63  }
0x28: {  	_ =	swait.ge [sflag:s18], $0x2780  }
0x29: {  	[sflag:s18] =	ssyncset.done $0x0  }
0x2a: {  	[sflag:s18] =	ssyncadd.s32 $0xFFFFD880  }
0x2b: {  	[tilespmem:s19], [sflag:$0x2] =	stream.linear.gather [hbm4b:s11+s4], $0x2780, $0x38;
	[tilespmem:$0x13700] =	vst v63  }
0x2c: {  	_ =	swait.ge [sflag:s18], $0x2780  }
0x2d: {  	[sflag:s18] =	ssyncset.done $0x0  }
0x2e: {  	[sflag:s18] =	ssyncadd.s32 $0xFFFFD880  }
0x2f: {  	s24 =	simm.s32 $0x0;
	[bflag:$0x0] =	sbarrier.arrive $0xFFFF  }
0x30: {  	[tilespmem:s21], [sflag:$0x1] =	stream.indirect.gather [hbm4b:s0+s20], $0x40, s24, s20, $0xb8;
	[tilespmem:$0x13700] =	vst v63  }
0x31: {  	_ =	swait.ge [sflag:s22], $0x2000  }
0x32: {  	[sflag:s22] =	ssyncset.done $0x0  }
0x33: {  	s31 =	simm.s32 $0x2780;
	[sflag:s22] =	ssyncadd.s32 $0xFFFFE000  }
0x34: {  	[spmem:s3] =	stream.indirect.scatter.add.f32 [tilespmem:s21], [sflag:$0x2], $0x40, s31, s20, $0xb8;
	[tilespmem:$0x13700] =	vst v63  }
0x35: {  	_ =	swait.ge [sflag:s18], $0x2000  }
0x36: {  	s25 =	simm.s32 $0x400;
	s24 =	simm.s32 $0x200;
	[sflag:s18] =	ssyncset.done $0x0  }
.LBB2_2:
0x37: {  	s26 =	sshra.s32 s24, $0x2  }
0x38: {  	[sflag:s18] =	ssyncadd.s32 $0xFFFFE000;
	s24 =	smov.u32 s25;
	s28 =	sadd.s32 $0x200, s25  }
0x39: {  	[tilespmem:s21], [sflag:$0x1] =	stream.indirect.gather [hbm4b:s0+s20], $0x40, s26, s20, $0xb8;
	[tilespmem:$0x13700] =	vst v63  }
0x3a: {  	p0 =	sne.s32 s25, $0x9C00;
	_ =	swait.ge [sflag:s22], $0x2000  }
.Ltmp0:
0x3b: {  	[sflag:s22] =	ssyncset.done $0x0;
	(pc) =	sbr.rel @p0 .LBB2_2-.Ltmp0, $4  }
0x3c: {  	s25 =	sadd.s32 $0x2780, s26;
	[sflag:s22] =	ssyncadd.s32 $0xFFFFE000  }
0x3d: {  	[spmem:s3] =	stream.indirect.scatter.add.f32 [tilespmem:s21], [sflag:$0x2], $0x40, s25, s20, $0xb8;
	[tilespmem:$0x13700] =	vst v63  }
0x3e: {  	_ =	swait.ge [sflag:s18], $0x2000  }
0x3f: {  	s25 =	smov.u32 s28;
	[sflag:s18] =	ssyncset.done $0x0  }
0x40: {  	s24 =	sshra.s32 s24, $0x2;
	[sflag:s18] =	ssyncadd.s32 $0xFFFFE000  }
0x41: {  	[tilespmem:s21], [sflag:$0x1] =	stream.indirect.gather [hbm4b:s0+s20], $0x40, s24, s20, $0xb8;
	[tilespmem:$0x13700] =	vst v63  }
0x42: {  	_ =	swait.ge [sflag:s22], $0x2000  }
0x43: {  	[sflag:s22] =	ssyncset.done $0x0  }
0x44: {  	s24 =	sadd.s32 $0x2780, s24;
	[sflag:s22] =	ssyncadd.s32 $0xFFFFE000  }
0x45: {  	[spmem:s3] =	stream.indirect.scatter.add.f32 [tilespmem:s21], [sflag:$0x2], $0x40, s24, s20, $0xb8;
	[tilespmem:$0x13700] =	vst v63  }
0x46: {  	_ =	swait.ge [sflag:s18], $0x2000  }
0x47: {  	[sflag:s18] =	ssyncset.done $0x0  }
0x48: {  	[sflag:s18] =	ssyncadd.s32 $0xFFFFE000  }
0x49: {  	[bflag:$0x0] =	sbarrier.arrive $0xFFFF  }
0x4a: {  	[tilespmem:s17], [sflag:$0x2] =	stream.linear.gather [spmem:s6], $0x2800, $0x38;
	[tilespmem:$0x13700] =	vst v63  }
0x4b: {  	_ =	swait.ge [sflag:s18], $0x2800  }
0x4c: {  	[sflag:s18] =	ssyncset.done $0x0  }
0x4d: {  	[sflag:s18] =	ssyncadd.s32 $0xFFFFD800  }
0x4e: {  	[hbm4b:s12+s4] =	stream.linear.scatter [tilespmem:s17], [sflag:$0x2], $0x2800, $0x38;
	[tilespmem:$0x13700] =	vst v63  }
0x4f: {  	_ =	swait.ge [sflag:s18], $0x2800  }
0x50: {  	[sflag:s18] =	ssyncset.done $0x0  }
0x51: {  	[sflag:s18] =	ssyncadd.s32 $0xFFFFD800  }
0x52: {  	[tilespmem:s17], [sflag:$0x2] =	stream.linear.gather [spmem:s7], $0x2800, $0x38;
	[tilespmem:$0x13700] =	vst v63  }
0x53: {  	_ =	swait.ge [sflag:s18], $0x2800  }
0x54: {  	[sflag:s18] =	ssyncset.done $0x0  }
0x55: {  	[sflag:s18] =	ssyncadd.s32 $0xFFFFD800  }
0x56: {  	[hbm4b:s13+s4] =	stream.linear.scatter [tilespmem:s17], [sflag:$0x2], $0x2800, $0x38;
	[tilespmem:$0x13700] =	vst v63  }
0x57: {  	_ =	swait.ge [sflag:s18], $0x2800  }
0x58: {  	[sflag:s18] =	ssyncset.done $0x0  }
0x59: {  	[sflag:s18] =	ssyncadd.s32 $0xFFFFD800  }
0x5a: {  	[tilespmem:s17], [sflag:$0x2] =	stream.linear.gather [spmem:s8], $0x2800, $0x38;
	[tilespmem:$0x13700] =	vst v63  }
0x5b: {  	_ =	swait.ge [sflag:s18], $0x2800  }
0x5c: {  	[sflag:s18] =	ssyncset.done $0x0  }
0x5d: {  	[sflag:s18] =	ssyncadd.s32 $0xFFFFD800  }
0x5e: {  	[hbm4b:s14+s4] =	stream.linear.scatter [tilespmem:s17], [sflag:$0x2], $0x2800, $0x38;
	[tilespmem:$0x13700] =	vst v63  }
0x5f: {  	_ =	swait.ge [sflag:s18], $0x2800  }
0x60: {  	[sflag:s18] =	ssyncset.done $0x0  }
0x61: {  	[sflag:s18] =	ssyncadd.s32 $0xFFFFD800  }
0x62: {  	[tilespmem:s17], [sflag:$0x2] =	stream.linear.gather [spmem:s9], $0x2800, $0x38;
	[tilespmem:$0x13700] =	vst v63  }
0x63: {  	s23 =	sadd.s32 $0x1, s23;
	_ =	swait.ge [sflag:s18], $0x2800  }
0x64: {  	p0 =	sne.s32 s23, s16;
	[sflag:s18] =	ssyncset.done $0x0  }
.Ltmp1:
0x65: {  	[sflag:s18] =	ssyncadd.s32 $0xFFFFD800;
	(pc) =	sbr.rel @p0 .LBB2_1-.Ltmp1, $4  }
0x66: {  	[hbm4b:s15+s4] =	stream.linear.scatter [tilespmem:s17], [sflag:$0x2], $0x2800, $0x38;
	[tilespmem:$0x13700] =	vst v63  }
0x67: {  	_ =	swait.ge [sflag:s18], $0x2800  }
0x68: {  	[sflag:s18] =	ssyncset.done $0x0  }
0x69: {  	[sflag:s18] =	ssyncadd.s32 $0xFFFFD800  }
0x6a: {  	_ =	sfence.sel $0x180000  }
0x6b: {  	[bflag:$0x0] =	sbarrier.arrive $0xFFFF  }
0x6c: {  	p0 =	sne.s32 s2, $0x0;
	_ =	strace $0x9000004A  }
0x6d: {  	s0 =	sadd.s32 @!p0 $0x100000, s1;
	[bflag:$0x2] =	sbarrier.arrive $0xFFFF  }
0x6e: {  	[sflag:s0] =	ssyncadd.tile.s32 @!p0 $0x1;
	_ =	shalt  }
.Lfunc_end2:
_tile_overlayer_lowered:
.L_overlay_start_2:
0x6f: {  	(tag) =	ssettag $0x2  }
0x70: {  	s0 =	rddreg [dreg:$0x0];
	s2 =	stileid.u32  }
0x71: {  	s1 =	rddreg [dreg:$0x1];
	p0 =	sne.s32 s2, $0x0  }
0x72: {  	s3 =	rddreg [dreg:$0x2];
	[bflag:$0x3] =	sbarrier.arrive $0xFFFF;
	s2 =	simm.s32 @!p0 $0x1C02  }
0x73: {  	[timem:s3], [sflag:s2] =	dma.local @!p0 [hbm:s0], s1  }
0x74: {  	s0 =	simm.s32 @!p0 $0x2  }
0x75: {  	_ =	swait.ge @!p0 [sflag:s0], s1  }
0x76: {  	s1 =	ssub.s32 @!p0 $0x0, s1;
	[sflag:s0] =	ssyncset.done @!p0 $0x0  }
0x77: {  	[sflag:s0] =	ssyncadd.s32 @!p0 s1  }
0x78: {  	[bflag:$0x3] =	sbarrier.arrive $0xFFFF  }
0x79: {  	_ =	shalt  }

// kernel: kernel.16.cloned.1.call-start
scs
__scs_entry_jumppad:
0x0: {  	(pc) =	sbr.rel $0x88, $3  }
0x1: {  	(tag) =	ssettag $0x0;
	lr =	simm.s32 $0x1  }
0x2: {  	[smem:$0x3F97] =	sst lr;
	_ =	strace $0xD0000000  }
0x3: {  	_ = 	snop  }
0x4: {  	_ = 	snop  }
0x5: {  	_ = 	snop  }
0x6: {  	_ = 	snop  }
0x7: {  	_ = 	snop  }
__scs_overlays_trampoline_lowered:
0x8: {  	[smem:$0x3FA6] =	sst s0  }
0x9: {  	[smem:$0x3FA7] =	sst s1  }
0xa: {  	[smem:$0x3FA8] =	sst s2  }
0xb: {  	[smem:$0x3FA9] =	sst s3  }
0xc: {  	[smem:$0x3FAA] =	sst s4  }
0xd: {  	[smem:$0x3FAB] =	sst s5  }
0xe: {  	[smem:$0x3FAC] =	sst s6  }
0xf: {  	[smem:$0x3FAD] =	sst s7  }
0x10: {  	[smem:$0x3FAE] =	sst s8  }
0x11: {  	[smem:$0x3FAF] =	sst s9;
	s0 =	simm.s32 @!p0 $0x0  }
0x12: {  	s1 =	sld [smem:$0x3F95];
	s0 =	simm.s32 @p0 $0x1  }
0x13: {  	[smem:$0x3FB0] =	sst s0;
	s0 =	simm.s32 @!p1 $0x0  }
0x14: {  	s2 =	sld [smem:$0x3F94];
	s0 =	simm.s32 @p1 $0x1  }
0x15: {  	[smem:$0x3FB1] =	sst s0;
	s0 =	simm.s32 @!p2 $0x0  }
0x16: {  	s3 =	sld [smem:$0x3FDB];
	s0 =	simm.s32 @p2 $0x1  }
0x17: {  	s4 =	simm.s32 $0x1BF5;
	[smem:$0x3FB3] =	sst s0  }
0x18: {  	s0 =	sld [smem:$0x3F96];
	_ =	swait.ge [sflag:s4], $0x0  }
0x19: {  	s7 =	sld [smem:$0x3F97]  }
0x1a: {  	s8 =	sadd.s32 $0xFFFFE003, lr  }
0x1b: {  	s9 =	sadd.s32 $0xFFFFFEF7, lr;
	s5 =	simm.s32 $0xFFFFFFFF;
	p2 =	slt.u32 s8, $0xFFFFF086  }
0x1c: {  	p1 =	slt.u32 s9, $0xF7A;
	s5 =	simm.s32 @!p2 $0x0  }
0x1d: {  	s5 =	simm.s32 @p1 $0x1;
	p0 =	seq.s32 s7, s2  }
0x1e: {  	s7 =	smul.u32 @!p0 $0xF7A, s2;
	p2 =	seq.s32 @!p0 s5, $0x0  }
0x1f: {  	s9 =	smul.u32 $0xF7A, s1;
	s8 =	simm.s32 @!p0 $0x1BF5;
	p2 =	por !p2, p0  }
0x20: {  	[sflag:s8] =	ssyncset.s32 @!p0 $0xFFFFF086;
	s6 =	sadd.s32 @!p0 s3, s7;
	s7 =	simm.s32 @!p0 $0x108  }
0x21: {  	s3 =	sadd.s32 s3, s9;
	s6 =	sadd.s32 @!p0 $0x88, s6;
	s7 =	simm.s32 @p2 $0x1082  }
0x22: {  	[simem:s7], [sflag:s8] =	dma.local @!p0 [hbm:s6], $0xF7A  }
0x23: {  	s9 =	sor.u32 $0xD0000000, s2;
	s6 =	simm.s32 $0x108;
	_ =	swait.ge @!p0 [sflag:s8], $0x0  }
0x24: {  	s3 =	sadd.s32 $0x88, s3;
	s6 =	simm.s32 @!p1 $0x1082;
	[sflag:s4] =	ssyncset.s32 $0xFFFFF086  }
0x25: {  	[simem:s6], [sflag:s4] =	dma.local [hbm:s3], $0xF7A  }
0x26: {  	[smem:$0x3F97] =	sst s1;
	(tag) =	ssettag s2;
	_ =	strace s9  }
0x27: {  	s1 =	sld [smem:$0x3FA7]  }
0x28: {  	s2 =	sld [smem:$0x3FA8]  }
0x29: {  	s4 =	sld [smem:$0x3FAA]  }
0x2a: {  	p0 =	seq.s32 s5, $0x0;
	s5 =	sld [smem:$0x3FAB]  }
0x2b: {  	s6 =	sld [smem:$0x3FAC]  }
0x2c: {  	s7 =	sld [smem:$0x3FAD]  }
0x2d: {  	s3 =	simm.s32 $0x108;
	s8 =	sld [smem:$0x3FAE]  }
0x2e: {  	s3 =	simm.s32 @!p0 $0x1082;
	s9 =	sld [smem:$0x3FAF]  }
0x2f: {  	lr =	sadd.s32 s0, s3;
	s0 =	sld [smem:$0x3FA6]  }
0x30: {  	s3 =	sld [smem:$0x3FA9]  }
0x31: {  	[smem:$0x3FB2] =	sst s10  }
0x32: {  	s10 =	sld [smem:$0x3FB0];
	_ =	sdelay $0x3  }
0x33: {  	p0 =	seq.s32 s10, $0x1;
	s10 =	sld [smem:$0x3FB2];
	_ =	sdelay $0x3  }
0x34: {  	[smem:$0x3FB2] =	sst s10  }
0x35: {  	s10 =	sld [smem:$0x3FB1];
	_ =	sdelay $0x3  }
0x36: {  	p1 =	seq.s32 s10, $0x1;
	s10 =	sld [smem:$0x3FB2];
	_ =	sdelay $0x3  }
0x37: {  	[smem:$0x3FB2] =	sst s10  }
0x38: {  	s10 =	sld [smem:$0x3FB3]  }
0x39: {  	_ = 	snop;
	(pc) =	sbr.ind lr, $3  }
0x3a: {  	_ = 	snop  }
0x3b: {  	_ = 	snop  }
0x3c: {  	p2 =	seq.s32 s10, $0x1;
	s10 =	sld [smem:$0x3FB2]  }
0x3d: {  	_ =	shalt  }
0x3e: {  	_ =	shalt  }
0x3f: {  	_ =	shalt  }
0x40: {  	_ =	shalt  }
0x41: {  	_ =	shalt  }
0x42: {  	_ =	shalt  }
0x43: {  	_ =	shalt  }
0x44: {  	_ =	shalt  }
0x45: {  	_ =	shalt  }
0x46: {  	_ =	shalt  }
0x47: {  	_ =	shalt  }
0x48: {  	_ =	shalt  }
0x49: {  	_ =	shalt  }
0x4a: {  	_ =	shalt  }
0x4b: {  	_ =	shalt  }
0x4c: {  	_ =	shalt  }
0x4d: {  	_ =	shalt  }
0x4e: {  	_ =	shalt  }
0x4f: {  	_ =	shalt  }
0x50: {  	_ =	shalt  }
0x51: {  	_ =	shalt  }
0x52: {  	_ =	shalt  }
0x53: {  	_ =	shalt  }
0x54: {  	_ =	shalt  }
0x55: {  	_ =	shalt  }
0x56: {  	_ =	shalt  }
0x57: {  	_ =	shalt  }
0x58: {  	_ =	shalt  }
0x59: {  	_ =	shalt  }
0x5a: {  	_ =	shalt  }
0x5b: {  	_ =	shalt  }
0x5c: {  	_ =	shalt  }
0x5d: {  	_ =	shalt  }
0x5e: {  	_ =	shalt  }
0x5f: {  	_ =	shalt  }
0x60: {  	_ =	shalt  }
0x61: {  	_ =	shalt  }
0x62: {  	_ =	shalt  }
0x63: {  	_ =	shalt  }
0x64: {  	_ =	shalt  }
0x65: {  	_ =	shalt  }
0x66: {  	_ =	shalt  }
0x67: {  	_ =	shalt  }
0x68: {  	_ =	shalt  }
0x69: {  	_ =	shalt  }
0x6a: {  	_ =	shalt  }
0x6b: {  	_ =	shalt  }
0x6c: {  	_ =	shalt  }
0x6d: {  	_ =	shalt  }
0x6e: {  	_ =	shalt  }
0x6f: {  	_ =	shalt  }
0x70: {  	_ =	shalt  }
0x71: {  	_ =	shalt  }
0x72: {  	_ =	shalt  }
0x73: {  	_ =	shalt  }
0x74: {  	_ =	shalt  }
0x75: {  	_ =	shalt  }
0x76: {  	_ =	shalt  }
0x77: {  	_ =	shalt  }
0x78: {  	_ =	shalt  }
0x79: {  	_ =	shalt  }
0x7a: {  	_ =	shalt  }
0x7b: {  	_ =	shalt  }
0x7c: {  	_ =	shalt  }
0x7d: {  	_ =	shalt  }
0x7e: {  	_ =	shalt  }
0x7f: {  	_ =	shalt  }
0x80: {  	_ =	shalt  }
0x81: {  	_ =	shalt  }
0x82: {  	_ =	shalt  }
0x83: {  	_ =	shalt  }
0x84: {  	_ =	shalt  }
0x85: {  	_ =	shalt  }
0x86: {  	_ =	shalt  }
0x87: {  	_ =	shalt  }
.Lfunc_end0:
.L_simem_size_0:
called_computation.2_lowered:
.L_overlay_start_0:
0x88: {  	s2 =	sld [smem:$0x3FD9]  }
0x89: {  	s3 =	sld [smem:$0x3FFE];
	_ =	sdelay $0x1  }
0x8a: {  	s1 =	srdreg.scid  }
0x8b: {  	s0 =	sand.u32 $0x1, s1  }
0x8c: {  	s17 =	sshll.u32 s0, $0xA;
	s2 =	sadd.s32 s3, s2  }
0x8d: {  	s2 =	sadd.s32 s2, s17  }
0x8e: {  	[smem:$0x3FBE] =	sst s2  }
0x8f: {  	_ = 	snop  }
0x90: {  	s2 =	sld [smem:$0x3FD0];
	(tm) =	ssettm $0x1  }
0x91: {  	s18 =	sld [smem:$0x3FFB];
	_ =	sdelay $0x3  }
0x92: {  	_ =	strace s18  }
0x93: {  	s3 =	sld [smem:$0x3FFC];
	_ =	sdelay $0x3  }
0x94: {  	_ =	strace s3  }
0x95: {  	s3 =	sld [smem:$0x3FFD];
	_ =	sdelay $0x3  }
0x96: {  	_ =	strace s3  }
0x97: {  	_ =	strace $0x8FFFFFFF  }
0x98: {  	s19 =	sld [smem:$0x3FDB];
	_ =	sdelay $0x1  }
0x99: {  	s4 =	simm.s32 $_scs_section_size  }
0x9a: {  	s5 =	simm.s32 $_size__tile_overlayer_lowered;
	s6 =	simm.s32 $_tile_overlayer_lowered  }
0x9b: {  	s22 =	simm.s32 $0x1BFF;
	s21 =	sshll.u32 s6, $0x1;
	s3 =	sadd.s32 s4, s19  }
0x9c: {  	s7 =	simm.s32 $0x0;
	s20 =	sshll.u32 s5, $0x1;
	s5 =	sadd.s32 s21, s3  }
0x9d: {  	[timem:s7], [sflag:s22] =	dma.local [hbm:s5], s20  }
0x9e: {  	_ =	swait.ge [sflag:s22], s20  }
0x9f: {  	s4 =	ssub.s32 $0x0, s20;
	[sflag:s22] =	ssyncset.done $0x0  }
0xa0: {  	[sflag:s22] =	ssyncadd.s32 s4;
	_ =	sdelay $0x1  }
0xa1: {  	s23 =	simm.s32 $0x1B8B  }
0xa2: {  	_ =	swait.ge [sflag:s23], $0x1  }
0xa3: {  	[sflag:s23] =	ssyncset.done $0x0  }
0xa4: {  	s25 =	simm.s32 $0x1B8E;
	s24 =	sld [smem:$0x3FFE];
	[sflag:s23] =	ssyncadd.s32 $0xFFFFFFFF  }
0xa5: {  	s26 =	simm.s32 $execute0_lowered;
	[smem:$0x3FD2] =	sst s25  }
0xa6: {  	s5 =	sshll.u32 s26, $0x1;
	_ =	strace $0x8000004C;
	[dreg:$0x1] =	wrdreg $0xFFFFFFFF  }
0xa7: {  	s28 =	simm.s32 $_size_execute0_lowered;
	s3 =	sadd.s32 s3, s5;
	[dreg:$0x0] =	wrdreg $0x0  }
0xa8: {  	s5 =	sshll.u32 s28, $0x1;
	[dreg:$0x2] =	wrdreg s3  }
0xa9: {  	[dreg:$0x3] =	wrdreg s5  }
0xaa: {  	[dreg:$0x4] =	wrdreg $0xC0  }
0xab: {  	_ =	task [dreg:s7], $0x5FFFF  }
0xac: {  	[dreg:$0x1] =	wrdreg $0xFFFFFFFF  }
0xad: {  	[dreg:$0x0] =	wrdreg $0x60  }
0xae: {  	[dreg:$0x2] =	wrdreg s2  }
0xaf: {  	[dreg:$0x3] =	wrdreg s24  }
0xb0: {  	[dreg:$0x4] =	wrdreg $0x97000  }
0xb1: {  	[dreg:$0x5] =	wrdreg $0x9  }
0xb2: {  	_ =	task.clear_ibuf [dreg:s7], $0x6FFFF;
	_ =	strace $0x9000004C  }
0xb3: {  	s29 =	simm.s32 $0x9;
	_ =	strace $0x8000004E  }
0xb4: {  	_ =	swait.ge [sflag:s29], $0x1  }
0xb5: {  	[sflag:s29] =	ssyncadd.s32 $0xFFFFFFFF  }
0xb6: {  	_ =	strace $0x9000004E  }
0xb7: {  	_ =	sfence  }
0xb8: {  	s30 =	sld [smem:$0x0];
	_ =	sdelay $0x2  }
0xb9: {  	s31 =	sshll.u32 s1, $0xD;
	s1 =	sshrl.u32 s1, $0x2  }
0xba: {  	s3 =	sand.u32 $0x4000, s31;
	s1 =	sadd.s32 s1, s30  }
0xbb: {  	s0 =	sor.u32 s3, s0;
	s1 =	sshll.u32 s1, $0x11  }
0xbc: {  	s0 =	sor.u32 s1, s0  }
0xbd: {  	s0 =	sadd.s32 $0x8F2B, s0  }
0xbe: {  	[sflag:s0] =	ssyncadd.remote.s32 $0x1  }
0xbf: {  	_ =	sfence.sel $0xFFFF  }
0xc0: {  	[dreg:$0x0] =	wrdreg $0xFFFFFFFF;
	(pc) =	sbr.abs _section_cstart, $3  }
0xc1: {  	[dreg:$0x1] =	wrdreg $0xFFFFFFFF  }
0xc2: {  	_ =	task.clear_ibuf [dreg:s7], $0x2FFFF;
	_ =	strace $0x9FFFFFFF  }
0xc3: {  	(tm) =	ssettm $0x7FFFFFFF  }
tec
execute0_lowered:
.L_overlay_start_1:
0x0: {  	(tag) =	ssettag $0x1  }
0x1: {  	s0 =	rddreg [dreg:$0x0]  }
0x2: {  	s1 =	srdreg.scid;
	s6 =	rddreg [dreg:$0x1]  }
0x3: {  	s3 =	rddreg [dreg:$0x2];
	s2 =	stileid.u32  }
0x4: {  	s4 =	simm.s32 $0x0;
	s19 =	simm.s32 $0x2780;
	s20 =	simm.s32 $0x80  }
0x5: {  	s21 =	simm.s32 $0x4F00;
	s7 =	sand.u32 $0x1, s1;
	s1 =	rddreg [dreg:$0x3]  }
0x6: {  	s22 =	simm.s32 $0x1;
	s23 =	simm.s32 $0x0;
	[smem:$0x7FF] =	sst s4  }
0x7: {  	s10 =	smul.u32 $0xA000, s2;
	s15 =	sadd.s32 $0x6CA00, s6;
	s5 =	sshll.u32 s7, $0x4  }
0x8: {  	_ =	strace $0x8000004D;
	s8 =	ssub.s32 $0x2, s7;
	s14 =	smul.u32 $0xA0000, s7  }
0x9: {  	s5 =	sor.u32 s2, s5;
	s9 =	sshrl.u32 s8, $0x1;
	s13 =	sadd.s32 $0x2800, s10  }
0xa: {  	s17 =	sadd.s32 $0x5000, s10;
	s18 =	sadd.s32 $0x7800, s10;
	s5 =	smul.u32 $0x4F0, s5  }
0xb: {  	s16 =	ssub.s32 s8, s9;
	s7 =	sadd.s32 s13, s3;
	s8 =	sadd.s32 s17, s3  }
0xc: {  	s9 =	sadd.s32 s18, s3;
	s12 =	sadd.s32 s10, s14;
	s13 =	sadd.s32 s14, s13  }
0xd: {  	s17 =	sadd.s32 s14, s17;
	s18 =	sadd.s32 s14, s18;
	s12 =	sshrl.u32 s12, $0x3  }
0xe: {  	s13 =	sshrl.u32 s13, $0x3;
	s17 =	sshrl.u32 s17, $0x3;
	s31 =	sshrl.u32 s18, $0x3  }
0xf: {  	s16 =	smax.u32 s16, $0x1;
	s18 =	simm.s32 $0x2;
	s11 =	sadd.s32 s5, s6  }
0x10: {  	s5 =	sadd.s32 $0x6C400, s6;
	s6 =	sadd.s32 s10, s3;
	s12 =	sadd.s32 s15, s12  }
0x11: {  	s13 =	sadd.s32 s15, s13;
	s14 =	sadd.s32 s15, s17;
	s15 =	sadd.s32 s15, s31  }
0x12: {  	s17 =	simm.s32 $0x6F00;
	s10 =	sadd.s32 $0xD000, s11;
	s11 =	sadd.s32 $0x3200, s11  }
.LBB2_1:
0x13: {  	[tilespmem:s17], [sflag:$0x2] =	stream.linear.gather [hbm4b:s5+s4], $0x2800, $0x38;
	[tilespmem:$0x13700] =	vst v63  }
0x14: {  	_ =	swait.ge [sflag:s18], $0x2800  }
0x15: {  	[sflag:s18] =	ssyncset.done $0x0  }
0x16: {  	[sflag:s18] =	ssyncadd.s32 $0xFFFFD800  }
0x17: {  	[spmem:s6] =	stream.linear.scatter [tilespmem:s17], [sflag:$0x2], $0x2800, $0x38;
	[tilespmem:$0x13700] =	vst v63  }
0x18: {  	_ =	swait.ge [sflag:s18], $0x2800  }
0x19: {  	[sflag:s18] =	ssyncset.done $0x0  }
0x1a: {  	[sflag:s18] =	ssyncadd.s32 $0xFFFFD800  }
0x1b: {  	[spmem:s7] =	stream.linear.scatter [tilespmem:s17], [sflag:$0x2], $0x2800, $0x38;
	[tilespmem:$0x13700] =	vst v63  }
0x1c: {  	_ =	swait.ge [sflag:s18], $0x2800  }
0x1d: {  	[sflag:s18] =	ssyncset.done $0x0  }
0x1e: {  	[sflag:s18] =	ssyncadd.s32 $0xFFFFD800  }
0x1f: {  	[spmem:s8] =	stream.linear.scatter [tilespmem:s17], [sflag:$0x2], $0x2800, $0x38;
	[tilespmem:$0x13700] =	vst v63  }
0x20: {  	_ =	swait.ge [sflag:s18], $0x2800  }
0x21: {  	[sflag:s18] =	ssyncset.done $0x0  }
0x22: {  	[sflag:s18] =	ssyncadd.s32 $0xFFFFD800  }
0x23: {  	[spmem:s9] =	stream.linear.scatter [tilespmem:s17], [sflag:$0x2], $0x2800, $0x38;
	[tilespmem:$0x13700] =	vst v63  }
0x24: {  	_ =	swait.ge [sflag:s18], $0x2800  }
0x25: {  	[sflag:s18] =	ssyncset.done $0x0  }
0x26: {  	[sflag:s18] =	ssyncadd.s32 $0xFFFFD800  }
0x27: {  	[tilespmem:s4], [sflag:$0x2] =	stream.linear.gather [hbm4b:s10+s4], $0x2780, $0x38;
	[tilespmem:$0x13700] =	vst v63  }
0x28: {  	_ =	swait.ge [sflag:s18], $0x2780  }
0x29: {  	[sflag:s18] =	ssyncset.done $0x0  }
0x2a: {  	[sflag:s18] =	ssyncadd.s32 $0xFFFFD880  }
0x2b: {  	[tilespmem:s19], [sflag:$0x2] =	stream.linear.gather [hbm4b:s11+s4], $0x2780, $0x38;
	[tilespmem:$0x13700] =	vst v63  }
0x2c: {  	_ =	swait.ge [sflag:s18], $0x2780  }
0x2d: {  	[sflag:s18] =	ssyncset.done $0x0  }
0x2e: {  	[sflag:s18] =	ssyncadd.s32 $0xFFFFD880  }
0x2f: {  	s24 =	simm.s32 $0x0;
	[bflag:$0x0] =	sbarrier.arrive $0xFFFF  }
0x30: {  	[tilespmem:s21], [sflag:$0x1] =	stream.indirect.gather [hbm4b:s0+s20], $0x40, s24, s20, $0xb8;
	[tilespmem:$0x13700] =	vst v63  }
0x31: {  	_ =	swait.ge [sflag:s22], $0x2000  }
0x32: {  	[sflag:s22] =	ssyncset.done $0x0  }
0x33: {  	s31 =	simm.s32 $0x2780;
	[sflag:s22] =	ssyncadd.s32 $0xFFFFE000  }
0x34: {  	[spmem:s3] =	stream.indirect.scatter.add.f32 [tilespmem:s21], [sflag:$0x2], $0x40, s31, s20, $0xb8;
	[tilespmem:$0x13700] =	vst v63  }
0x35: {  	_ =	swait.ge [sflag:s18], $0x2000  }
0x36: {  	s25 =	simm.s32 $0x400;
	s24 =	simm.s32 $0x200;
	[sflag:s18] =	ssyncset.done $0x0  }
.LBB2_2:
0x37: {  	s26 =	sshra.s32 s24, $0x2  }
0x38: {  	[sflag:s18] =	ssyncadd.s32 $0xFFFFE000;
	s24 =	smov.u32 s25;
	s28 =	sadd.s32 $0x200, s25  }
0x39: {  	[tilespmem:s21], [sflag:$0x1] =	stream.indirect.gather [hbm4b:s0+s20], $0x40, s26, s20, $0xb8;
	[tilespmem:$0x13700] =	vst v63  }
0x3a: {  	p0 =	sne.s32 s25, $0x9C00;
	_ =	swait.ge [sflag:s22], $0x2000  }
.Ltmp0:
0x3b: {  	[sflag:s22] =	ssyncset.done $0x0;
	(pc) =	sbr.rel @p0 .LBB2_2-.Ltmp0, $4  }
0x3c: {  	s25 =	sadd.s32 $0x2780, s26;
	[sflag:s22] =	ssyncadd.s32 $0xFFFFE000  }
0x3d: {  	[spmem:s3] =	stream.indirect.scatter.add.f32 [tilespmem:s21], [sflag:$0x2], $0x40, s25, s20, $0xb8;
	[tilespmem:$0x13700] =	vst v63  }
0x3e: {  	_ =	swait.ge [sflag:s18], $0x2000  }
0x3f: {  	s25 =	smov.u32 s28;
	[sflag:s18] =	ssyncset.done $0x0  }
0x40: {  	s24 =	sshra.s32 s24, $0x2;
	[sflag:s18] =	ssyncadd.s32 $0xFFFFE000  }
0x41: {  	[tilespmem:s21], [sflag:$0x1] =	stream.indirect.gather [hbm4b:s0+s20], $0x40, s24, s20, $0xb8;
	[tilespmem:$0x13700] =	vst v63  }
0x42: {  	_ =	swait.ge [sflag:s22], $0x2000  }
0x43: {  	[sflag:s22] =	ssyncset.done $0x0  }
0x44: {  	s24 =	sadd.s32 $0x2780, s24;
	[sflag:s22] =	ssyncadd.s32 $0xFFFFE000  }
0x45: {  	[spmem:s3] =	stream.indirect.scatter.add.f32 [tilespmem:s21], [sflag:$0x2], $0x40, s24, s20, $0xb8;
	[tilespmem:$0x13700] =	vst v63  }
0x46: {  	_ =	swait.ge [sflag:s18], $0x2000  }
0x47: {  	[sflag:s18] =	ssyncset.done $0x0  }
0x48: {  	[sflag:s18] =	ssyncadd.s32 $0xFFFFE000  }
0x49: {  	[bflag:$0x0] =	sbarrier.arrive $0xFFFF  }
0x4a: {  	[tilespmem:s17], [sflag:$0x2] =	stream.linear.gather [spmem:s6], $0x2800, $0x38;
	[tilespmem:$0x13700] =	vst v63  }
0x4b: {  	_ =	swait.ge [sflag:s18], $0x2800  }
0x4c: {  	[sflag:s18] =	ssyncset.done $0x0  }
0x4d: {  	[sflag:s18] =	ssyncadd.s32 $0xFFFFD800  }
0x4e: {  	[hbm4b:s12+s4] =	stream.linear.scatter [tilespmem:s17], [sflag:$0x2], $0x2800, $0x38;
	[tilespmem:$0x13700] =	vst v63  }
0x4f: {  	_ =	swait.ge [sflag:s18], $0x2800  }
0x50: {  	[sflag:s18] =	ssyncset.done $0x0  }
0x51: {  	[sflag:s18] =	ssyncadd.s32 $0xFFFFD800  }
0x52: {  	[tilespmem:s17], [sflag:$0x2] =	stream.linear.gather [spmem:s7], $0x2800, $0x38;
	[tilespmem:$0x13700] =	vst v63  }
0x53: {  	_ =	swait.ge [sflag:s18], $0x2800  }
0x54: {  	[sflag:s18] =	ssyncset.done $0x0  }
0x55: {  	[sflag:s18] =	ssyncadd.s32 $0xFFFFD800  }
0x56: {  	[hbm4b:s13+s4] =	stream.linear.scatter [tilespmem:s17], [sflag:$0x2], $0x2800, $0x38;
	[tilespmem:$0x13700] =	vst v63  }
0x57: {  	_ =	swait.ge [sflag:s18], $0x2800  }
0x58: {  	[sflag:s18] =	ssyncset.done $0x0  }
0x59: {  	[sflag:s18] =	ssyncadd.s32 $0xFFFFD800  }
0x5a: {  	[tilespmem:s17], [sflag:$0x2] =	stream.linear.gather [spmem:s8], $0x2800, $0x38;
	[tilespmem:$0x13700] =	vst v63  }
0x5b: {  	_ =	swait.ge [sflag:s18], $0x2800  }
0x5c: {  	[sflag:s18] =	ssyncset.done $0x0  }
0x5d: {  	[sflag:s18] =	ssyncadd.s32 $0xFFFFD800  }
0x5e: {  	[hbm4b:s14+s4] =	stream.linear.scatter [tilespmem:s17], [sflag:$0x2], $0x2800, $0x38;
	[tilespmem:$0x13700] =	vst v63  }
0x5f: {  	_ =	swait.ge [sflag:s18], $0x2800  }
0x60: {  	[sflag:s18] =	ssyncset.done $0x0  }
0x61: {  	[sflag:s18] =	ssyncadd.s32 $0xFFFFD800  }
0x62: {  	[tilespmem:s17], [sflag:$0x2] =	stream.linear.gather [spmem:s9], $0x2800, $0x38;
	[tilespmem:$0x13700] =	vst v63  }
0x63: {  	s23 =	sadd.s32 $0x1, s23;
	_ =	swait.ge [sflag:s18], $0x2800  }
0x64: {  	p0 =	sne.s32 s23, s16;
	[sflag:s18] =	ssyncset.done $0x0  }
.Ltmp1:
0x65: {  	[sflag:s18] =	ssyncadd.s32 $0xFFFFD800;
	(pc) =	sbr.rel @p0 .LBB2_1-.Ltmp1, $4  }
0x66: {  	[hbm4b:s15+s4] =	stream.linear.scatter [tilespmem:s17], [sflag:$0x2], $0x2800, $0x38;
	[tilespmem:$0x13700] =	vst v63  }
0x67: {  	_ =	swait.ge [sflag:s18], $0x2800  }
0x68: {  	[sflag:s18] =	ssyncset.done $0x0  }
0x69: {  	[sflag:s18] =	ssyncadd.s32 $0xFFFFD800  }
0x6a: {  	_ =	sfence.sel $0x180000  }
0x6b: {  	[bflag:$0x0] =	sbarrier.arrive $0xFFFF  }
0x6c: {  	p0 =	sne.s32 s2, $0x0;
	_ =	strace $0x9000004D  }
0x6d: {  	s0 =	sadd.s32 @!p0 $0x100000, s1;
	[bflag:$0x2] =	sbarrier.arrive $0xFFFF  }
0x6e: {  	[sflag:s0] =	ssyncadd.tile.s32 @!p0 $0x1;
	_ =	shalt  }
.Lfunc_end2:
_tile_overlayer_lowered:
.L_overlay_start_2:
0x6f: {  	(tag) =	ssettag $0x2  }
0x70: {  	s0 =	rddreg [dreg:$0x0];
	s2 =	stileid.u32  }
0x71: {  	s1 =	rddreg [dreg:$0x1];
	p0 =	sne.s32 s2, $0x0  }
0x72: {  	s3 =	rddreg [dreg:$0x2];
	[bflag:$0x3] =	sbarrier.arrive $0xFFFF;
	s2 =	simm.s32 @!p0 $0x1C02  }
0x73: {  	[timem:s3], [sflag:s2] =	dma.local @!p0 [hbm:s0], s1  }
0x74: {  	s0 =	simm.s32 @!p0 $0x2  }
0x75: {  	_ =	swait.ge @!p0 [sflag:s0], s1  }
0x76: {  	s1 =	ssub.s32 @!p0 $0x0, s1;
	[sflag:s0] =	ssyncset.done @!p0 $0x0  }
0x77: {  	[sflag:s0] =	ssyncadd.s32 @!p0 s1  }
0x78: {  	[bflag:$0x3] =	sbarrier.arrive $0xFFFF  }
0x79: {  	_ =	shalt  }

// kernel: kernel.19.cloned.1.call-start
scs
__scs_entry_jumppad:
0x0: {  	(pc) =	sbr.rel $0x88, $3  }
0x1: {  	(tag) =	ssettag $0x0;
	lr =	simm.s32 $0x1  }
0x2: {  	[smem:$0x3F97] =	sst lr;
	_ =	strace $0xD0000000  }
0x3: {  	_ = 	snop  }
0x4: {  	_ = 	snop  }
0x5: {  	_ = 	snop  }
0x6: {  	_ = 	snop  }
0x7: {  	_ = 	snop  }
__scs_overlays_trampoline_lowered:
0x8: {  	[smem:$0x3FA6] =	sst s0  }
0x9: {  	[smem:$0x3FA7] =	sst s1  }
0xa: {  	[smem:$0x3FA8] =	sst s2  }
0xb: {  	[smem:$0x3FA9] =	sst s3  }
0xc: {  	[smem:$0x3FAA] =	sst s4  }
0xd: {  	[smem:$0x3FAB] =	sst s5  }
0xe: {  	[smem:$0x3FAC] =	sst s6  }
0xf: {  	[smem:$0x3FAD] =	sst s7  }
0x10: {  	[smem:$0x3FAE] =	sst s8  }
0x11: {  	[smem:$0x3FAF] =	sst s9;
	s0 =	simm.s32 @!p0 $0x0  }
0x12: {  	s1 =	sld [smem:$0x3F95];
	s0 =	simm.s32 @p0 $0x1  }
0x13: {  	[smem:$0x3FB0] =	sst s0;
	s0 =	simm.s32 @!p1 $0x0  }
0x14: {  	s2 =	sld [smem:$0x3F94];
	s0 =	simm.s32 @p1 $0x1  }
0x15: {  	[smem:$0x3FB1] =	sst s0;
	s0 =	simm.s32 @!p2 $0x0  }
0x16: {  	s3 =	sld [smem:$0x3FDB];
	s0 =	simm.s32 @p2 $0x1  }
0x17: {  	s4 =	simm.s32 $0x1BF5;
	[smem:$0x3FB3] =	sst s0  }
0x18: {  	s0 =	sld [smem:$0x3F96];
	_ =	swait.ge [sflag:s4], $0x0  }
0x19: {  	s7 =	sld [smem:$0x3F97]  }
0x1a: {  	s8 =	sadd.s32 $0xFFFFE003, lr  }
0x1b: {  	s9 =	sadd.s32 $0xFFFFFEF7, lr;
	s5 =	simm.s32 $0xFFFFFFFF;
	p2 =	slt.u32 s8, $0xFFFFF086  }
0x1c: {  	p1 =	slt.u32 s9, $0xF7A;
	s5 =	simm.s32 @!p2 $0x0  }
0x1d: {  	s5 =	simm.s32 @p1 $0x1;
	p0 =	seq.s32 s7, s2  }
0x1e: {  	s7 =	smul.u32 @!p0 $0xF7A, s2;
	p2 =	seq.s32 @!p0 s5, $0x0  }
0x1f: {  	s9 =	smul.u32 $0xF7A, s1;
	s8 =	simm.s32 @!p0 $0x1BF5;
	p2 =	por !p2, p0  }
0x20: {  	[sflag:s8] =	ssyncset.s32 @!p0 $0xFFFFF086;
	s6 =	sadd.s32 @!p0 s3, s7;
	s7 =	simm.s32 @!p0 $0x108  }
0x21: {  	s3 =	sadd.s32 s3, s9;
	s6 =	sadd.s32 @!p0 $0x88, s6;
	s7 =	simm.s32 @p2 $0x1082  }
0x22: {  	[simem:s7], [sflag:s8] =	dma.local @!p0 [hbm:s6], $0xF7A  }
0x23: {  	s9 =	sor.u32 $0xD0000000, s2;
	s6 =	simm.s32 $0x108;
	_ =	swait.ge @!p0 [sflag:s8], $0x0  }
0x24: {  	s3 =	sadd.s32 $0x88, s3;
	s6 =	simm.s32 @!p1 $0x1082;
	[sflag:s4] =	ssyncset.s32 $0xFFFFF086  }
0x25: {  	[simem:s6], [sflag:s4] =	dma.local [hbm:s3], $0xF7A  }
0x26: {  	[smem:$0x3F97] =	sst s1;
	(tag) =	ssettag s2;
	_ =	strace s9  }
0x27: {  	s1 =	sld [smem:$0x3FA7]  }
0x28: {  	s2 =	sld [smem:$0x3FA8]  }
0x29: {  	s4 =	sld [smem:$0x3FAA]  }
0x2a: {  	p0 =	seq.s32 s5, $0x0;
	s5 =	sld [smem:$0x3FAB]  }
0x2b: {  	s6 =	sld [smem:$0x3FAC]  }
0x2c: {  	s7 =	sld [smem:$0x3FAD]  }
0x2d: {  	s3 =	simm.s32 $0x108;
	s8 =	sld [smem:$0x3FAE]  }
0x2e: {  	s3 =	simm.s32 @!p0 $0x1082;
	s9 =	sld [smem:$0x3FAF]  }
0x2f: {  	lr =	sadd.s32 s0, s3;
	s0 =	sld [smem:$0x3FA6]  }
0x30: {  	s3 =	sld [smem:$0x3FA9]  }
0x31: {  	[smem:$0x3FB2] =	sst s10  }
0x32: {  	s10 =	sld [smem:$0x3FB0];
	_ =	sdelay $0x3  }
0x33: {  	p0 =	seq.s32 s10, $0x1;
	s10 =	sld [smem:$0x3FB2];
	_ =	sdelay $0x3  }
0x34: {  	[smem:$0x3FB2] =	sst s10  }
0x35: {  	s10 =	sld [smem:$0x3FB1];
	_ =	sdelay $0x3  }
0x36: {  	p1 =	seq.s32 s10, $0x1;
	s10 =	sld [smem:$0x3FB2];
	_ =	sdelay $0x3  }
0x37: {  	[smem:$0x3FB2] =	sst s10  }
0x38: {  	s10 =	sld [smem:$0x3FB3]  }
0x39: {  	_ = 	snop;
	(pc) =	sbr.ind lr, $3  }
0x3a: {  	_ = 	snop  }
0x3b: {  	_ = 	snop  }
0x3c: {  	p2 =	seq.s32 s10, $0x1;
	s10 =	sld [smem:$0x3FB2]  }
0x3d: {  	_ =	shalt  }
0x3e: {  	_ =	shalt  }
0x3f: {  	_ =	shalt  }
0x40: {  	_ =	shalt  }
0x41: {  	_ =	shalt  }
0x42: {  	_ =	shalt  }
0x43: {  	_ =	shalt  }
0x44: {  	_ =	shalt  }
0x45: {  	_ =	shalt  }
0x46: {  	_ =	shalt  }
0x47: {  	_ =	shalt  }
0x48: {  	_ =	shalt  }
0x49: {  	_ =	shalt  }
0x4a: {  	_ =	shalt  }
0x4b: {  	_ =	shalt  }
0x4c: {  	_ =	shalt  }
0x4d: {  	_ =	shalt  }
0x4e: {  	_ =	shalt  }
0x4f: {  	_ =	shalt  }
0x50: {  	_ =	shalt  }
0x51: {  	_ =	shalt  }
0x52: {  	_ =	shalt  }
0x53: {  	_ =	shalt  }
0x54: {  	_ =	shalt  }
0x55: {  	_ =	shalt  }
0x56: {  	_ =	shalt  }
0x57: {  	_ =	shalt  }
0x58: {  	_ =	shalt  }
0x59: {  	_ =	shalt  }
0x5a: {  	_ =	shalt  }
0x5b: {  	_ =	shalt  }
0x5c: {  	_ =	shalt  }
0x5d: {  	_ =	shalt  }
0x5e: {  	_ =	shalt  }
0x5f: {  	_ =	shalt  }
0x60: {  	_ =	shalt  }
0x61: {  	_ =	shalt  }
0x62: {  	_ =	shalt  }
0x63: {  	_ =	shalt  }
0x64: {  	_ =	shalt  }
0x65: {  	_ =	shalt  }
0x66: {  	_ =	shalt  }
0x67: {  	_ =	shalt  }
0x68: {  	_ =	shalt  }
0x69: {  	_ =	shalt  }
0x6a: {  	_ =	shalt  }
0x6b: {  	_ =	shalt  }
0x6c: {  	_ =	shalt  }
0x6d: {  	_ =	shalt  }
0x6e: {  	_ =	shalt  }
0x6f: {  	_ =	shalt  }
0x70: {  	_ =	shalt  }
0x71: {  	_ =	shalt  }
0x72: {  	_ =	shalt  }
0x73: {  	_ =	shalt  }
0x74: {  	_ =	shalt  }
0x75: {  	_ =	shalt  }
0x76: {  	_ =	shalt  }
0x77: {  	_ =	shalt  }
0x78: {  	_ =	shalt  }
0x79: {  	_ =	shalt  }
0x7a: {  	_ =	shalt  }
0x7b: {  	_ =	shalt  }
0x7c: {  	_ =	shalt  }
0x7d: {  	_ =	shalt  }
0x7e: {  	_ =	shalt  }
0x7f: {  	_ =	shalt  }
0x80: {  	_ =	shalt  }
0x81: {  	_ =	shalt  }
0x82: {  	_ =	shalt  }
0x83: {  	_ =	shalt  }
0x84: {  	_ =	shalt  }
0x85: {  	_ =	shalt  }
0x86: {  	_ =	shalt  }
0x87: {  	_ =	shalt  }
.Lfunc_end0:
.L_simem_size_0:
called_computation.3_lowered:
.L_overlay_start_0:
0x88: {  	s2 =	sld [smem:$0x3FD9]  }
0x89: {  	s3 =	sld [smem:$0x3FFE];
	_ =	sdelay $0x1  }
0x8a: {  	s1 =	srdreg.scid  }
0x8b: {  	s0 =	sand.u32 $0x1, s1  }
0x8c: {  	s17 =	sshll.u32 s0, $0xA;
	s2 =	sadd.s32 s3, s2  }
0x8d: {  	s2 =	sadd.s32 s2, s17  }
0x8e: {  	[smem:$0x3FBE] =	sst s2  }
0x8f: {  	_ = 	snop  }
0x90: {  	s2 =	sld [smem:$0x3FD0];
	(tm) =	ssettm $0x1  }
0x91: {  	s18 =	sld [smem:$0x3FFB];
	_ =	sdelay $0x3  }
0x92: {  	_ =	strace s18  }
0x93: {  	s3 =	sld [smem:$0x3FFC];
	_ =	sdelay $0x3  }
0x94: {  	_ =	strace s3  }
0x95: {  	s3 =	sld [smem:$0x3FFD];
	_ =	sdelay $0x3  }
0x96: {  	_ =	strace s3  }
0x97: {  	_ =	strace $0x8FFFFFFF  }
0x98: {  	s19 =	sld [smem:$0x3FDB];
	_ =	sdelay $0x1  }
0x99: {  	s4 =	simm.s32 $_scs_section_size  }
0x9a: {  	s5 =	simm.s32 $_size__tile_overlayer_lowered;
	s6 =	simm.s32 $_tile_overlayer_lowered  }
0x9b: {  	s22 =	simm.s32 $0x1BFF;
	s21 =	sshll.u32 s6, $0x1;
	s3 =	sadd.s32 s4, s19  }
0x9c: {  	s7 =	simm.s32 $0x0;
	s20 =	sshll.u32 s5, $0x1;
	s5 =	sadd.s32 s21, s3  }
0x9d: {  	[timem:s7], [sflag:s22] =	dma.local [hbm:s5], s20  }
0x9e: {  	_ =	swait.ge [sflag:s22], s20  }
0x9f: {  	s4 =	ssub.s32 $0x0, s20;
	[sflag:s22] =	ssyncset.done $0x0  }
0xa0: {  	[sflag:s22] =	ssyncadd.s32 s4;
	_ =	sdelay $0x1  }
0xa1: {  	s23 =	simm.s32 $0x1B8B  }
0xa2: {  	_ =	swait.ge [sflag:s23], $0x1  }
0xa3: {  	[sflag:s23] =	ssyncset.done $0x0  }
0xa4: {  	s25 =	simm.s32 $0x1B8E;
	s24 =	sld [smem:$0x3FFE];
	[sflag:s23] =	ssyncadd.s32 $0xFFFFFFFF  }
0xa5: {  	s26 =	simm.s32 $execute0_lowered;
	[smem:$0x3FD2] =	sst s25  }
0xa6: {  	s5 =	sshll.u32 s26, $0x1;
	_ =	strace $0x8000004F;
	[dreg:$0x1] =	wrdreg $0xFFFFFFFF  }
0xa7: {  	s28 =	simm.s32 $_size_execute0_lowered;
	s3 =	sadd.s32 s3, s5;
	[dreg:$0x0] =	wrdreg $0x0  }
0xa8: {  	s5 =	sshll.u32 s28, $0x1;
	[dreg:$0x2] =	wrdreg s3  }
0xa9: {  	[dreg:$0x3] =	wrdreg s5  }
0xaa: {  	[dreg:$0x4] =	wrdreg $0xC0  }
0xab: {  	_ =	task [dreg:s7], $0x5FFFF  }
0xac: {  	[dreg:$0x1] =	wrdreg $0xFFFFFFFF  }
0xad: {  	[dreg:$0x0] =	wrdreg $0x60  }
0xae: {  	[dreg:$0x2] =	wrdreg s2  }
0xaf: {  	[dreg:$0x3] =	wrdreg s24  }
0xb0: {  	[dreg:$0x4] =	wrdreg $0x97000  }
0xb1: {  	[dreg:$0x5] =	wrdreg $0x9  }
0xb2: {  	_ =	task.clear_ibuf [dreg:s7], $0x6FFFF;
	_ =	strace $0x9000004F  }
0xb3: {  	s29 =	simm.s32 $0x9;
	_ =	strace $0x80000051  }
0xb4: {  	_ =	swait.ge [sflag:s29], $0x1  }
0xb5: {  	[sflag:s29] =	ssyncadd.s32 $0xFFFFFFFF  }
0xb6: {  	_ =	strace $0x90000051  }
0xb7: {  	_ =	sfence  }
0xb8: {  	s30 =	sld [smem:$0x0];
	_ =	sdelay $0x2  }
0xb9: {  	s31 =	sshll.u32 s1, $0xD;
	s1 =	sshrl.u32 s1, $0x2  }
0xba: {  	s3 =	sand.u32 $0x4000, s31;
	s1 =	sadd.s32 s1, s30  }
0xbb: {  	s0 =	sor.u32 s3, s0;
	s1 =	sshll.u32 s1, $0x11  }
0xbc: {  	s0 =	sor.u32 s1, s0  }
0xbd: {  	s0 =	sadd.s32 $0x8F2B, s0  }
0xbe: {  	[sflag:s0] =	ssyncadd.remote.s32 $0x1  }
0xbf: {  	_ =	sfence.sel $0xFFFF  }
0xc0: {  	[dreg:$0x0] =	wrdreg $0xFFFFFFFF;
	(pc) =	sbr.abs _section_cstart, $3  }
0xc1: {  	[dreg:$0x1] =	wrdreg $0xFFFFFFFF  }
0xc2: {  	_ =	task.clear_ibuf [dreg:s7], $0x2FFFF;
	_ =	strace $0x9FFFFFFF  }
0xc3: {  	(tm) =	ssettm $0x7FFFFFFF  }
tec
execute0_lowered:
.L_overlay_start_1:
0x0: {  	(tag) =	ssettag $0x1  }
0x1: {  	s0 =	rddreg [dreg:$0x0]  }
0x2: {  	s1 =	srdreg.scid;
	s6 =	rddreg [dreg:$0x1]  }
0x3: {  	s3 =	rddreg [dreg:$0x2];
	s2 =	stileid.u32  }
0x4: {  	s4 =	simm.s32 $0x0;
	s19 =	simm.s32 $0x2780;
	s20 =	simm.s32 $0x80  }
0x5: {  	s21 =	simm.s32 $0x4F00;
	s7 =	sand.u32 $0x1, s1;
	s1 =	rddreg [dreg:$0x3]  }
0x6: {  	s22 =	simm.s32 $0x1;
	s23 =	simm.s32 $0x0;
	[smem:$0x7FF] =	sst s4  }
0x7: {  	s10 =	smul.u32 $0xA000, s2;
	s15 =	sadd.s32 $0x6CA00, s6;
	s5 =	sshll.u32 s7, $0x4  }
0x8: {  	_ =	strace $0x80000050;
	s8 =	ssub.s32 $0x2, s7;
	s14 =	smul.u32 $0xA0000, s7  }
0x9: {  	s5 =	sor.u32 s2, s5;
	s9 =	sshrl.u32 s8, $0x1;
	s13 =	sadd.s32 $0x2800, s10  }
0xa: {  	s17 =	sadd.s32 $0x5000, s10;
	s18 =	sadd.s32 $0x7800, s10;
	s5 =	smul.u32 $0x4F0, s5  }
0xb: {  	s16 =	ssub.s32 s8, s9;
	s7 =	sadd.s32 s13, s3;
	s8 =	sadd.s32 s17, s3  }
0xc: {  	s9 =	sadd.s32 s18, s3;
	s12 =	sadd.s32 s10, s14;
	s13 =	sadd.s32 s14, s13  }
0xd: {  	s17 =	sadd.s32 s14, s17;
	s18 =	sadd.s32 s14, s18;
	s12 =	sshrl.u32 s12, $0x3  }
0xe: {  	s13 =	sshrl.u32 s13, $0x3;
	s17 =	sshrl.u32 s17, $0x3;
	s31 =	sshrl.u32 s18, $0x3  }
0xf: {  	s16 =	smax.u32 s16, $0x1;
	s18 =	simm.s32 $0x2;
	s11 =	sadd.s32 s5, s6  }
0x10: {  	s5 =	sadd.s32 $0x6C400, s6;
	s6 =	sadd.s32 s10, s3;
	s12 =	sadd.s32 s15, s12  }
0x11: {  	s13 =	sadd.s32 s15, s13;
	s14 =	sadd.s32 s15, s17;
	s15 =	sadd.s32 s15, s31  }
0x12: {  	s17 =	simm.s32 $0x6F00;
	s10 =	sadd.s32 $0xD000, s11;
	s11 =	sadd.s32 $0x3200, s11  }
.LBB2_1:
0x13: {  	[tilespmem:s17], [sflag:$0x2] =	stream.linear.gather [hbm4b:s5+s4], $0x2800, $0x38;
	[tilespmem:$0x13700] =	vst v63  }
0x14: {  	_ =	swait.ge [sflag:s18], $0x2800  }
0x15: {  	[sflag:s18] =	ssyncset.done $0x0  }
0x16: {  	[sflag:s18] =	ssyncadd.s32 $0xFFFFD800  }
0x17: {  	[spmem:s6] =	stream.linear.scatter [tilespmem:s17], [sflag:$0x2], $0x2800, $0x38;
	[tilespmem:$0x13700] =	vst v63  }
0x18: {  	_ =	swait.ge [sflag:s18], $0x2800  }
0x19: {  	[sflag:s18] =	ssyncset.done $0x0  }
0x1a: {  	[sflag:s18] =	ssyncadd.s32 $0xFFFFD800  }
0x1b: {  	[spmem:s7] =	stream.linear.scatter [tilespmem:s17], [sflag:$0x2], $0x2800, $0x38;
	[tilespmem:$0x13700] =	vst v63  }
0x1c: {  	_ =	swait.ge [sflag:s18], $0x2800  }
0x1d: {  	[sflag:s18] =	ssyncset.done $0x0  }
0x1e: {  	[sflag:s18] =	ssyncadd.s32 $0xFFFFD800  }
0x1f: {  	[spmem:s8] =	stream.linear.scatter [tilespmem:s17], [sflag:$0x2], $0x2800, $0x38;
	[tilespmem:$0x13700] =	vst v63  }
0x20: {  	_ =	swait.ge [sflag:s18], $0x2800  }
0x21: {  	[sflag:s18] =	ssyncset.done $0x0  }
0x22: {  	[sflag:s18] =	ssyncadd.s32 $0xFFFFD800  }
0x23: {  	[spmem:s9] =	stream.linear.scatter [tilespmem:s17], [sflag:$0x2], $0x2800, $0x38;
	[tilespmem:$0x13700] =	vst v63  }
0x24: {  	_ =	swait.ge [sflag:s18], $0x2800  }
0x25: {  	[sflag:s18] =	ssyncset.done $0x0  }
0x26: {  	[sflag:s18] =	ssyncadd.s32 $0xFFFFD800  }
0x27: {  	[tilespmem:s4], [sflag:$0x2] =	stream.linear.gather [hbm4b:s10+s4], $0x2780, $0x38;
	[tilespmem:$0x13700] =	vst v63  }
0x28: {  	_ =	swait.ge [sflag:s18], $0x2780  }
0x29: {  	[sflag:s18] =	ssyncset.done $0x0  }
0x2a: {  	[sflag:s18] =	ssyncadd.s32 $0xFFFFD880  }
0x2b: {  	[tilespmem:s19], [sflag:$0x2] =	stream.linear.gather [hbm4b:s11+s4], $0x2780, $0x38;
	[tilespmem:$0x13700] =	vst v63  }
0x2c: {  	_ =	swait.ge [sflag:s18], $0x2780  }
0x2d: {  	[sflag:s18] =	ssyncset.done $0x0  }
0x2e: {  	[sflag:s18] =	ssyncadd.s32 $0xFFFFD880  }
0x2f: {  	s24 =	simm.s32 $0x0;
	[bflag:$0x0] =	sbarrier.arrive $0xFFFF  }
0x30: {  	[tilespmem:s21], [sflag:$0x1] =	stream.indirect.gather [hbm4b:s0+s20], $0x40, s24, s20, $0xb8;
	[tilespmem:$0x13700] =	vst v63  }
0x31: {  	_ =	swait.ge [sflag:s22], $0x2000  }
0x32: {  	[sflag:s22] =	ssyncset.done $0x0  }
0x33: {  	s31 =	simm.s32 $0x2780;
	[sflag:s22] =	ssyncadd.s32 $0xFFFFE000  }
0x34: {  	[spmem:s3] =	stream.indirect.scatter.add.f32 [tilespmem:s21], [sflag:$0x2], $0x40, s31, s20, $0xb8;
	[tilespmem:$0x13700] =	vst v63  }
0x35: {  	_ =	swait.ge [sflag:s18], $0x2000  }
0x36: {  	s25 =	simm.s32 $0x400;
	s24 =	simm.s32 $0x200;
	[sflag:s18] =	ssyncset.done $0x0  }
.LBB2_2:
0x37: {  	s26 =	sshra.s32 s24, $0x2  }
0x38: {  	[sflag:s18] =	ssyncadd.s32 $0xFFFFE000;
	s24 =	smov.u32 s25;
	s28 =	sadd.s32 $0x200, s25  }
0x39: {  	[tilespmem:s21], [sflag:$0x1] =	stream.indirect.gather [hbm4b:s0+s20], $0x40, s26, s20, $0xb8;
	[tilespmem:$0x13700] =	vst v63  }
0x3a: {  	p0 =	sne.s32 s25, $0x9C00;
	_ =	swait.ge [sflag:s22], $0x2000  }
.Ltmp0:
0x3b: {  	[sflag:s22] =	ssyncset.done $0x0;
	(pc) =	sbr.rel @p0 .LBB2_2-.Ltmp0, $4  }
0x3c: {  	s25 =	sadd.s32 $0x2780, s26;
	[sflag:s22] =	ssyncadd.s32 $0xFFFFE000  }
0x3d: {  	[spmem:s3] =	stream.indirect.scatter.add.f32 [tilespmem:s21], [sflag:$0x2], $0x40, s25, s20, $0xb8;
	[tilespmem:$0x13700] =	vst v63  }
0x3e: {  	_ =	swait.ge [sflag:s18], $0x2000  }
0x3f: {  	s25 =	smov.u32 s28;
	[sflag:s18] =	ssyncset.done $0x0  }
0x40: {  	s24 =	sshra.s32 s24, $0x2;
	[sflag:s18] =	ssyncadd.s32 $0xFFFFE000  }
0x41: {  	[tilespmem:s21], [sflag:$0x1] =	stream.indirect.gather [hbm4b:s0+s20], $0x40, s24, s20, $0xb8;
	[tilespmem:$0x13700] =	vst v63  }
0x42: {  	_ =	swait.ge [sflag:s22], $0x2000  }
0x43: {  	[sflag:s22] =	ssyncset.done $0x0  }
0x44: {  	s24 =	sadd.s32 $0x2780, s24;
	[sflag:s22] =	ssyncadd.s32 $0xFFFFE000  }
0x45: {  	[spmem:s3] =	stream.indirect.scatter.add.f32 [tilespmem:s21], [sflag:$0x2], $0x40, s24, s20, $0xb8;
	[tilespmem:$0x13700] =	vst v63  }
0x46: {  	_ =	swait.ge [sflag:s18], $0x2000  }
0x47: {  	[sflag:s18] =	ssyncset.done $0x0  }
0x48: {  	[sflag:s18] =	ssyncadd.s32 $0xFFFFE000  }
0x49: {  	[bflag:$0x0] =	sbarrier.arrive $0xFFFF  }
0x4a: {  	[tilespmem:s17], [sflag:$0x2] =	stream.linear.gather [spmem:s6], $0x2800, $0x38;
	[tilespmem:$0x13700] =	vst v63  }
0x4b: {  	_ =	swait.ge [sflag:s18], $0x2800  }
0x4c: {  	[sflag:s18] =	ssyncset.done $0x0  }
0x4d: {  	[sflag:s18] =	ssyncadd.s32 $0xFFFFD800  }
0x4e: {  	[hbm4b:s12+s4] =	stream.linear.scatter [tilespmem:s17], [sflag:$0x2], $0x2800, $0x38;
	[tilespmem:$0x13700] =	vst v63  }
0x4f: {  	_ =	swait.ge [sflag:s18], $0x2800  }
0x50: {  	[sflag:s18] =	ssyncset.done $0x0  }
0x51: {  	[sflag:s18] =	ssyncadd.s32 $0xFFFFD800  }
0x52: {  	[tilespmem:s17], [sflag:$0x2] =	stream.linear.gather [spmem:s7], $0x2800, $0x38;
	[tilespmem:$0x13700] =	vst v63  }
0x53: {  	_ =	swait.ge [sflag:s18], $0x2800  }
0x54: {  	[sflag:s18] =	ssyncset.done $0x0  }
0x55: {  	[sflag:s18] =	ssyncadd.s32 $0xFFFFD800  }
0x56: {  	[hbm4b:s13+s4] =	stream.linear.scatter [tilespmem:s17], [sflag:$0x2], $0x2800, $0x38;
	[tilespmem:$0x13700] =	vst v63  }
0x57: {  	_ =	swait.ge [sflag:s18], $0x2800  }
0x58: {  	[sflag:s18] =	ssyncset.done $0x0  }
0x59: {  	[sflag:s18] =	ssyncadd.s32 $0xFFFFD800  }
0x5a: {  	[tilespmem:s17], [sflag:$0x2] =	stream.linear.gather [spmem:s8], $0x2800, $0x38;
	[tilespmem:$0x13700] =	vst v63  }
0x5b: {  	_ =	swait.ge [sflag:s18], $0x2800  }
0x5c: {  	[sflag:s18] =	ssyncset.done $0x0  }
0x5d: {  	[sflag:s18] =	ssyncadd.s32 $0xFFFFD800  }
0x5e: {  	[hbm4b:s14+s4] =	stream.linear.scatter [tilespmem:s17], [sflag:$0x2], $0x2800, $0x38;
	[tilespmem:$0x13700] =	vst v63  }
0x5f: {  	_ =	swait.ge [sflag:s18], $0x2800  }
0x60: {  	[sflag:s18] =	ssyncset.done $0x0  }
0x61: {  	[sflag:s18] =	ssyncadd.s32 $0xFFFFD800  }
0x62: {  	[tilespmem:s17], [sflag:$0x2] =	stream.linear.gather [spmem:s9], $0x2800, $0x38;
	[tilespmem:$0x13700] =	vst v63  }
0x63: {  	s23 =	sadd.s32 $0x1, s23;
	_ =	swait.ge [sflag:s18], $0x2800  }
0x64: {  	p0 =	sne.s32 s23, s16;
	[sflag:s18] =	ssyncset.done $0x0  }
.Ltmp1:
0x65: {  	[sflag:s18] =	ssyncadd.s32 $0xFFFFD800;
	(pc) =	sbr.rel @p0 .LBB2_1-.Ltmp1, $4  }
0x66: {  	[hbm4b:s15+s4] =	stream.linear.scatter [tilespmem:s17], [sflag:$0x2], $0x2800, $0x38;
	[tilespmem:$0x13700] =	vst v63  }
0x67: {  	_ =	swait.ge [sflag:s18], $0x2800  }
0x68: {  	[sflag:s18] =	ssyncset.done $0x0  }
0x69: {  	[sflag:s18] =	ssyncadd.s32 $0xFFFFD800  }
0x6a: {  	_ =	sfence.sel $0x180000  }
0x6b: {  	[bflag:$0x0] =	sbarrier.arrive $0xFFFF  }
0x6c: {  	p0 =	sne.s32 s2, $0x0;
	_ =	strace $0x90000050  }
0x6d: {  	s0 =	sadd.s32 @!p0 $0x100000, s1;
	[bflag:$0x2] =	sbarrier.arrive $0xFFFF  }
0x6e: {  	[sflag:s0] =	ssyncadd.tile.s32 @!p0 $0x1;
	_ =	shalt  }
.Lfunc_end2:
_tile_overlayer_lowered:
.L_overlay_start_2:
0x6f: {  	(tag) =	ssettag $0x2  }
0x70: {  	s0 =	rddreg [dreg:$0x0];
	s2 =	stileid.u32  }
0x71: {  	s1 =	rddreg [dreg:$0x1];
	p0 =	sne.s32 s2, $0x0  }
0x72: {  	s3 =	rddreg [dreg:$0x2];
	[bflag:$0x3] =	sbarrier.arrive $0xFFFF;
	s2 =	simm.s32 @!p0 $0x1C02  }
0x73: {  	[timem:s3], [sflag:s2] =	dma.local @!p0 [hbm:s0], s1  }
0x74: {  	s0 =	simm.s32 @!p0 $0x2  }
0x75: {  	_ =	swait.ge @!p0 [sflag:s0], s1  }
0x76: {  	s1 =	ssub.s32 @!p0 $0x0, s1;
	[sflag:s0] =	ssyncset.done @!p0 $0x0  }
0x77: {  	[sflag:s0] =	ssyncadd.s32 @!p0 s1  }
0x78: {  	[bflag:$0x3] =	sbarrier.arrive $0xFFFF  }
0x79: {  	_ =	shalt  }

</sc_bundles>
